<compile_context>
chip_gen: v7x
topology: tpu7x:2x2x1
jax: 0.10.2.dev20260603
libtpu: 0.0.44.dev20260713+nightly
codegen_flags: <defaults>
</compile_context>

<pallas_src>
import functools

import jax
import jax.numpy as jnp
from jax import lax
from jax.experimental import pallas as pl
from jax.experimental.pallas import tpu as pltpu
from jax.experimental.pallas import tpu_sc as plsc

N = 10000
E = 160000
DF = 128
DE = 16
H0, H1, H2 = 16, 64, 64

NC, NS = 2, 16
NW = NC * NS
C = 128
CPW = 40
EP = NW * CPW * C
NR = 10240
RPT = NR // NS
C5 = 64
CPW5 = EP // (NW * C5)



def _mm(a, b):
    return jnp.matmul(a, b, precision=lax.Precision.HIGHEST)


def _mmd(a, b):
    return jnp.matmul(a.astype(jnp.bfloat16), b.astype(jnp.bfloat16),
                      preferred_element_type=jnp.float32)


def _bf(a):
    return a.astype(jnp.bfloat16).astype(jnp.float32)

def _sc_mesh():
    return plsc.VectorSubcoreMesh(core_axis_name="c", subcore_axis_name="s")


def _gather_xs(x, src3):
    @functools.partial(
        pl.kernel,
        out_type=jax.ShapeDtypeStruct((EP, DF), jnp.float32),
        mesh=_sc_mesh(),
        scratch_types=[
            pltpu.VMEM((CPW, 1, C), jnp.int32),
            pltpu.VMEM((C, DF), jnp.float32),
            pltpu.VMEM((C, DF), jnp.float32),
            pltpu.SemaphoreType.DMA,
            pltpu.SemaphoreType.DMA,
            pltpu.SemaphoreType.DMA,
            pltpu.SemaphoreType.DMA,
        ],
    )
    def k(x_hbm, src_hbm, out_hbm, idx_all, rows_a, rows_b,
          gsem_a, gsem_b, wsem_a, wsem_b):
        wid = lax.axis_index("c") * NS + lax.axis_index("s")
        pltpu.sync_copy(src_hbm.at[wid], idx_all)

        def issue_g(ci, rows_v, gsem):
            pltpu.async_copy(x_hbm.at[idx_all.at[ci, 0]], rows_v, gsem)

        def drain_g(rows_v, gsem):
            pltpu.make_async_copy(x_hbm.at[pl.ds(0, C)], rows_v, gsem).wait()

        def start_w(ci, rows_v, wsem):
            base = (wid * CPW + ci) * C
            pltpu.async_copy(rows_v, out_hbm.at[pl.ds(base, C)], wsem)

        def drain_w(rows_v, wsem):
            pltpu.make_async_copy(rows_v, out_hbm.at[pl.ds(0, C)], wsem).wait()

        issue_g(0, rows_a, gsem_a)

        def pair(j, carry):
            @pl.when(j > 0)
            def _():
                drain_w(rows_b, wsem_b)

            issue_g(2 * j + 1, rows_b, gsem_b)
            drain_g(rows_a, gsem_a)
            start_w(2 * j, rows_a, wsem_a)

            @pl.when(j < CPW // 2 - 1)
            def _():
                drain_w(rows_a, wsem_a)
                issue_g(2 * j + 2, rows_a, gsem_a)

            drain_g(rows_b, gsem_b)
            start_w(2 * j + 1, rows_b, wsem_b)
            return carry

        lax.fori_loop(0, CPW // 2, pair, 0)
        drain_w(rows_a, wsem_a)
        drain_w(rows_b, wsem_b)

    return k(x, src3)


def _edge_msg(eap, xs, W1, b1, W2, b2, W3q, b3q, S):
    BE = 512
    nblk = EP // BE

    def body(ea_ref, xs_ref, W1r, b1r, W2r, b2r, W3r, b3r, S_r, msg_ref):
        h = jnp.maximum(_mmd(ea_ref[...], W1r[...]) + b1r[...], 0.0)
        h = jnp.maximum(_mmd(h, W2r[...]) + b2r[...], 0.0)
        w = _mmd(h, W3r[...]) + b3r[...]
        xsb = _bf(xs_ref[...])
        wb = _bf(w)
        cols = [
            jnp.sum(wb[:, o * DF:(o + 1) * DF] * xsb, axis=1, keepdims=True)
            for o in range(H0)
        ]
        cols.append(jnp.zeros((BE, DF - H0), jnp.float32))
        msg_ref[...] = jnp.concatenate(cols, axis=1)

    full = lambda a: pl.BlockSpec(a.shape, lambda i: (0,) * a.ndim)
    return pl.pallas_call(
        body,
        grid=(nblk,),
        in_specs=[
            pl.BlockSpec((BE, DE), lambda i: (i, 0)),
            pl.BlockSpec((BE, DF), lambda i: (i, 0)),
            full(W1), full(b1), full(W2), full(b2), full(W3q), full(b3q),
            full(S),
        ],
        out_specs=pl.BlockSpec((BE, DF), lambda i: (i, 0)),
        out_shape=jax.ShapeDtypeStruct((EP, DF), jnp.float32),
    )(eap, xs, W1, b1, W2, b2, W3q, b3q, S)


def _scatter_msg(msg, dst3, zeros128):
    @functools.partial(
        pl.kernel,
        out_type=jax.ShapeDtypeStruct((NC, NR, DF), jnp.float32),
        mesh=_sc_mesh(),
        scratch_types=[
            pltpu.VMEM((CPW, 1, C), jnp.int32),
            pltpu.VMEM((C, DF), jnp.float32),
            pltpu.VMEM((C, DF), jnp.float32),
            pltpu.SemaphoreType.DMA,
            pltpu.SemaphoreType.DMA,
            pltpu.VMEM_SHARED((NR, DF), jnp.float32),
        ],
    )
    def k(msg_hbm, dst_hbm, zero_hbm, out_hbm, idx_all, rows_a, rows_b,
          gsem_a, gsem_b, acc):
        c = lax.axis_index("c")
        s = lax.axis_index("s")
        wid = c * NS + s
        pltpu.sync_copy(dst_hbm.at[wid], idx_all)
        pltpu.sync_copy(zero_hbm.at[pl.ds(s * RPT, RPT)],
                        acc.at[pl.ds(s * RPT, RPT)])
        plsc.subcore_barrier()

        def issue_g(ci, rows_v, gsem):
            base = (wid * CPW + ci) * C
            pltpu.async_copy(msg_hbm.at[pl.ds(base, C)], rows_v, gsem)

        def drain_g(rows_v, gsem):
            pltpu.make_async_copy(msg_hbm.at[pl.ds(0, C)], rows_v, gsem).wait()

        issue_g(0, rows_a, gsem_a)

        def pair(j, carry):
            issue_g(2 * j + 1, rows_b, gsem_b)
            drain_g(rows_a, gsem_a)
            pltpu.sync_copy(rows_a, acc.at[idx_all.at[2 * j, 0]], add=True)

            @pl.when(j < CPW // 2 - 1)
            def _():
                issue_g(2 * j + 2, rows_a, gsem_a)

            drain_g(rows_b, gsem_b)
            pltpu.sync_copy(rows_b, acc.at[idx_all.at[2 * j + 1, 0]], add=True)
            return carry

        lax.fori_loop(0, CPW // 2, pair, 0)
        plsc.subcore_barrier()
        pltpu.sync_copy(acc.at[pl.ds(s * RPT, RPT)],
                        out_hbm.at[c, pl.ds(s * RPT, RPT)])

    return k(msg, dst3, zeros128)


def _gat_edges(xps, edt, sd4, zeros128):
    @functools.partial(
        pl.kernel,
        out_type=jax.ShapeDtypeStruct((NC, NR, DF), jnp.float32),
        mesh=_sc_mesh(),
        scratch_types=[
            pltpu.VMEM((2, C5), jnp.int32),
            pltpu.VMEM((2, C5), jnp.int32),
            pltpu.VMEM((C5, DF), jnp.float32),
            pltpu.VMEM((C5, DF), jnp.float32),
            pltpu.VMEM((C5, DF), jnp.float32),
            pltpu.VMEM((C5, DF), jnp.float32),
            pltpu.SemaphoreType.DMA,
            pltpu.SemaphoreType.DMA,
            pltpu.VMEM_SHARED((NR, DF), jnp.float32),
        ],
    )
    def k(xps_hbm, edt_hbm, sd_hbm, zero_hbm, out_hbm,
          sdidx_a, sdidx_b, rows_a, ed_a, rows_b, ed_b,
          sem_a, sem_b, acc):
        c = lax.axis_index("c")
        s = lax.axis_index("s")
        wid = c * NS + s
        pltpu.sync_copy(zero_hbm.at[pl.ds(s * RPT, RPT)],
                        acc.at[pl.ds(s * RPT, RPT)])
        plsc.subcore_barrier()

        def issue(ci, sdidx_v, rows_v, ed_v, sem):
            pltpu.sync_copy(sd_hbm.at[wid, ci], sdidx_v)
            pltpu.async_copy(xps_hbm.at[sdidx_v.at[0]], rows_v, sem)
            pltpu.async_copy(edt_hbm.at[sdidx_v.at[1]], ed_v, sem)

        def drain(rows_v, ed_v, sem):
            pltpu.make_async_copy(xps_hbm.at[pl.ds(0, C5)], rows_v, sem).wait()
            pltpu.make_async_copy(edt_hbm.at[pl.ds(0, C5)], ed_v, sem).wait()

        def process(sdidx_v, rows_v, ed_v):
            def edge(e, ec):
                t = rows_v[e, pl.ds(H1, 16)] + ed_v[e, pl.ds(0, 16)]
                al = jnp.exp(jnp.maximum(t, 0.2 * t))
                for c4 in range(H1 // 16):
                    sl = pl.ds(c4 * 16, 16)
                    rows_v[e, sl] = rows_v[e, sl] * al
                rows_v[e, pl.ds(H1, 16)] = al
                return ec

            lax.fori_loop(0, C5, edge, 0)
            pltpu.sync_copy(rows_v, acc.at[sdidx_v.at[1]], add=True)

        issue(0, sdidx_a, rows_a, ed_a, sem_a)

        def pair(j, carry):
            issue(2 * j + 1, sdidx_b, rows_b, ed_b, sem_b)
            drain(rows_a, ed_a, sem_a)
            process(sdidx_a, rows_a, ed_a)

            @pl.when(j < CPW5 // 2 - 1)
            def _():
                issue(2 * j + 2, sdidx_a, rows_a, ed_a, sem_a)

            drain(rows_b, ed_b, sem_b)
            process(sdidx_b, rows_b, ed_b)
            return carry

        lax.fori_loop(0, CPW5 // 2, pair, 0)
        plsc.subcore_barrier()
        pltpu.sync_copy(acc.at[pl.ds(s * RPT, RPT)],
                        out_hbm.at[c, pl.ds(s * RPT, RPT)])

    return k(xps, edt, sd4, zeros128)


def _bn(t, g, b):
    mu = jnp.mean(t, axis=0, keepdims=True)
    var = jnp.mean((t - mu) * (t - mu), axis=0, keepdims=True)
    return (t - mu) / jnp.sqrt(var + 1e-5) * g + b


def _gat_tables(h, gW, gas, gad):
    xp = _mmd(h, gW)
    es = _mmd(xp, gas)
    ed = _mmd(xp, gad)
    xps = jnp.concatenate([xp, jnp.broadcast_to(es, (N, 16)),
                           jnp.zeros((N, 48), jnp.float32)], axis=1)
    edt = jnp.concatenate([jnp.broadcast_to(ed, (N, 16)),
                           jnp.zeros((N, 112), jnp.float32)], axis=1)
    return xps, edt


def _node1(x, accp, root, nbias, bg, bb, gW, gas, gad):
    def body(x_ref, acc_ref, root_r, nb_r, bg_r, bb_r, gW_r, gas_r, gad_r,
             xps_ref, edt_ref):
        agg = acc_ref[0] + acc_ref[1]
        t = _mmd(x_ref[...], root_r[...]) + agg + nb_r[...]
        h1 = jnp.maximum(_bn(t, bg_r[...], bb_r[...]), 0.0)
        xps, edt = _gat_tables(h1, gW_r[...], gas_r[...], gad_r[...])
        xps_ref[...] = xps
        edt_ref[...] = edt

    return pl.pallas_call(
        body,
        out_shape=(jax.ShapeDtypeStruct((N, DF), jnp.float32),
                   jax.ShapeDtypeStruct((N, DF), jnp.float32)),
    )(x, accp, root, nbias, bg, bb, gW, gas, gad)


def _gat_combine(acc_ref, xps_ref, edt_ref, gb):
    num = acc_ref[0, :, :H1] + acc_ref[1, :, :H1]
    den = acc_ref[0, :, H1:H1 + 1] + acc_ref[1, :, H1:H1 + 1]
    xp = xps_ref[:, :H1]
    t = xps_ref[:, H1:H1 + 1] + edt_ref[:, 0:1]
    al = jnp.exp(jnp.maximum(t, 0.2 * t))
    num = num + al * xp
    den = den + al
    return num / (den + 1e-16) + gb


def _node2(acc, xps1, edt1, g1b, bg, bb, gW, gas, gad):
    def body(acc_ref, xps_ref, edt_ref, g1b_r, bg_r, bb_r, gW_r, gas_r,
             gad_r, xps2_ref, edt2_ref):
        o = _gat_combine(acc_ref, xps_ref, edt_ref, g1b_r[...])
        h2 = jnp.maximum(_bn(o, bg_r[...], bb_r[...]), 0.0)
        xps, edt = _gat_tables(h2, gW_r[...], gas_r[...], gad_r[...])
        xps2_ref[...] = xps
        edt2_ref[...] = edt

    return pl.pallas_call(
        body,
        out_shape=(jax.ShapeDtypeStruct((N, DF), jnp.float32),
                   jax.ShapeDtypeStruct((N, DF), jnp.float32)),
    )(acc, xps1, edt1, g1b, bg, bb, gW, gas, gad)


def _head(acc, xps2, edt2, batch2d, g2b, bg, bb, fc1W, fc1b, bn1g, bn1b,
          fc2W, fc2b, bn2g, bn2b, fc3W, fc3b, ngraphs):
    def body(acc_ref, xps_ref, edt_ref, bat_ref, g2b_r, bg_r, bb_r,
             fc1W_r, fc1b_r, bn1g_r, bn1b_r, fc2W_r, fc2b_r, bn2g_r,
             bn2b_r, fc3W_r, fc3b_r, out_ref):
        o = _gat_combine(acc_ref, xps_ref, edt_ref, g2b_r[...])
        h3 = jnp.maximum(_bn(o, bg_r[...], bb_r[...]), 0.0)
        gid = lax.broadcasted_iota(jnp.int32, (ngraphs, N), 0)
        oh = (bat_ref[...] == gid).astype(jnp.float32)
        sums = _mm(oh, h3)
        cnt = jnp.sum(oh, axis=1, keepdims=True)
        g = sums / jnp.maximum(cnt, 1.0)
        g = jnp.maximum(
            _bn(_mmd(g, fc1W_r[...]) + fc1b_r[...], bn1g_r[...], bn1b_r[...]), 0.0)
        g = jnp.maximum(
            _bn(_mmd(g, fc2W_r[...]) + fc2b_r[...], bn2g_r[...], bn2b_r[...]), 0.0)
        out_ref[...] = _mmd(g, fc3W_r[...]) + fc3b_r[...]

    return pl.pallas_call(
        body,
        out_shape=jax.ShapeDtypeStruct((ngraphs, 64), jnp.float32),
    )(acc, xps2, edt2, batch2d, g2b, bg, bb, fc1W, fc1b, bn1g, bn1b,
      fc2W, fc2b, bn2g, bn2b, fc3W, fc3b)


def kernel(x, edge_index, edge_attr, batch, params):
    p = params
    src = edge_index[0]
    dst = edge_index[1]
    pad = EP - E
    srcp = jnp.concatenate([src, jnp.zeros((pad,), jnp.int32)])
    dstp = jnp.concatenate([dst, jnp.full((pad,), N, jnp.int32)])
    sd4 = jnp.stack([srcp.reshape(NW, CPW5, C5),
                     dstp.reshape(NW, CPW5, C5)], axis=2)
    src3 = srcp.reshape(NW, CPW, 1, C)
    dst3 = dstp.reshape(NW, CPW, 1, C)
    eap = jnp.concatenate([edge_attr, jnp.zeros((pad, DE), jnp.float32)])
    zeros128 = jnp.zeros((NR, DF), jnp.float32)
    batch2d = batch.reshape(1, N)

    r2 = lambda a: a.reshape(1, -1)
    W3q = p['emlp_W3'].reshape(64, DF, H0).transpose(0, 2, 1).reshape(64, DF * H0)
    b3q = p['emlp_b3'].reshape(DF, H0).T.reshape(1, DF * H0)

    S = (jnp.arange(DF * H0, dtype=jnp.int32)[:, None] // DF ==
         jnp.arange(H0, dtype=jnp.int32)[None, :]).astype(jnp.float32)
    xs = _gather_xs(x, src3)
    msg = _edge_msg(eap, xs, p['emlp_W1'], r2(p['emlp_b1']),
                    p['emlp_W2'], r2(p['emlp_b2']), W3q, b3q, S)
    acc0 = _scatter_msg(msg, dst3, zeros128)
    xps1, edt1 = _node1(x, acc0[:, :N, :H0], p['nn_root'], r2(p['nn_bias']),
                        r2(p['bng1_g']), r2(p['bng1_b']),
                        p['gat1_W'], p['gat1_as'].reshape(-1, 1),
                        p['gat1_ad'].reshape(-1, 1))
    acc1 = _gat_edges(xps1, edt1, sd4, zeros128)
    xps2, edt2 = _node2(acc1[:, :N, :80], xps1, edt1[:, :8], r2(p['gat1_b']),
                        r2(p['bng2_g']), r2(p['bng2_b']),
                        p['gat2_W'], p['gat2_as'].reshape(-1, 1),
                        p['gat2_ad'].reshape(-1, 1))
    acc2 = _gat_edges(xps2, edt2, sd4, zeros128)
    out = _head(acc2[:, :N, :80], xps2, edt2[:, :8], batch2d, r2(p['gat2_b']),
                r2(p['bng3_g']), r2(p['bng3_b']),
                p['fc1_W'], r2(p['fc1_b']), r2(p['bn1_g']), r2(p['bn1_b']),
                p['fc2_W'], r2(p['fc2_b']), r2(p['bn2_g']), r2(p['bn2_b']),
                p['fc3_W'], r2(p['fc3_b']), 64)
    return out

# --- scband reference (transcript-rebuilt; emitter-appended) ---
"""Pipeline reference for scband-gnn-embedder2-47854525612047 (READ-ONLY COPY).

The authoritative reference and input builder live on the scoring server;
editing this copy changes nothing except your own understanding.
"""

import jax, jax.numpy as jnp
import numpy as np

N_NODES = 10000
N_EDGES = 160000
D_FEAT = 128
D_EDGE = 16
N_GRAPHS = 64
HC = [16, 64, 64, 128, 128, 64]


def setup_inputs(seed: int = 0) -> dict:
    key = jax.random.key(seed)
    ks = jax.random.split(key, 32)
    x = jax.random.normal(ks[0], (N_NODES, D_FEAT), dtype=jnp.float32)
    edge_index = jax.random.randint(ks[1], (2, N_EDGES), 0, N_NODES, dtype=jnp.int32)
    edge_attr = jax.random.normal(ks[2], (N_EDGES, D_EDGE), dtype=jnp.float32)
    batch = jnp.sort(jax.random.randint(ks[3], (N_NODES,), 0, N_GRAPHS, dtype=jnp.int32))

    def _w(k, shape, s=0.1):
        return s * jax.random.normal(k, shape, dtype=jnp.float32)

    params = {
        'emlp_W1': _w(ks[4], (D_EDGE, 128)), 'emlp_b1': jnp.zeros((128,), jnp.float32),
        'emlp_W2': _w(ks[5], (128, 64)), 'emlp_b2': jnp.zeros((64,), jnp.float32),
        'emlp_W3': _w(ks[6], (64, D_FEAT * HC[0]), s=0.02), 'emlp_b3': jnp.zeros((D_FEAT * HC[0],), jnp.float32),
        'nn_root': _w(ks[7], (D_FEAT, HC[0])), 'nn_bias': jnp.zeros((HC[0],), jnp.float32),
        'gat1_W': _w(ks[8], (HC[0], HC[1])), 'gat1_as': _w(ks[9], (HC[1],)), 'gat1_ad': _w(ks[10], (HC[1],)), 'gat1_b': jnp.zeros((HC[1],), jnp.float32),
        'gat2_W': _w(ks[11], (HC[1], HC[2])), 'gat2_as': _w(ks[12], (HC[2],)), 'gat2_ad': _w(ks[13], (HC[2],)), 'gat2_b': jnp.zeros((HC[2],), jnp.float32),
        'bng1_g': jnp.ones((HC[0],), jnp.float32), 'bng1_b': jnp.zeros((HC[0],), jnp.float32),
        'bng2_g': jnp.ones((HC[1],), jnp.float32), 'bng2_b': jnp.zeros((HC[1],), jnp.float32),
        'bng3_g': jnp.ones((HC[2],), jnp.float32), 'bng3_b': jnp.zeros((HC[2],), jnp.float32),
        'fc1_W': _w(ks[14], (HC[2], HC[3])), 'fc1_b': jnp.zeros((HC[3],), jnp.float32),
        'fc2_W': _w(ks[15], (HC[3], HC[4])), 'fc2_b': jnp.zeros((HC[4],), jnp.float32),
        'fc3_W': _w(ks[16], (HC[4], HC[5])), 'fc3_b': jnp.zeros((HC[5],), jnp.float32),
        'bn1_g': jnp.ones((HC[3],), jnp.float32), 'bn1_b': jnp.zeros((HC[3],), jnp.float32),
        'bn2_g': jnp.ones((HC[4],), jnp.float32), 'bn2_b': jnp.zeros((HC[4],), jnp.float32),
    }
    return {'x': x, 'edge_index': edge_index, 'edge_attr': edge_attr, 'batch': batch, 'params': params}


def _bn(x, g, b):
    mu = jnp.mean(x, axis=0)
    var = jnp.var(x, axis=0)
    return (x - mu) / jnp.sqrt(var + 1e-5) * g + b


def _gat(x, src, dst, W, a_s, a_d, b, n):
    xp = x @ W
    es = xp @ a_s
    ed = xp @ a_d
    e = jax.nn.leaky_relu(es[src] + ed[dst], 0.2)
    m = jax.ops.segment_max(e, dst, num_segments=n)
    al = jnp.exp(e - m[dst])
    den = jax.ops.segment_sum(al, dst, num_segments=n)
    al = al / (den[dst] + 1e-16)
    return jax.ops.segment_sum(xp[src] * al[:, None], dst, num_segments=n) + b


def _forward(x, edge_attr, params, edge_index, batch):
    p = params
    n = x.shape[0]
    src = edge_index[0]
    dst = edge_index[1]
    # NNConv: edge-conditioned per-edge weight matrices from EdgeMLP
    h = jax.nn.relu(edge_attr @ p['emlp_W1'] + p['emlp_b1'])
    h = jax.nn.relu(h @ p['emlp_W2'] + p['emlp_b2'])
    We = (h @ p['emlp_W3'] + p['emlp_b3']).reshape(-1, D_FEAT, HC[0])
    msg = jnp.einsum('ei,eio->eo', x[src], We)
    agg = jax.ops.segment_sum(msg, dst, num_segments=n)
    h1 = x @ p['nn_root'] + agg + p['nn_bias']
    h1 = jax.nn.relu(_bn(h1, p['bng1_g'], p['bng1_b']))
    # GATConv layers (heads=1, concat=False, add_self_loops=True)
    loop = jnp.arange(n, dtype=src.dtype)
    s2 = jnp.concatenate([src, loop])
    d2 = jnp.concatenate([dst, loop])
    h2 = _gat(h1, s2, d2, p['gat1_W'], p['gat1_as'], p['gat1_ad'], p['gat1_b'], n)
    h2 = jax.nn.relu(_bn(h2, p['bng2_g'], p['bng2_b']))
    h3 = _gat(h2, s2, d2, p['gat2_W'], p['gat2_as'], p['gat2_ad'], p['gat2_b'], n)
    h3 = jax.nn.relu(_bn(h3, p['bng3_g'], p['bng3_b']))
    # global mean pool over graphs
    sums = jax.ops.segment_sum(h3, batch, num_segments=N_GRAPHS)
    cnt = jax.ops.segment_sum(jnp.ones((n,), jnp.float32), batch, num_segments=N_GRAPHS)
    g = sums / jnp.clip(cnt, 1.0)[:, None]
    g = jax.nn.relu(_bn(g @ p['fc1_W'] + p['fc1_b'], p['bn1_g'], p['bn1_b']))
    g = jax.nn.relu(_bn(g @ p['fc2_W'] + p['fc2_b'], p['bn2_g'], p['bn2_b']))
    return g @ p['fc3_W'] + p['fc3_b']


def reference(x, edge_index, edge_attr, batch, params):
    return _forward(x, edge_attr, params, edge_index, batch)

if __name__ == "__main__":
    import jax
    _d = setup_inputs()
    print(jax.jit(kernel)(*tuple(_d.values())))

</pallas_src>

<mosaic_0001>
#map = affine_map<(d0, d1) -> (0, 0)>
#map1 = affine_map<(d0, d1) -> (0, 0, 0, 0)>
#map2 = affine_map<(d0, d1) -> (0, 0, 0)>
module attributes {stable_mosaic.version = 14 : i64} {
  func.func @k(%arg0: i32, %arg1: i32, %arg2: memref<163840x128xf32, #tpu.memory_space<hbm>>, %arg3: memref<32x40x1x128xi32, #tpu.memory_space<hbm>>, %arg4: memref<10240x128xf32, #tpu.memory_space<hbm>>, %arg5: memref<2x10240x128xf32, #tpu.memory_space<hbm>>, %arg6: memref<40x1x128xi32, #tpu.memory_space<vmem>>, %arg7: memref<128x128xf32, #tpu.memory_space<vmem>>, %arg8: memref<128x128xf32, #tpu.memory_space<vmem>>, %arg9: memref<!tpu.dma_semaphore, #tpu.memory_space<semaphore_mem>>, %arg10: memref<!tpu.dma_semaphore, #tpu.memory_space<semaphore_mem>>, %arg11: memref<10240x128xf32, #tpu.memory_space<vmem_shared>>) attributes {dimension_semantics = [#tpu.dimension_semantics<core_parallel>, #tpu.dimension_semantics<subcore_parallel>], iteration_bounds = array<i64: 2, 16>, scalar_prefetch = 0 : i64, scratch_operands = 6 : i64, tpu.core_type = #tpu.core_type<sc_vector_subcore>, window_params = [{transform_indices = #map}, {transform_indices = #map1}, {transform_indices = #map}, {transform_indices = #map2}]} {
    %mul3A = arith.constant 16 : i32
    %mul3A_0 = arith.muli %arg0, %mul3A : i32
    %add3A = arith.addi %mul3A_0, %arg1 : i32
    "tpu.region"() ({
      %run_scoped3A = tpu.sem_alloc : memref<!tpu.dma_semaphore, #tpu.memory_space<semaphore_mem>>
      %dma_start3A_24 = arith.constant 0 : i32
      %dma_start3A_25 = arith.constant 0 : i32
      %dma_start3A_26 = arith.constant 0 : i32
      %dma_start3A_27 = tpu.memref_slice %arg3[%add3A, %dma_start3A_24, %dma_start3A_25, %dma_start3A_26] : memref<32x40x1x128xi32, #tpu.memory_space<hbm>> -> memref<1x40x1x128xi32, #tpu.memory_space<hbm>>
      %dma_start3A_28 = tpu.memref_squeeze %dma_start3A_27 : memref<1x40x1x128xi32, #tpu.memory_space<hbm>> -> memref<40x1x128xi32, #tpu.memory_space<hbm>>
      %dma_start3A_29 = arith.constant 0 : i32
      %dma_start3A_30 = arith.constant 0 : i32
      %dma_start3A_31 = arith.constant 0 : i32
      %dma_start3A_32 = tpu.memref_slice %arg3[%add3A, %dma_start3A_29, %dma_start3A_30, %dma_start3A_31] : memref<32x40x1x128xi32, #tpu.memory_space<hbm>> -> memref<1x40x1x128xi32, #tpu.memory_space<hbm>>
      %dma_start3A_33 = tpu.memref_squeeze %dma_start3A_32 : memref<1x40x1x128xi32, #tpu.memory_space<hbm>> -> memref<40x1x128xi32, #tpu.memory_space<hbm>>
      tpu.enqueue_dma source(%dma_start3A_33 : memref<40x1x128xi32, #tpu.memory_space<hbm>>) target(%arg6 : memref<40x1x128xi32, #tpu.memory_space<vmem>>) target_semaphore(%run_scoped3A : memref<!tpu.dma_semaphore, #tpu.memory_space<semaphore_mem>>)
      %dma_wait3A = arith.constant 0 : i32
      %dma_wait3A_34 = arith.constant 0 : i32
      %dma_wait3A_35 = arith.constant 0 : i32
      %dma_wait3A_36 = tpu.memref_slice %arg3[%add3A, %dma_wait3A, %dma_wait3A_34, %dma_wait3A_35] : memref<32x40x1x128xi32, #tpu.memory_space<hbm>> -> memref<1x40x1x128xi32, #tpu.memory_space<hbm>>
      %dma_wait3A_37 = tpu.memref_squeeze %dma_wait3A_36 : memref<1x40x1x128xi32, #tpu.memory_space<hbm>> -> memref<40x1x128xi32, #tpu.memory_space<hbm>>
      %dma_wait3A_38 = arith.constant 0 : i32
      %dma_wait3A_39 = arith.constant 0 : i32
      %dma_wait3A_40 = arith.constant 0 : i32
      %dma_wait3A_41 = tpu.memref_slice %arg3[%add3A, %dma_wait3A_38, %dma_wait3A_39, %dma_wait3A_40] : memref<32x40x1x128xi32, #tpu.memory_space<hbm>> -> memref<1x40x1x128xi32, #tpu.memory_space<hbm>>
      %dma_wait3A_42 = tpu.memref_squeeze %dma_wait3A_41 : memref<1x40x1x128xi32, #tpu.memory_space<hbm>> -> memref<40x1x128xi32, #tpu.memory_space<hbm>>
      tpu.wait_dma2 semaphore(%run_scoped3A : memref<!tpu.dma_semaphore, #tpu.memory_space<semaphore_mem>>) src(%dma_wait3A_42 : memref<40x1x128xi32, #tpu.memory_space<hbm>>) dst(%arg6 : memref<40x1x128xi32, #tpu.memory_space<vmem>>)
      tpu.yield
    }) : () -> ()
    %mul3A_1 = arith.constant 640 : i32
    %mul3A_2 = arith.muli %arg1, %mul3A_1 : i32
    %mul3A_3 = arith.constant 640 : i32
    %mul3A_4 = arith.muli %arg1, %mul3A_3 : i32
    "tpu.region"() ({
      %run_scoped3A = tpu.sem_alloc : memref<!tpu.dma_semaphore, #tpu.memory_space<semaphore_mem>>
      %dma_start3A_24 = arith.constant 0 : i32
      %dma_start3A_25 = tpu.memref_slice %arg11[%mul3A_4, %dma_start3A_24] : memref<10240x128xf32, #tpu.memory_space<vmem_shared>> -> memref<640x128xf32, #tpu.memory_space<vmem_shared>>
      %dma_start3A_26 = arith.constant 0 : i32
      %dma_start3A_27 = tpu.memref_slice %arg4[%mul3A_2, %dma_start3A_26] : memref<10240x128xf32, #tpu.memory_space<hbm>> -> memref<640x128xf32, #tpu.memory_space<hbm>>
      tpu.enqueue_dma source(%dma_start3A_27 : memref<640x128xf32, #tpu.memory_space<hbm>>) target(%dma_start3A_25 : memref<640x128xf32, #tpu.memory_space<vmem_shared>>) target_semaphore(%run_scoped3A : memref<!tpu.dma_semaphore, #tpu.memory_space<semaphore_mem>>)
      %dma_wait3A = arith.constant 0 : i32
      %dma_wait3A_28 = tpu.memref_slice %arg11[%mul3A_4, %dma_wait3A] : memref<10240x128xf32, #tpu.memory_space<vmem_shared>> -> memref<640x128xf32, #tpu.memory_space<vmem_shared>>
      %dma_wait3A_29 = arith.constant 0 : i32
      %dma_wait3A_30 = tpu.memref_slice %arg4[%mul3A_2, %dma_wait3A_29] : memref<10240x128xf32, #tpu.memory_space<hbm>> -> memref<640x128xf32, #tpu.memory_space<hbm>>
      tpu.wait_dma2 semaphore(%run_scoped3A : memref<!tpu.dma_semaphore, #tpu.memory_space<semaphore_mem>>) src(%dma_wait3A_30 : memref<640x128xf32, #tpu.memory_space<hbm>>) dst(%dma_wait3A_28 : memref<640x128xf32, #tpu.memory_space<vmem_shared>>)
      tpu.yield
    }) : () -> ()
    %barrier3A = arith.constant 0 : index
    tpu.barrier barrier_id(%barrier3A)
    %mul3A_5 = arith.constant 40 : i32
    %mul3A_6 = arith.muli %add3A, %mul3A_5 : i32
    %add3A_7 = arith.constant 0 : i32
    %add3A_8 = arith.addi %mul3A_6, %add3A_7 : i32
    %mul3A_9 = arith.constant 128 : i32
    %mul3A_10 = arith.muli %add3A_8, %mul3A_9 : i32
    %dma_start3A = arith.constant 0 : i32
    %dma_start3A_11 = tpu.memref_slice %arg2[%mul3A_10, %dma_start3A] : memref<163840x128xf32, #tpu.memory_space<hbm>> -> memref<128x128xf32, #tpu.memory_space<hbm>>
    %dma_start3A_12 = arith.constant 0 : i32
    %dma_start3A_13 = tpu.memref_slice %arg2[%mul3A_10, %dma_start3A_12] : memref<163840x128xf32, #tpu.memory_space<hbm>> -> memref<128x128xf32, #tpu.memory_space<hbm>>
    tpu.enqueue_dma source(%dma_start3A_13 : memref<128x128xf32, #tpu.memory_space<hbm>>) target(%arg7 : memref<128x128xf32, #tpu.memory_space<vmem>>) target_semaphore(%arg9 : memref<!tpu.dma_semaphore, #tpu.memory_space<semaphore_mem>>)
    %scan3A = arith.constant 0 : i32
    %scan3A_14 = arith.constant 0 : i32
    %scan3A_15 = arith.constant 20 : i32
    %scan3A_16 = arith.addi %scan3A_14, %scan3A_15 : i32
    %scan3A_17 = arith.constant 1 : i32
    scf.for %scan3A_24 = %scan3A_14 to %scan3A_16 step %scan3A_17  : i32 {
      %mul3A_25 = arith.constant 2 : i32
      %mul3A_26 = arith.muli %mul3A_25, %scan3A_24 : i32
      %add3A_27 = arith.constant 1 : i32
      %add3A_28 = arith.addi %mul3A_26, %add3A_27 : i32
      %mul3A_29 = arith.constant 40 : i32
      %mul3A_30 = arith.muli %add3A, %mul3A_29 : i32
      %add3A_31 = arith.addi %mul3A_30, %add3A_28 : i32
      %mul3A_32 = arith.constant 128 : i32
      %mul3A_33 = arith.muli %add3A_31, %mul3A_32 : i32
      %dma_start3A_34 = arith.constant 0 : i32
      %dma_start3A_35 = tpu.memref_slice %arg2[%mul3A_33, %dma_start3A_34] : memref<163840x128xf32, #tpu.memory_space<hbm>> -> memref<128x128xf32, #tpu.memory_space<hbm>>
      %dma_start3A_36 = arith.constant 0 : i32
      %dma_start3A_37 = tpu.memref_slice %arg2[%mul3A_33, %dma_start3A_36] : memref<163840x128xf32, #tpu.memory_space<hbm>> -> memref<128x128xf32, #tpu.memory_space<hbm>>
      tpu.enqueue_dma source(%dma_start3A_37 : memref<128x128xf32, #tpu.memory_space<hbm>>) target(%arg8 : memref<128x128xf32, #tpu.memory_space<vmem>>) target_semaphore(%arg10 : memref<!tpu.dma_semaphore, #tpu.memory_space<semaphore_mem>>)
      %dma_wait3A = arith.constant 0 : i32
      %dma_wait3A_38 = arith.constant 0 : i32
      %dma_wait3A_39 = tpu.memref_slice %arg2[%dma_wait3A, %dma_wait3A_38] : memref<163840x128xf32, #tpu.memory_space<hbm>> -> memref<128x128xf32, #tpu.memory_space<hbm>>
      %dma_wait3A_40 = arith.constant 0 : i32
      %dma_wait3A_41 = arith.constant 0 : i32
      %dma_wait3A_42 = tpu.memref_slice %arg2[%dma_wait3A_40, %dma_wait3A_41] : memref<163840x128xf32, #tpu.memory_space<hbm>> -> memref<128x128xf32, #tpu.memory_space<hbm>>
      tpu.wait_dma2 semaphore(%arg9 : memref<!tpu.dma_semaphore, #tpu.memory_space<semaphore_mem>>) src(%dma_wait3A_42 : memref<128x128xf32, #tpu.memory_space<hbm>>) dst(%arg7 : memref<128x128xf32, #tpu.memory_space<vmem>>)
      %mul3A_43 = arith.constant 2 : i32
      %mul3A_44 = arith.muli %mul3A_43, %scan3A_24 : i32
      %run_scoped3A = arith.constant 0 : i32
      "tpu.region"() ({
        %run_scoped3A_58 = tpu.sem_alloc : memref<!tpu.dma_semaphore, #tpu.memory_space<semaphore_mem>>
        %dma_start3A_59 = arith.constant 0 : i32
        %dma_start3A_60 = tpu.memref_slice %arg6[%mul3A_44, %run_scoped3A, %dma_start3A_59] : memref<40x1x128xi32, #tpu.memory_space<vmem>> -> memref<1x1x128xi32, #tpu.memory_space<vmem>>
        %dma_start3A_61 = tpu.memref_squeeze %dma_start3A_60 : memref<1x1x128xi32, #tpu.memory_space<vmem>> -> memref<128xi32, #tpu.memory_space<vmem>>
        %dma_start3A_62 = arith.constant 0 : i32
        %dma_start3A_63 = arith.constant 0 : i32
        %dma_start3A_64 = tpu.memref_slice %arg11[%dma_start3A_62, %dma_start3A_63] : memref<10240x128xf32, #tpu.memory_space<vmem_shared>> -> memref<10240x128xf32, #tpu.memory_space<vmem_shared>>
        tpu.enqueue_indirect_dma source(%arg7 : memref<128x128xf32, #tpu.memory_space<vmem>>) target(%dma_start3A_64 : memref<10240x128xf32, #tpu.memory_space<vmem_shared>>) offsets(%dma_start3A_61 : memref<128xi32, #tpu.memory_space<vmem>>) semaphore(%run_scoped3A_58 : memref<!tpu.dma_semaphore, #tpu.memory_space<semaphore_mem>>) {add = true}
        %dma_wait3A_65 = arith.constant 0 : i32
        %dma_wait3A_66 = tpu.memref_slice %arg6[%mul3A_44, %run_scoped3A, %dma_wait3A_65] : memref<40x1x128xi32, #tpu.memory_space<vmem>> -> memref<1x1x128xi32, #tpu.memory_space<vmem>>
        %dma_wait3A_67 = tpu.memref_squeeze %dma_wait3A_66 : memref<1x1x128xi32, #tpu.memory_space<vmem>> -> memref<128xi32, #tpu.memory_space<vmem>>
        %dma_wait3A_68 = arith.constant 0 : i32
        %dma_wait3A_69 = arith.constant 0 : i32
        %dma_wait3A_70 = tpu.memref_slice %arg11[%dma_wait3A_68, %dma_wait3A_69] : memref<10240x128xf32, #tpu.memory_space<vmem_shared>> -> memref<10240x128xf32, #tpu.memory_space<vmem_shared>>
        tpu.wait_indirect_dma semaphore(%run_scoped3A_58 : memref<!tpu.dma_semaphore, #tpu.memory_space<semaphore_mem>>) src(%arg7 : memref<128x128xf32, #tpu.memory_space<vmem>>) dst(%dma_wait3A_70 : memref<10240x128xf32, #tpu.memory_space<vmem_shared>>)
        tpu.yield
      }) : () -> ()
      %lt3A = arith.constant 19 : i32
      %lt3A_45 = arith.cmpi slt, %scan3A_24, %lt3A : i32
      %convert_element_type3A = arith.extui %lt3A_45 : i1 to i32
      %cond3A = arith.constant 0 : i32
      %cond3A_46 = arith.cmpi ne, %convert_element_type3A, %cond3A : i32
      scf.if %cond3A_46 {
        %mul3A_58 = arith.constant 2 : i32
        %mul3A_59 = arith.muli %mul3A_58, %scan3A_24 : i32
        %add3A_60 = arith.constant 2 : i32
        %add3A_61 = arith.addi %mul3A_59, %add3A_60 : i32
        %mul3A_62 = arith.constant 40 : i32
        %mul3A_63 = arith.muli %add3A, %mul3A_62 : i32
        %add3A_64 = arith.addi %mul3A_63, %add3A_61 : i32
        %mul3A_65 = arith.constant 128 : i32
        %mul3A_66 = arith.muli %add3A_64, %mul3A_65 : i32
        %dma_start3A_67 = arith.constant 0 : i32
        %dma_start3A_68 = tpu.memref_slice %arg2[%mul3A_66, %dma_start3A_67] : memref<163840x128xf32, #tpu.memory_space<hbm>> -> memref<128x128xf32, #tpu.memory_space<hbm>>
        %dma_start3A_69 = arith.constant 0 : i32
        %dma_start3A_70 = tpu.memref_slice %arg2[%mul3A_66, %dma_start3A_69] : memref<163840x128xf32, #tpu.memory_space<hbm>> -> memref<128x128xf32, #tpu.memory_space<hbm>>
        tpu.enqueue_dma source(%dma_start3A_70 : memref<128x128xf32, #tpu.memory_space<hbm>>) target(%arg7 : memref<128x128xf32, #tpu.memory_space<vmem>>) target_semaphore(%arg9 : memref<!tpu.dma_semaphore, #tpu.memory_space<semaphore_mem>>)
      } else {
      }
      %dma_wait3A_47 = arith.constant 0 : i32
      %dma_wait3A_48 = arith.constant 0 : i32
      %dma_wait3A_49 = tpu.memref_slice %arg2[%dma_wait3A_47, %dma_wait3A_48] : memref<163840x128xf32, #tpu.memory_space<hbm>> -> memref<128x128xf32, #tpu.memory_space<hbm>>
      %dma_wait3A_50 = arith.constant 0 : i32
      %dma_wait3A_51 = arith.constant 0 : i32
      %dma_wait3A_52 = tpu.memref_slice %arg2[%dma_wait3A_50, %dma_wait3A_51] : memref<163840x128xf32, #tpu.memory_space<hbm>> -> memref<128x128xf32, #tpu.memory_space<hbm>>
      tpu.wait_dma2 semaphore(%arg10 : memref<!tpu.dma_semaphore, #tpu.memory_space<semaphore_mem>>) src(%dma_wait3A_52 : memref<128x128xf32, #tpu.memory_space<hbm>>) dst(%arg8 : memref<128x128xf32, #tpu.memory_space<vmem>>)
      %mul3A_53 = arith.constant 2 : i32
      %mul3A_54 = arith.muli %mul3A_53, %scan3A_24 : i32
      %add3A_55 = arith.constant 1 : i32
      %add3A_56 = arith.addi %mul3A_54, %add3A_55 : i32
      %run_scoped3A_57 = arith.constant 0 : i32
      "tpu.region"() ({
        %run_scoped3A_58 = tpu.sem_alloc : memref<!tpu.dma_semaphore, #tpu.memory_space<semaphore_mem>>
        %dma_start3A_59 = arith.constant 0 : i32
        %dma_start3A_60 = tpu.memref_slice %arg6[%add3A_56, %run_scoped3A_57, %dma_start3A_59] : memref<40x1x128xi32, #tpu.memory_space<vmem>> -> memref<1x1x128xi32, #tpu.memory_space<vmem>>
        %dma_start3A_61 = tpu.memref_squeeze %dma_start3A_60 : memref<1x1x128xi32, #tpu.memory_space<vmem>> -> memref<128xi32, #tpu.memory_space<vmem>>
        %dma_start3A_62 = arith.constant 0 : i32
        %dma_start3A_63 = arith.constant 0 : i32
        %dma_start3A_64 = tpu.memref_slice %arg11[%dma_start3A_62, %dma_start3A_63] : memref<10240x128xf32, #tpu.memory_space<vmem_shared>> -> memref<10240x128xf32, #tpu.memory_space<vmem_shared>>
        tpu.enqueue_indirect_dma source(%arg8 : memref<128x128xf32, #tpu.memory_space<vmem>>) target(%dma_start3A_64 : memref<10240x128xf32, #tpu.memory_space<vmem_shared>>) offsets(%dma_start3A_61 : memref<128xi32, #tpu.memory_space<vmem>>) semaphore(%run_scoped3A_58 : memref<!tpu.dma_semaphore, #tpu.memory_space<semaphore_mem>>) {add = true}
        %dma_wait3A_65 = arith.constant 0 : i32
        %dma_wait3A_66 = tpu.memref_slice %arg6[%add3A_56, %run_scoped3A_57, %dma_wait3A_65] : memref<40x1x128xi32, #tpu.memory_space<vmem>> -> memref<1x1x128xi32, #tpu.memory_space<vmem>>
        %dma_wait3A_67 = tpu.memref_squeeze %dma_wait3A_66 : memref<1x1x128xi32, #tpu.memory_space<vmem>> -> memref<128xi32, #tpu.memory_space<vmem>>
        %dma_wait3A_68 = arith.constant 0 : i32
        %dma_wait3A_69 = arith.constant 0 : i32
        %dma_wait3A_70 = tpu.memref_slice %arg11[%dma_wait3A_68, %dma_wait3A_69] : memref<10240x128xf32, #tpu.memory_space<vmem_shared>> -> memref<10240x128xf32, #tpu.memory_space<vmem_shared>>
        tpu.wait_indirect_dma semaphore(%run_scoped3A_58 : memref<!tpu.dma_semaphore, #tpu.memory_space<semaphore_mem>>) src(%arg8 : memref<128x128xf32, #tpu.memory_space<vmem>>) dst(%dma_wait3A_70 : memref<10240x128xf32, #tpu.memory_space<vmem_shared>>)
        tpu.yield
      }) : () -> ()
    }
    %scan3A_18 = arith.constant 20 : i32
    %barrier3A_19 = arith.constant 0 : index
    tpu.barrier barrier_id(%barrier3A_19)
    %mul3A_20 = arith.constant 640 : i32
    %mul3A_21 = arith.muli %arg1, %mul3A_20 : i32
    %mul3A_22 = arith.constant 640 : i32
    %mul3A_23 = arith.muli %arg1, %mul3A_22 : i32
    "tpu.region"() ({
      %run_scoped3A = tpu.sem_alloc : memref<!tpu.dma_semaphore, #tpu.memory_space<semaphore_mem>>
      %dma_start3A_24 = arith.constant 0 : i32
      %dma_start3A_25 = tpu.memref_slice %arg5[%arg0, %mul3A_23, %dma_start3A_24] : memref<2x10240x128xf32, #tpu.memory_space<hbm>> -> memref<1x640x128xf32, #tpu.memory_space<hbm>>
      %dma_start3A_26 = tpu.memref_squeeze %dma_start3A_25 : memref<1x640x128xf32, #tpu.memory_space<hbm>> -> memref<640x128xf32, #tpu.memory_space<hbm>>
      %dma_start3A_27 = arith.constant 0 : i32
      %dma_start3A_28 = tpu.memref_slice %arg11[%mul3A_21, %dma_start3A_27] : memref<10240x128xf32, #tpu.memory_space<vmem_shared>> -> memref<640x128xf32, #tpu.memory_space<vmem_shared>>
      tpu.enqueue_dma source(%dma_start3A_28 : memref<640x128xf32, #tpu.memory_space<vmem_shared>>) target(%dma_start3A_26 : memref<640x128xf32, #tpu.memory_space<hbm>>) target_semaphore(%run_scoped3A : memref<!tpu.dma_semaphore, #tpu.memory_space<semaphore_mem>>)
      %dma_wait3A = arith.constant 0 : i32
      %dma_wait3A_29 = tpu.memref_slice %arg5[%arg0, %mul3A_23, %dma_wait3A] : memref<2x10240x128xf32, #tpu.memory_space<hbm>> -> memref<1x640x128xf32, #tpu.memory_space<hbm>>
      %dma_wait3A_30 = tpu.memref_squeeze %dma_wait3A_29 : memref<1x640x128xf32, #tpu.memory_space<hbm>> -> memref<640x128xf32, #tpu.memory_space<hbm>>
      %dma_wait3A_31 = arith.constant 0 : i32
      %dma_wait3A_32 = tpu.memref_slice %arg11[%mul3A_21, %dma_wait3A_31] : memref<10240x128xf32, #tpu.memory_space<vmem_shared>> -> memref<640x128xf32, #tpu.memory_space<vmem_shared>>
      tpu.wait_dma2 semaphore(%run_scoped3A : memref<!tpu.dma_semaphore, #tpu.memory_space<semaphore_mem>>) src(%dma_wait3A_32 : memref<640x128xf32, #tpu.memory_space<vmem_shared>>) dst(%dma_wait3A_30 : memref<640x128xf32, #tpu.memory_space<hbm>>)
      tpu.yield
    }) : () -> ()
    return
  }
}

#map = affine_map<(d0, d1) -> (0, 0)>
#map1 = affine_map<(d0, d1) -> (0, 0, 0, 0)>
module attributes {stable_mosaic.version = 14 : i64} {
  func.func @k(%arg0: i32, %arg1: i32, %arg2: memref<10000x128xf32, #tpu.memory_space<hbm>>, %arg3: memref<32x40x1x128xi32, #tpu.memory_space<hbm>>, %arg4: memref<163840x128xf32, #tpu.memory_space<hbm>>, %arg5: memref<40x1x128xi32, #tpu.memory_space<vmem>>, %arg6: memref<128x128xf32, #tpu.memory_space<vmem>>, %arg7: memref<128x128xf32, #tpu.memory_space<vmem>>, %arg8: memref<!tpu.dma_semaphore, #tpu.memory_space<semaphore_mem>>, %arg9: memref<!tpu.dma_semaphore, #tpu.memory_space<semaphore_mem>>, %arg10: memref<!tpu.dma_semaphore, #tpu.memory_space<semaphore_mem>>, %arg11: memref<!tpu.dma_semaphore, #tpu.memory_space<semaphore_mem>>) attributes {dimension_semantics = [#tpu.dimension_semantics<core_parallel>, #tpu.dimension_semantics<subcore_parallel>], iteration_bounds = array<i64: 2, 16>, scalar_prefetch = 0 : i64, scratch_operands = 7 : i64, tpu.core_type = #tpu.core_type<sc_vector_subcore>, window_params = [{transform_indices = #map}, {transform_indices = #map1}, {transform_indices = #map}]} {
    %mul3A = arith.constant 16 : i32
    %mul3A_0 = arith.muli %arg0, %mul3A : i32
    %add3A = arith.addi %mul3A_0, %arg1 : i32
    "tpu.region"() ({
      %run_scoped3A = tpu.sem_alloc : memref<!tpu.dma_semaphore, #tpu.memory_space<semaphore_mem>>
      %dma_start3A_24 = arith.constant 0 : i32
      %dma_start3A_25 = arith.constant 0 : i32
      %dma_start3A_26 = arith.constant 0 : i32
      %dma_start3A_27 = tpu.memref_slice %arg3[%add3A, %dma_start3A_24, %dma_start3A_25, %dma_start3A_26] : memref<32x40x1x128xi32, #tpu.memory_space<hbm>> -> memref<1x40x1x128xi32, #tpu.memory_space<hbm>>
      %dma_start3A_28 = tpu.memref_squeeze %dma_start3A_27 : memref<1x40x1x128xi32, #tpu.memory_space<hbm>> -> memref<40x1x128xi32, #tpu.memory_space<hbm>>
      %dma_start3A_29 = arith.constant 0 : i32
      %dma_start3A_30 = arith.constant 0 : i32
      %dma_start3A_31 = arith.constant 0 : i32
      %dma_start3A_32 = tpu.memref_slice %arg3[%add3A, %dma_start3A_29, %dma_start3A_30, %dma_start3A_31] : memref<32x40x1x128xi32, #tpu.memory_space<hbm>> -> memref<1x40x1x128xi32, #tpu.memory_space<hbm>>
      %dma_start3A_33 = tpu.memref_squeeze %dma_start3A_32 : memref<1x40x1x128xi32, #tpu.memory_space<hbm>> -> memref<40x1x128xi32, #tpu.memory_space<hbm>>
      tpu.enqueue_dma source(%dma_start3A_33 : memref<40x1x128xi32, #tpu.memory_space<hbm>>) target(%arg5 : memref<40x1x128xi32, #tpu.memory_space<vmem>>) target_semaphore(%run_scoped3A : memref<!tpu.dma_semaphore, #tpu.memory_space<semaphore_mem>>)
      %dma_wait3A_34 = arith.constant 0 : i32
      %dma_wait3A_35 = arith.constant 0 : i32
      %dma_wait3A_36 = arith.constant 0 : i32
      %dma_wait3A_37 = tpu.memref_slice %arg3[%add3A, %dma_wait3A_34, %dma_wait3A_35, %dma_wait3A_36] : memref<32x40x1x128xi32, #tpu.memory_space<hbm>> -> memref<1x40x1x128xi32, #tpu.memory_space<hbm>>
      %dma_wait3A_38 = tpu.memref_squeeze %dma_wait3A_37 : memref<1x40x1x128xi32, #tpu.memory_space<hbm>> -> memref<40x1x128xi32, #tpu.memory_space<hbm>>
      %dma_wait3A_39 = arith.constant 0 : i32
      %dma_wait3A_40 = arith.constant 0 : i32
      %dma_wait3A_41 = arith.constant 0 : i32
      %dma_wait3A_42 = tpu.memref_slice %arg3[%add3A, %dma_wait3A_39, %dma_wait3A_40, %dma_wait3A_41] : memref<32x40x1x128xi32, #tpu.memory_space<hbm>> -> memref<1x40x1x128xi32, #tpu.memory_space<hbm>>
      %dma_wait3A_43 = tpu.memref_squeeze %dma_wait3A_42 : memref<1x40x1x128xi32, #tpu.memory_space<hbm>> -> memref<40x1x128xi32, #tpu.memory_space<hbm>>
      tpu.wait_dma2 semaphore(%run_scoped3A : memref<!tpu.dma_semaphore, #tpu.memory_space<semaphore_mem>>) src(%dma_wait3A_43 : memref<40x1x128xi32, #tpu.memory_space<hbm>>) dst(%arg5 : memref<40x1x128xi32, #tpu.memory_space<vmem>>)
      tpu.yield
    }) : () -> ()
    %dma_start3A = arith.constant 0 : i32
    %dma_start3A_1 = arith.constant 0 : i32
    %dma_start3A_2 = arith.constant 0 : i32
    %dma_start3A_3 = tpu.memref_slice %arg5[%dma_start3A, %dma_start3A_1, %dma_start3A_2] : memref<40x1x128xi32, #tpu.memory_space<vmem>> -> memref<1x1x128xi32, #tpu.memory_space<vmem>>
    %dma_start3A_4 = tpu.memref_squeeze %dma_start3A_3 : memref<1x1x128xi32, #tpu.memory_space<vmem>> -> memref<128xi32, #tpu.memory_space<vmem>>
    %dma_start3A_5 = arith.constant 0 : i32
    %dma_start3A_6 = arith.constant 0 : i32
    %dma_start3A_7 = tpu.memref_slice %arg2[%dma_start3A_5, %dma_start3A_6] : memref<10000x128xf32, #tpu.memory_space<hbm>> -> memref<10000x128xf32, #tpu.memory_space<hbm>>
    tpu.enqueue_indirect_dma source(%dma_start3A_7 : memref<10000x128xf32, #tpu.memory_space<hbm>>) target(%arg6 : memref<128x128xf32, #tpu.memory_space<vmem>>) offsets(%dma_start3A_4 : memref<128xi32, #tpu.memory_space<vmem>>) semaphore(%arg8 : memref<!tpu.dma_semaphore, #tpu.memory_space<semaphore_mem>>)
    %scan3A = arith.constant 0 : i32
    %scan3A_8 = arith.constant 0 : i32
    %scan3A_9 = arith.constant 20 : i32
    %scan3A_10 = arith.addi %scan3A_8, %scan3A_9 : i32
    %scan3A_11 = arith.constant 1 : i32
    scf.for %scan3A_24 = %scan3A_8 to %scan3A_10 step %scan3A_11  : i32 {
      %gt3A = arith.constant 0 : i32
      %gt3A_25 = arith.cmpi sgt, %scan3A_24, %gt3A : i32
      %convert_element_type3A = arith.extui %gt3A_25 : i1 to i32
      %cond3A = arith.constant 0 : i32
      %cond3A_26 = arith.cmpi ne, %convert_element_type3A, %cond3A : i32
      scf.if %cond3A_26 {
        %dma_wait3A_78 = arith.constant 0 : i32
        %dma_wait3A_79 = arith.constant 0 : i32
        %dma_wait3A_80 = tpu.memref_slice %arg4[%dma_wait3A_78, %dma_wait3A_79] : memref<163840x128xf32, #tpu.memory_space<hbm>> -> memref<128x128xf32, #tpu.memory_space<hbm>>
        %dma_wait3A_81 = arith.constant 0 : i32
        %dma_wait3A_82 = arith.constant 0 : i32
        %dma_wait3A_83 = tpu.memref_slice %arg4[%dma_wait3A_81, %dma_wait3A_82] : memref<163840x128xf32, #tpu.memory_space<hbm>> -> memref<128x128xf32, #tpu.memory_space<hbm>>
        tpu.wait_dma2 semaphore(%arg11 : memref<!tpu.dma_semaphore, #tpu.memory_space<semaphore_mem>>) src(%arg7 : memref<128x128xf32, #tpu.memory_space<vmem>>) dst(%dma_wait3A_83 : memref<128x128xf32, #tpu.memory_space<hbm>>)
      } else {
      }
      %mul3A_27 = arith.constant 2 : i32
      %mul3A_28 = arith.muli %mul3A_27, %scan3A_24 : i32
      %add3A_29 = arith.constant 1 : i32
      %add3A_30 = arith.addi %mul3A_28, %add3A_29 : i32
      %dma_start3A_31 = arith.constant 0 : i32
      %dma_start3A_32 = arith.constant 0 : i32
      %dma_start3A_33 = tpu.memref_slice %arg5[%add3A_30, %dma_start3A_31, %dma_start3A_32] : memref<40x1x128xi32, #tpu.memory_space<vmem>> -> memref<1x1x128xi32, #tpu.memory_space<vmem>>
      %dma_start3A_34 = tpu.memref_squeeze %dma_start3A_33 : memref<1x1x128xi32, #tpu.memory_space<vmem>> -> memref<128xi32, #tpu.memory_space<vmem>>
      %dma_start3A_35 = arith.constant 0 : i32
      %dma_start3A_36 = arith.constant 0 : i32
      %dma_start3A_37 = tpu.memref_slice %arg2[%dma_start3A_35, %dma_start3A_36] : memref<10000x128xf32, #tpu.memory_space<hbm>> -> memref<10000x128xf32, #tpu.memory_space<hbm>>
      tpu.enqueue_indirect_dma source(%dma_start3A_37 : memref<10000x128xf32, #tpu.memory_space<hbm>>) target(%arg7 : memref<128x128xf32, #tpu.memory_space<vmem>>) offsets(%dma_start3A_34 : memref<128xi32, #tpu.memory_space<vmem>>) semaphore(%arg9 : memref<!tpu.dma_semaphore, #tpu.memory_space<semaphore_mem>>)
      %dma_wait3A_38 = arith.constant 0 : i32
      %dma_wait3A_39 = arith.constant 0 : i32
      %dma_wait3A_40 = tpu.memref_slice %arg2[%dma_wait3A_38, %dma_wait3A_39] : memref<10000x128xf32, #tpu.memory_space<hbm>> -> memref<128x128xf32, #tpu.memory_space<hbm>>
      %dma_wait3A_41 = arith.constant 0 : i32
      %dma_wait3A_42 = arith.constant 0 : i32
      %dma_wait3A_43 = tpu.memref_slice %arg2[%dma_wait3A_41, %dma_wait3A_42] : memref<10000x128xf32, #tpu.memory_space<hbm>> -> memref<128x128xf32, #tpu.memory_space<hbm>>
      tpu.wait_dma2 semaphore(%arg8 : memref<!tpu.dma_semaphore, #tpu.memory_space<semaphore_mem>>) src(%dma_wait3A_43 : memref<128x128xf32, #tpu.memory_space<hbm>>) dst(%arg6 : memref<128x128xf32, #tpu.memory_space<vmem>>)
      %mul3A_44 = arith.constant 2 : i32
      %mul3A_45 = arith.muli %mul3A_44, %scan3A_24 : i32
      %mul3A_46 = arith.constant 40 : i32
      %mul3A_47 = arith.muli %add3A, %mul3A_46 : i32
      %add3A_48 = arith.addi %mul3A_47, %mul3A_45 : i32
      %mul3A_49 = arith.constant 128 : i32
      %mul3A_50 = arith.muli %add3A_48, %mul3A_49 : i32
      %dma_start3A_51 = arith.constant 0 : i32
      %dma_start3A_52 = tpu.memref_slice %arg4[%mul3A_50, %dma_start3A_51] : memref<163840x128xf32, #tpu.memory_space<hbm>> -> memref<128x128xf32, #tpu.memory_space<hbm>>
      %dma_start3A_53 = arith.constant 0 : i32
      %dma_start3A_54 = tpu.memref_slice %arg4[%mul3A_50, %dma_start3A_53] : memref<163840x128xf32, #tpu.memory_space<hbm>> -> memref<128x128xf32, #tpu.memory_space<hbm>>
      tpu.enqueue_dma source(%arg6 : memref<128x128xf32, #tpu.memory_space<vmem>>) target(%dma_start3A_54 : memref<128x128xf32, #tpu.memory_space<hbm>>) target_semaphore(%arg10 : memref<!tpu.dma_semaphore, #tpu.memory_space<semaphore_mem>>)
      %lt3A = arith.constant 19 : i32
      %lt3A_55 = arith.cmpi slt, %scan3A_24, %lt3A : i32
      %convert_element_type3A_56 = arith.extui %lt3A_55 : i1 to i32
      %cond3A_57 = arith.constant 0 : i32
      %cond3A_58 = arith.cmpi ne, %convert_element_type3A_56, %cond3A_57 : i32
      scf.if %cond3A_58 {
        %dma_wait3A_78 = arith.constant 0 : i32
        %dma_wait3A_79 = arith.constant 0 : i32
        %dma_wait3A_80 = tpu.memref_slice %arg4[%dma_wait3A_78, %dma_wait3A_79] : memref<163840x128xf32, #tpu.memory_space<hbm>> -> memref<128x128xf32, #tpu.memory_space<hbm>>
        %dma_wait3A_81 = arith.constant 0 : i32
        %dma_wait3A_82 = arith.constant 0 : i32
        %dma_wait3A_83 = tpu.memref_slice %arg4[%dma_wait3A_81, %dma_wait3A_82] : memref<163840x128xf32, #tpu.memory_space<hbm>> -> memref<128x128xf32, #tpu.memory_space<hbm>>
        tpu.wait_dma2 semaphore(%arg10 : memref<!tpu.dma_semaphore, #tpu.memory_space<semaphore_mem>>) src(%arg6 : memref<128x128xf32, #tpu.memory_space<vmem>>) dst(%dma_wait3A_83 : memref<128x128xf32, #tpu.memory_space<hbm>>)
        %mul3A_84 = arith.constant 2 : i32
        %mul3A_85 = arith.muli %mul3A_84, %scan3A_24 : i32
        %add3A_86 = arith.constant 2 : i32
        %add3A_87 = arith.addi %mul3A_85, %add3A_86 : i32
        %dma_start3A_88 = arith.constant 0 : i32
        %dma_start3A_89 = arith.constant 0 : i32
        %dma_start3A_90 = tpu.memref_slice %arg5[%add3A_87, %dma_start3A_88, %dma_start3A_89] : memref<40x1x128xi32, #tpu.memory_space<vmem>> -> memref<1x1x128xi32, #tpu.memory_space<vmem>>
        %dma_start3A_91 = tpu.memref_squeeze %dma_start3A_90 : memref<1x1x128xi32, #tpu.memory_space<vmem>> -> memref<128xi32, #tpu.memory_space<vmem>>
        %dma_start3A_92 = arith.constant 0 : i32
        %dma_start3A_93 = arith.constant 0 : i32
        %dma_start3A_94 = tpu.memref_slice %arg2[%dma_start3A_92, %dma_start3A_93] : memref<10000x128xf32, #tpu.memory_space<hbm>> -> memref<10000x128xf32, #tpu.memory_space<hbm>>
        tpu.enqueue_indirect_dma source(%dma_start3A_94 : memref<10000x128xf32, #tpu.memory_space<hbm>>) target(%arg6 : memref<128x128xf32, #tpu.memory_space<vmem>>) offsets(%dma_start3A_91 : memref<128xi32, #tpu.memory_space<vmem>>) semaphore(%arg8 : memref<!tpu.dma_semaphore, #tpu.memory_space<semaphore_mem>>)
      } else {
      }
      %dma_wait3A_59 = arith.constant 0 : i32
      %dma_wait3A_60 = arith.constant 0 : i32
      %dma_wait3A_61 = tpu.memref_slice %arg2[%dma_wait3A_59, %dma_wait3A_60] : memref<10000x128xf32, #tpu.memory_space<hbm>> -> memref<128x128xf32, #tpu.memory_space<hbm>>
      %dma_wait3A_62 = arith.constant 0 : i32
      %dma_wait3A_63 = arith.constant 0 : i32
      %dma_wait3A_64 = tpu.memref_slice %arg2[%dma_wait3A_62, %dma_wait3A_63] : memref<10000x128xf32, #tpu.memory_space<hbm>> -> memref<128x128xf32, #tpu.memory_space<hbm>>
      tpu.wait_dma2 semaphore(%arg9 : memref<!tpu.dma_semaphore, #tpu.memory_space<semaphore_mem>>) src(%dma_wait3A_64 : memref<128x128xf32, #tpu.memory_space<hbm>>) dst(%arg7 : memref<128x128xf32, #tpu.memory_space<vmem>>)
      %mul3A_65 = arith.constant 2 : i32
      %mul3A_66 = arith.muli %mul3A_65, %scan3A_24 : i32
      %add3A_67 = arith.constant 1 : i32
      %add3A_68 = arith.addi %mul3A_66, %add3A_67 : i32
      %mul3A_69 = arith.constant 40 : i32
      %mul3A_70 = arith.muli %add3A, %mul3A_69 : i32
      %add3A_71 = arith.addi %mul3A_70, %add3A_68 : i32
      %mul3A_72 = arith.constant 128 : i32
      %mul3A_73 = arith.muli %add3A_71, %mul3A_72 : i32
      %dma_start3A_74 = arith.constant 0 : i32
      %dma_start3A_75 = tpu.memref_slice %arg4[%mul3A_73, %dma_start3A_74] : memref<163840x128xf32, #tpu.memory_space<hbm>> -> memref<128x128xf32, #tpu.memory_space<hbm>>
      %dma_start3A_76 = arith.constant 0 : i32
      %dma_start3A_77 = tpu.memref_slice %arg4[%mul3A_73, %dma_start3A_76] : memref<163840x128xf32, #tpu.memory_space<hbm>> -> memref<128x128xf32, #tpu.memory_space<hbm>>
      tpu.enqueue_dma source(%arg7 : memref<128x128xf32, #tpu.memory_space<vmem>>) target(%dma_start3A_77 : memref<128x128xf32, #tpu.memory_space<hbm>>) target_semaphore(%arg11 : memref<!tpu.dma_semaphore, #tpu.memory_space<semaphore_mem>>)
    }
    %scan3A_12 = arith.constant 20 : i32
    %dma_wait3A = arith.constant 0 : i32
    %dma_wait3A_13 = arith.constant 0 : i32
    %dma_wait3A_14 = tpu.memref_slice %arg4[%dma_wait3A, %dma_wait3A_13] : memref<163840x128xf32, #tpu.memory_space<hbm>> -> memref<128x128xf32, #tpu.memory_space<hbm>>
    %dma_wait3A_15 = arith.constant 0 : i32
    %dma_wait3A_16 = arith.constant 0 : i32
    %dma_wait3A_17 = tpu.memref_slice %arg4[%dma_wait3A_15, %dma_wait3A_16] : memref<163840x128xf32, #tpu.memory_space<hbm>> -> memref<128x128xf32, #tpu.memory_space<hbm>>
    tpu.wait_dma2 semaphore(%arg10 : memref<!tpu.dma_semaphore, #tpu.memory_space<semaphore_mem>>) src(%arg6 : memref<128x128xf32, #tpu.memory_space<vmem>>) dst(%dma_wait3A_17 : memref<128x128xf32, #tpu.memory_space<hbm>>)
    %dma_wait3A_18 = arith.constant 0 : i32
    %dma_wait3A_19 = arith.constant 0 : i32
    %dma_wait3A_20 = tpu.memref_slice %arg4[%dma_wait3A_18, %dma_wait3A_19] : memref<163840x128xf32, #tpu.memory_space<hbm>> -> memref<128x128xf32, #tpu.memory_space<hbm>>
    %dma_wait3A_21 = arith.constant 0 : i32
    %dma_wait3A_22 = arith.constant 0 : i32
    %dma_wait3A_23 = tpu.memref_slice %arg4[%dma_wait3A_21, %dma_wait3A_22] : memref<163840x128xf32, #tpu.memory_space<hbm>> -> memref<128x128xf32, #tpu.memory_space<hbm>>
    tpu.wait_dma2 semaphore(%arg11 : memref<!tpu.dma_semaphore, #tpu.memory_space<semaphore_mem>>) src(%arg7 : memref<128x128xf32, #tpu.memory_space<vmem>>) dst(%dma_wait3A_23 : memref<128x128xf32, #tpu.memory_space<hbm>>)
    return
  }
}

#map = affine_map<(d0, d1) -> (0, 0)>
#map1 = affine_map<(d0, d1) -> (0, 0, 0, 0)>
#map2 = affine_map<(d0, d1) -> (0, 0, 0)>
module attributes {stable_mosaic.version = 14 : i64} {
  func.func @k(%arg0: i32, %arg1: i32, %arg2: memref<10000x128xf32, #tpu.memory_space<hbm>>, %arg3: memref<10000x128xf32, #tpu.memory_space<hbm>>, %arg4: memref<32x80x2x64xi32, #tpu.memory_space<hbm>>, %arg5: memref<10240x128xf32, #tpu.memory_space<hbm>>, %arg6: memref<2x10240x128xf32, #tpu.memory_space<hbm>>, %arg7: memref<2x64xi32, #tpu.memory_space<vmem>>, %arg8: memref<2x64xi32, #tpu.memory_space<vmem>>, %arg9: memref<64x128xf32, #tpu.memory_space<vmem>>, %arg10: memref<64x128xf32, #tpu.memory_space<vmem>>, %arg11: memref<64x128xf32, #tpu.memory_space<vmem>>, %arg12: memref<64x128xf32, #tpu.memory_space<vmem>>, %arg13: memref<!tpu.dma_semaphore, #tpu.memory_space<semaphore_mem>>, %arg14: memref<!tpu.dma_semaphore, #tpu.memory_space<semaphore_mem>>, %arg15: memref<10240x128xf32, #tpu.memory_space<vmem_shared>>) attributes {dimension_semantics = [#tpu.dimension_semantics<core_parallel>, #tpu.dimension_semantics<subcore_parallel>], iteration_bounds = array<i64: 2, 16>, scalar_prefetch = 0 : i64, scratch_operands = 9 : i64, tpu.core_type = #tpu.core_type<sc_vector_subcore>, window_params = [{transform_indices = #map}, {transform_indices = #map}, {transform_indices = #map1}, {transform_indices = #map}, {transform_indices = #map2}]} {
    %mul3A = arith.constant 16 : i32
    %mul3A_0 = arith.muli %arg0, %mul3A : i32
    %add3A = arith.addi %mul3A_0, %arg1 : i32
    %mul3A_1 = arith.constant 640 : i32
    %mul3A_2 = arith.muli %arg1, %mul3A_1 : i32
    %mul3A_3 = arith.constant 640 : i32
    %mul3A_4 = arith.muli %arg1, %mul3A_3 : i32
    "tpu.region"() ({
      %run_scoped3A_28 = tpu.sem_alloc : memref<!tpu.dma_semaphore, #tpu.memory_space<semaphore_mem>>
      %dma_start3A_29 = arith.constant 0 : i32
      %dma_start3A_30 = tpu.memref_slice %arg15[%mul3A_4, %dma_start3A_29] : memref<10240x128xf32, #tpu.memory_space<vmem_shared>> -> memref<640x128xf32, #tpu.memory_space<vmem_shared>>
      %dma_start3A_31 = arith.constant 0 : i32
      %dma_start3A_32 = tpu.memref_slice %arg5[%mul3A_2, %dma_start3A_31] : memref<10240x128xf32, #tpu.memory_space<hbm>> -> memref<640x128xf32, #tpu.memory_space<hbm>>
      tpu.enqueue_dma source(%dma_start3A_32 : memref<640x128xf32, #tpu.memory_space<hbm>>) target(%dma_start3A_30 : memref<640x128xf32, #tpu.memory_space<vmem_shared>>) target_semaphore(%run_scoped3A_28 : memref<!tpu.dma_semaphore, #tpu.memory_space<semaphore_mem>>)
      %dma_wait3A = arith.constant 0 : i32
      %dma_wait3A_33 = tpu.memref_slice %arg15[%mul3A_4, %dma_wait3A] : memref<10240x128xf32, #tpu.memory_space<vmem_shared>> -> memref<640x128xf32, #tpu.memory_space<vmem_shared>>
      %dma_wait3A_34 = arith.constant 0 : i32
      %dma_wait3A_35 = tpu.memref_slice %arg5[%mul3A_2, %dma_wait3A_34] : memref<10240x128xf32, #tpu.memory_space<hbm>> -> memref<640x128xf32, #tpu.memory_space<hbm>>
      tpu.wait_dma2 semaphore(%run_scoped3A_28 : memref<!tpu.dma_semaphore, #tpu.memory_space<semaphore_mem>>) src(%dma_wait3A_35 : memref<640x128xf32, #tpu.memory_space<hbm>>) dst(%dma_wait3A_33 : memref<640x128xf32, #tpu.memory_space<vmem_shared>>)
      tpu.yield
    }) : () -> ()
    %barrier3A = arith.constant 0 : index
    tpu.barrier barrier_id(%barrier3A)
    %run_scoped3A = arith.constant 0 : i32
    "tpu.region"() ({
      %run_scoped3A_28 = tpu.sem_alloc : memref<!tpu.dma_semaphore, #tpu.memory_space<semaphore_mem>>
      %dma_start3A_29 = arith.constant 0 : i32
      %dma_start3A_30 = arith.constant 0 : i32
      %dma_start3A_31 = tpu.memref_slice %arg4[%add3A, %run_scoped3A, %dma_start3A_29, %dma_start3A_30] : memref<32x80x2x64xi32, #tpu.memory_space<hbm>> -> memref<1x1x2x64xi32, #tpu.memory_space<hbm>>
      %dma_start3A_32 = tpu.memref_squeeze %dma_start3A_31 : memref<1x1x2x64xi32, #tpu.memory_space<hbm>> -> memref<2x64xi32, #tpu.memory_space<hbm>>
      %dma_start3A_33 = arith.constant 0 : i32
      %dma_start3A_34 = arith.constant 0 : i32
      %dma_start3A_35 = tpu.memref_slice %arg4[%add3A, %run_scoped3A, %dma_start3A_33, %dma_start3A_34] : memref<32x80x2x64xi32, #tpu.memory_space<hbm>> -> memref<1x1x2x64xi32, #tpu.memory_space<hbm>>
      %dma_start3A_36 = tpu.memref_squeeze %dma_start3A_35 : memref<1x1x2x64xi32, #tpu.memory_space<hbm>> -> memref<2x64xi32, #tpu.memory_space<hbm>>
      tpu.enqueue_dma source(%dma_start3A_36 : memref<2x64xi32, #tpu.memory_space<hbm>>) target(%arg7 : memref<2x64xi32, #tpu.memory_space<vmem>>) target_semaphore(%run_scoped3A_28 : memref<!tpu.dma_semaphore, #tpu.memory_space<semaphore_mem>>)
      %dma_wait3A = arith.constant 0 : i32
      %dma_wait3A_37 = arith.constant 0 : i32
      %dma_wait3A_38 = tpu.memref_slice %arg4[%add3A, %run_scoped3A, %dma_wait3A, %dma_wait3A_37] : memref<32x80x2x64xi32, #tpu.memory_space<hbm>> -> memref<1x1x2x64xi32, #tpu.memory_space<hbm>>
      %dma_wait3A_39 = tpu.memref_squeeze %dma_wait3A_38 : memref<1x1x2x64xi32, #tpu.memory_space<hbm>> -> memref<2x64xi32, #tpu.memory_space<hbm>>
      %dma_wait3A_40 = arith.constant 0 : i32
      %dma_wait3A_41 = arith.constant 0 : i32
      %dma_wait3A_42 = tpu.memref_slice %arg4[%add3A, %run_scoped3A, %dma_wait3A_40, %dma_wait3A_41] : memref<32x80x2x64xi32, #tpu.memory_space<hbm>> -> memref<1x1x2x64xi32, #tpu.memory_space<hbm>>
      %dma_wait3A_43 = tpu.memref_squeeze %dma_wait3A_42 : memref<1x1x2x64xi32, #tpu.memory_space<hbm>> -> memref<2x64xi32, #tpu.memory_space<hbm>>
      tpu.wait_dma2 semaphore(%run_scoped3A_28 : memref<!tpu.dma_semaphore, #tpu.memory_space<semaphore_mem>>) src(%dma_wait3A_43 : memref<2x64xi32, #tpu.memory_space<hbm>>) dst(%arg7 : memref<2x64xi32, #tpu.memory_space<vmem>>)
      tpu.yield
    }) : () -> ()
    %dma_start3A = arith.constant 0 : i32
    %dma_start3A_5 = arith.constant 0 : i32
    %dma_start3A_6 = tpu.memref_slice %arg7[%dma_start3A, %dma_start3A_5] : memref<2x64xi32, #tpu.memory_space<vmem>> -> memref<1x64xi32, #tpu.memory_space<vmem>>
    %dma_start3A_7 = tpu.memref_squeeze %dma_start3A_6 : memref<1x64xi32, #tpu.memory_space<vmem>> -> memref<64xi32, #tpu.memory_space<vmem>>
    %dma_start3A_8 = arith.constant 0 : i32
    %dma_start3A_9 = arith.constant 0 : i32
    %dma_start3A_10 = tpu.memref_slice %arg2[%dma_start3A_8, %dma_start3A_9] : memref<10000x128xf32, #tpu.memory_space<hbm>> -> memref<10000x128xf32, #tpu.memory_space<hbm>>
    tpu.enqueue_indirect_dma source(%dma_start3A_10 : memref<10000x128xf32, #tpu.memory_space<hbm>>) target(%arg9 : memref<64x128xf32, #tpu.memory_space<vmem>>) offsets(%dma_start3A_7 : memref<64xi32, #tpu.memory_space<vmem>>) semaphore(%arg13 : memref<!tpu.dma_semaphore, #tpu.memory_space<semaphore_mem>>)
    %dma_start3A_11 = arith.constant 1 : i32
    %dma_start3A_12 = arith.constant 0 : i32
    %dma_start3A_13 = tpu.memref_slice %arg7[%dma_start3A_11, %dma_start3A_12] : memref<2x64xi32, #tpu.memory_space<vmem>> -> memref<1x64xi32, #tpu.memory_space<vmem>>
    %dma_start3A_14 = tpu.memref_squeeze %dma_start3A_13 : memref<1x64xi32, #tpu.memory_space<vmem>> -> memref<64xi32, #tpu.memory_space<vmem>>
    %dma_start3A_15 = arith.constant 0 : i32
    %dma_start3A_16 = arith.constant 0 : i32
    %dma_start3A_17 = tpu.memref_slice %arg3[%dma_start3A_15, %dma_start3A_16] : memref<10000x128xf32, #tpu.memory_space<hbm>> -> memref<10000x128xf32, #tpu.memory_space<hbm>>
    tpu.enqueue_indirect_dma source(%dma_start3A_17 : memref<10000x128xf32, #tpu.memory_space<hbm>>) target(%arg10 : memref<64x128xf32, #tpu.memory_space<vmem>>) offsets(%dma_start3A_14 : memref<64xi32, #tpu.memory_space<vmem>>) semaphore(%arg13 : memref<!tpu.dma_semaphore, #tpu.memory_space<semaphore_mem>>)
    %scan3A = arith.constant 0 : i32
    %scan3A_18 = arith.constant 0 : i32
    %scan3A_19 = arith.constant 40 : i32
    %scan3A_20 = arith.addi %scan3A_18, %scan3A_19 : i32
    %scan3A_21 = arith.constant 1 : i32
    scf.for %scan3A_28 = %scan3A_18 to %scan3A_20 step %scan3A_21  : i32 {
      %mul3A_29 = arith.constant 2 : i32
      %mul3A_30 = arith.muli %mul3A_29, %scan3A_28 : i32
      %add3A_31 = arith.constant 1 : i32
      %add3A_32 = arith.addi %mul3A_30, %add3A_31 : i32
      "tpu.region"() ({
        %run_scoped3A_86 = tpu.sem_alloc : memref<!tpu.dma_semaphore, #tpu.memory_space<semaphore_mem>>
        %dma_start3A_87 = arith.constant 0 : i32
        %dma_start3A_88 = arith.constant 0 : i32
        %dma_start3A_89 = tpu.memref_slice %arg4[%add3A, %add3A_32, %dma_start3A_87, %dma_start3A_88] : memref<32x80x2x64xi32, #tpu.memory_space<hbm>> -> memref<1x1x2x64xi32, #tpu.memory_space<hbm>>
        %dma_start3A_90 = tpu.memref_squeeze %dma_start3A_89 : memref<1x1x2x64xi32, #tpu.memory_space<hbm>> -> memref<2x64xi32, #tpu.memory_space<hbm>>
        %dma_start3A_91 = arith.constant 0 : i32
        %dma_start3A_92 = arith.constant 0 : i32
        %dma_start3A_93 = tpu.memref_slice %arg4[%add3A, %add3A_32, %dma_start3A_91, %dma_start3A_92] : memref<32x80x2x64xi32, #tpu.memory_space<hbm>> -> memref<1x1x2x64xi32, #tpu.memory_space<hbm>>
        %dma_start3A_94 = tpu.memref_squeeze %dma_start3A_93 : memref<1x1x2x64xi32, #tpu.memory_space<hbm>> -> memref<2x64xi32, #tpu.memory_space<hbm>>
        tpu.enqueue_dma source(%dma_start3A_94 : memref<2x64xi32, #tpu.memory_space<hbm>>) target(%arg8 : memref<2x64xi32, #tpu.memory_space<vmem>>) target_semaphore(%run_scoped3A_86 : memref<!tpu.dma_semaphore, #tpu.memory_space<semaphore_mem>>)
        %dma_wait3A_95 = arith.constant 0 : i32
        %dma_wait3A_96 = arith.constant 0 : i32
        %dma_wait3A_97 = tpu.memref_slice %arg4[%add3A, %add3A_32, %dma_wait3A_95, %dma_wait3A_96] : memref<32x80x2x64xi32, #tpu.memory_space<hbm>> -> memref<1x1x2x64xi32, #tpu.memory_space<hbm>>
        %dma_wait3A_98 = tpu.memref_squeeze %dma_wait3A_97 : memref<1x1x2x64xi32, #tpu.memory_space<hbm>> -> memref<2x64xi32, #tpu.memory_space<hbm>>
        %dma_wait3A_99 = arith.constant 0 : i32
        %dma_wait3A_100 = arith.constant 0 : i32
        %dma_wait3A_101 = tpu.memref_slice %arg4[%add3A, %add3A_32, %dma_wait3A_99, %dma_wait3A_100] : memref<32x80x2x64xi32, #tpu.memory_space<hbm>> -> memref<1x1x2x64xi32, #tpu.memory_space<hbm>>
        %dma_wait3A_102 = tpu.memref_squeeze %dma_wait3A_101 : memref<1x1x2x64xi32, #tpu.memory_space<hbm>> -> memref<2x64xi32, #tpu.memory_space<hbm>>
        tpu.wait_dma2 semaphore(%run_scoped3A_86 : memref<!tpu.dma_semaphore, #tpu.memory_space<semaphore_mem>>) src(%dma_wait3A_102 : memref<2x64xi32, #tpu.memory_space<hbm>>) dst(%arg8 : memref<2x64xi32, #tpu.memory_space<vmem>>)
        tpu.yield
      }) : () -> ()
      %dma_start3A_33 = arith.constant 0 : i32
      %dma_start3A_34 = arith.constant 0 : i32
      %dma_start3A_35 = tpu.memref_slice %arg8[%dma_start3A_33, %dma_start3A_34] : memref<2x64xi32, #tpu.memory_space<vmem>> -> memref<1x64xi32, #tpu.memory_space<vmem>>
      %dma_start3A_36 = tpu.memref_squeeze %dma_start3A_35 : memref<1x64xi32, #tpu.memory_space<vmem>> -> memref<64xi32, #tpu.memory_space<vmem>>
      %dma_start3A_37 = arith.constant 0 : i32
      %dma_start3A_38 = arith.constant 0 : i32
      %dma_start3A_39 = tpu.memref_slice %arg2[%dma_start3A_37, %dma_start3A_38] : memref<10000x128xf32, #tpu.memory_space<hbm>> -> memref<10000x128xf32, #tpu.memory_space<hbm>>
      tpu.enqueue_indirect_dma source(%dma_start3A_39 : memref<10000x128xf32, #tpu.memory_space<hbm>>) target(%arg11 : memref<64x128xf32, #tpu.memory_space<vmem>>) offsets(%dma_start3A_36 : memref<64xi32, #tpu.memory_space<vmem>>) semaphore(%arg14 : memref<!tpu.dma_semaphore, #tpu.memory_space<semaphore_mem>>)
      %dma_start3A_40 = arith.constant 1 : i32
      %dma_start3A_41 = arith.constant 0 : i32
      %dma_start3A_42 = tpu.memref_slice %arg8[%dma_start3A_40, %dma_start3A_41] : memref<2x64xi32, #tpu.memory_space<vmem>> -> memref<1x64xi32, #tpu.memory_space<vmem>>
      %dma_start3A_43 = tpu.memref_squeeze %dma_start3A_42 : memref<1x64xi32, #tpu.memory_space<vmem>> -> memref<64xi32, #tpu.memory_space<vmem>>
      %dma_start3A_44 = arith.constant 0 : i32
      %dma_start3A_45 = arith.constant 0 : i32
      %dma_start3A_46 = tpu.memref_slice %arg3[%dma_start3A_44, %dma_start3A_45] : memref<10000x128xf32, #tpu.memory_space<hbm>> -> memref<10000x128xf32, #tpu.memory_space<hbm>>
      tpu.enqueue_indirect_dma source(%dma_start3A_46 : memref<10000x128xf32, #tpu.memory_space<hbm>>) target(%arg12 : memref<64x128xf32, #tpu.memory_space<vmem>>) offsets(%dma_start3A_43 : memref<64xi32, #tpu.memory_space<vmem>>) semaphore(%arg14 : memref<!tpu.dma_semaphore, #tpu.memory_space<semaphore_mem>>)
      %dma_wait3A = arith.constant 0 : i32
      %dma_wait3A_47 = arith.constant 0 : i32
      %dma_wait3A_48 = tpu.memref_slice %arg2[%dma_wait3A, %dma_wait3A_47] : memref<10000x128xf32, #tpu.memory_space<hbm>> -> memref<64x128xf32, #tpu.memory_space<hbm>>
      %dma_wait3A_49 = arith.constant 0 : i32
      %dma_wait3A_50 = arith.constant 0 : i32
      %dma_wait3A_51 = tpu.memref_slice %arg2[%dma_wait3A_49, %dma_wait3A_50] : memref<10000x128xf32, #tpu.memory_space<hbm>> -> memref<64x128xf32, #tpu.memory_space<hbm>>
      tpu.wait_dma2 semaphore(%arg13 : memref<!tpu.dma_semaphore, #tpu.memory_space<semaphore_mem>>) src(%dma_wait3A_51 : memref<64x128xf32, #tpu.memory_space<hbm>>) dst(%arg9 : memref<64x128xf32, #tpu.memory_space<vmem>>)
      %dma_wait3A_52 = arith.constant 0 : i32
      %dma_wait3A_53 = arith.constant 0 : i32
      %dma_wait3A_54 = tpu.memref_slice %arg3[%dma_wait3A_52, %dma_wait3A_53] : memref<10000x128xf32, #tpu.memory_space<hbm>> -> memref<64x128xf32, #tpu.memory_space<hbm>>
      %dma_wait3A_55 = arith.constant 0 : i32
      %dma_wait3A_56 = arith.constant 0 : i32
      %dma_wait3A_57 = tpu.memref_slice %arg3[%dma_wait3A_55, %dma_wait3A_56] : memref<10000x128xf32, #tpu.memory_space<hbm>> -> memref<64x128xf32, #tpu.memory_space<hbm>>
      tpu.wait_dma2 semaphore(%arg13 : memref<!tpu.dma_semaphore, #tpu.memory_space<semaphore_mem>>) src(%dma_wait3A_57 : memref<64x128xf32, #tpu.memory_space<hbm>>) dst(%arg10 : memref<64x128xf32, #tpu.memory_space<vmem>>)
      %scan3A_58 = arith.constant 0 : i32
      %scan3A_59 = arith.constant 0 : i32
      %scan3A_60 = arith.constant 64 : i32
      %scan3A_61 = arith.addi %scan3A_59, %scan3A_60 : i32
      %scan3A_62 = arith.constant 1 : i32
      scf.for %scan3A_86 = %scan3A_59 to %scan3A_61 step %scan3A_62  : i32 {
        %get3A = arith.index_cast %scan3A_86 : i32 to index
        %get3A_87 = arith.constant 64 : index
        %get3A_88 = tpu.vector_load %arg9[%get3A, %get3A_87] {strides = array<i32>} : memref<64x128xf32, #tpu.memory_space<vmem>>, vector<1x16xf32>,
        %get3A_89 = vector.shape_cast %get3A_88 : vector<1x16xf32> to vector<16xf32>
        %get3A_90 = arith.index_cast %scan3A_86 : i32 to index
        %get3A_91 = arith.constant 0 : index
        %get3A_92 = tpu.vector_load %arg10[%get3A_90, %get3A_91] {strides = array<i32>} : memref<64x128xf32, #tpu.memory_space<vmem>>, vector<1x16xf32>,
        %get3A_93 = vector.shape_cast %get3A_92 : vector<1x16xf32> to vector<16xf32>
        %add3A_94 = arith.addf %get3A_89, %get3A_93 : vector<16xf32>
        %mul3A_95 = arith.constant 2.000000e-01 : f32
        %mul3A_96 = vector.broadcast %mul3A_95 : f32 to vector<16xf32>
        %mul3A_97 = arith.mulf %mul3A_96, %add3A_94 : vector<16xf32>
        %max3A = arith.maximumf %add3A_94, %mul3A_97 : vector<16xf32>
        %exp3A = math.exp %max3A : vector<16xf32>
        %get3A_98 = arith.index_cast %scan3A_86 : i32 to index
        %get3A_99 = arith.constant 0 : index
        %get3A_100 = tpu.vector_load %arg9[%get3A_98, %get3A_99] {strides = array<i32>} : memref<64x128xf32, #tpu.memory_space<vmem>>, vector<1x16xf32>,
        %get3A_101 = vector.shape_cast %get3A_100 : vector<1x16xf32> to vector<16xf32>
        %mul3A_102 = arith.mulf %get3A_101, %exp3A : vector<16xf32>
        %swap3A = arith.index_cast %scan3A_86 : i32 to index
        %swap3A_103 = arith.constant 0 : index
        %swap3A_104 = tpu.vector_load %arg9[%swap3A, %swap3A_103] {strides = array<i32>} : memref<64x128xf32, #tpu.memory_space<vmem>>, vector<1x16xf32>,
        %swap3A_105 = vector.shape_cast %swap3A_104 : vector<1x16xf32> to vector<16xf32>
        %swap3A_106 = vector.shape_cast %mul3A_102 : vector<16xf32> to vector<1x16xf32>
        tpu.vector_store %arg9[%swap3A, %swap3A_103], %swap3A_106 {strides = array<i32>} : memref<64x128xf32, #tpu.memory_space<vmem>>, vector<1x16xf32>,
        %get3A_107 = arith.index_cast %scan3A_86 : i32 to index
        %get3A_108 = arith.constant 16 : index
        %get3A_109 = tpu.vector_load %arg9[%get3A_107, %get3A_108] {strides = array<i32>} : memref<64x128xf32, #tpu.memory_space<vmem>>, vector<1x16xf32>,
        %get3A_110 = vector.shape_cast %get3A_109 : vector<1x16xf32> to vector<16xf32>
        %mul3A_111 = arith.mulf %get3A_110, %exp3A : vector<16xf32>
        %swap3A_112 = arith.index_cast %scan3A_86 : i32 to index
        %swap3A_113 = arith.constant 16 : index
        %swap3A_114 = tpu.vector_load %arg9[%swap3A_112, %swap3A_113] {strides = array<i32>} : memref<64x128xf32, #tpu.memory_space<vmem>>, vector<1x16xf32>,
        %swap3A_115 = vector.shape_cast %swap3A_114 : vector<1x16xf32> to vector<16xf32>
        %swap3A_116 = vector.shape_cast %mul3A_111 : vector<16xf32> to vector<1x16xf32>
        tpu.vector_store %arg9[%swap3A_112, %swap3A_113], %swap3A_116 {strides = array<i32>} : memref<64x128xf32, #tpu.memory_space<vmem>>, vector<1x16xf32>,
        %get3A_117 = arith.index_cast %scan3A_86 : i32 to index
        %get3A_118 = arith.constant 32 : index
        %get3A_119 = tpu.vector_load %arg9[%get3A_117, %get3A_118] {strides = array<i32>} : memref<64x128xf32, #tpu.memory_space<vmem>>, vector<1x16xf32>,
        %get3A_120 = vector.shape_cast %get3A_119 : vector<1x16xf32> to vector<16xf32>
        %mul3A_121 = arith.mulf %get3A_120, %exp3A : vector<16xf32>
        %swap3A_122 = arith.index_cast %scan3A_86 : i32 to index
        %swap3A_123 = arith.constant 32 : index
        %swap3A_124 = tpu.vector_load %arg9[%swap3A_122, %swap3A_123] {strides = array<i32>} : memref<64x128xf32, #tpu.memory_space<vmem>>, vector<1x16xf32>,
        %swap3A_125 = vector.shape_cast %swap3A_124 : vector<1x16xf32> to vector<16xf32>
        %swap3A_126 = vector.shape_cast %mul3A_121 : vector<16xf32> to vector<1x16xf32>
        tpu.vector_store %arg9[%swap3A_122, %swap3A_123], %swap3A_126 {strides = array<i32>} : memref<64x128xf32, #tpu.memory_space<vmem>>, vector<1x16xf32>,
        %get3A_127 = arith.index_cast %scan3A_86 : i32 to index
        %get3A_128 = arith.constant 48 : index
        %get3A_129 = tpu.vector_load %arg9[%get3A_127, %get3A_128] {strides = array<i32>} : memref<64x128xf32, #tpu.memory_space<vmem>>, vector<1x16xf32>,
        %get3A_130 = vector.shape_cast %get3A_129 : vector<1x16xf32> to vector<16xf32>
        %mul3A_131 = arith.mulf %get3A_130, %exp3A : vector<16xf32>
        %swap3A_132 = arith.index_cast %scan3A_86 : i32 to index
        %swap3A_133 = arith.constant 48 : index
        %swap3A_134 = tpu.vector_load %arg9[%swap3A_132, %swap3A_133] {strides = array<i32>} : memref<64x128xf32, #tpu.memory_space<vmem>>, vector<1x16xf32>,
        %swap3A_135 = vector.shape_cast %swap3A_134 : vector<1x16xf32> to vector<16xf32>
        %swap3A_136 = vector.shape_cast %mul3A_131 : vector<16xf32> to vector<1x16xf32>
        tpu.vector_store %arg9[%swap3A_132, %swap3A_133], %swap3A_136 {strides = array<i32>} : memref<64x128xf32, #tpu.memory_space<vmem>>, vector<1x16xf32>,
        %swap3A_137 = arith.index_cast %scan3A_86 : i32 to index
        %swap3A_138 = arith.constant 64 : index
        %swap3A_139 = tpu.vector_load %arg9[%swap3A_137, %swap3A_138] {strides = array<i32>} : memref<64x128xf32, #tpu.memory_space<vmem>>, vector<1x16xf32>,
        %swap3A_140 = vector.shape_cast %swap3A_139 : vector<1x16xf32> to vector<16xf32>
        %swap3A_141 = vector.shape_cast %exp3A : vector<16xf32> to vector<1x16xf32>
        tpu.vector_store %arg9[%swap3A_137, %swap3A_138], %swap3A_141 {strides = array<i32>} : memref<64x128xf32, #tpu.memory_space<vmem>>, vector<1x16xf32>,
      }
      %scan3A_63 = arith.constant 64 : i32
      %run_scoped3A_64 = arith.constant 1 : i32
      "tpu.region"() ({
        %run_scoped3A_86 = tpu.sem_alloc : memref<!tpu.dma_semaphore, #tpu.memory_space<semaphore_mem>>
        %dma_start3A_87 = arith.constant 0 : i32
        %dma_start3A_88 = tpu.memref_slice %arg7[%run_scoped3A_64, %dma_start3A_87] : memref<2x64xi32, #tpu.memory_space<vmem>> -> memref<1x64xi32, #tpu.memory_space<vmem>>
        %dma_start3A_89 = tpu.memref_squeeze %dma_start3A_88 : memref<1x64xi32, #tpu.memory_space<vmem>> -> memref<64xi32, #tpu.memory_space<vmem>>
        %dma_start3A_90 = arith.constant 0 : i32
        %dma_start3A_91 = arith.constant 0 : i32
        %dma_start3A_92 = tpu.memref_slice %arg15[%dma_start3A_90, %dma_start3A_91] : memref<10240x128xf32, #tpu.memory_space<vmem_shared>> -> memref<10240x128xf32, #tpu.memory_space<vmem_shared>>
        tpu.enqueue_indirect_dma source(%arg9 : memref<64x128xf32, #tpu.memory_space<vmem>>) target(%dma_start3A_92 : memref<10240x128xf32, #tpu.memory_space<vmem_shared>>) offsets(%dma_start3A_89 : memref<64xi32, #tpu.memory_space<vmem>>) semaphore(%run_scoped3A_86 : memref<!tpu.dma_semaphore, #tpu.memory_space<semaphore_mem>>) {add = true}
        %dma_wait3A_93 = arith.constant 0 : i32
        %dma_wait3A_94 = tpu.memref_slice %arg7[%run_scoped3A_64, %dma_wait3A_93] : memref<2x64xi32, #tpu.memory_space<vmem>> -> memref<1x64xi32, #tpu.memory_space<vmem>>
        %dma_wait3A_95 = tpu.memref_squeeze %dma_wait3A_94 : memref<1x64xi32, #tpu.memory_space<vmem>> -> memref<64xi32, #tpu.memory_space<vmem>>
        %dma_wait3A_96 = arith.constant 0 : i32
        %dma_wait3A_97 = arith.constant 0 : i32
        %dma_wait3A_98 = tpu.memref_slice %arg15[%dma_wait3A_96, %dma_wait3A_97] : memref<10240x128xf32, #tpu.memory_space<vmem_shared>> -> memref<10240x128xf32, #tpu.memory_space<vmem_shared>>
        tpu.wait_indirect_dma semaphore(%run_scoped3A_86 : memref<!tpu.dma_semaphore, #tpu.memory_space<semaphore_mem>>) src(%arg9 : memref<64x128xf32, #tpu.memory_space<vmem>>) dst(%dma_wait3A_98 : memref<10240x128xf32, #tpu.memory_space<vmem_shared>>)
        tpu.yield
      }) : () -> ()
      %lt3A = arith.constant 39 : i32
      %lt3A_65 = arith.cmpi slt, %scan3A_28, %lt3A : i32
      %convert_element_type3A = arith.extui %lt3A_65 : i1 to i32
      %cond3A = arith.constant 0 : i32
      %cond3A_66 = arith.cmpi ne, %convert_element_type3A, %cond3A : i32
      scf.if %cond3A_66 {
        %mul3A_86 = arith.constant 2 : i32
        %mul3A_87 = arith.muli %mul3A_86, %scan3A_28 : i32
        %add3A_88 = arith.constant 2 : i32
        %add3A_89 = arith.addi %mul3A_87, %add3A_88 : i32
        "tpu.region"() ({
          %run_scoped3A_104 = tpu.sem_alloc : memref<!tpu.dma_semaphore, #tpu.memory_space<semaphore_mem>>
          %dma_start3A_105 = arith.constant 0 : i32
          %dma_start3A_106 = arith.constant 0 : i32
          %dma_start3A_107 = tpu.memref_slice %arg4[%add3A, %add3A_89, %dma_start3A_105, %dma_start3A_106] : memref<32x80x2x64xi32, #tpu.memory_space<hbm>> -> memref<1x1x2x64xi32, #tpu.memory_space<hbm>>
          %dma_start3A_108 = tpu.memref_squeeze %dma_start3A_107 : memref<1x1x2x64xi32, #tpu.memory_space<hbm>> -> memref<2x64xi32, #tpu.memory_space<hbm>>
          %dma_start3A_109 = arith.constant 0 : i32
          %dma_start3A_110 = arith.constant 0 : i32
          %dma_start3A_111 = tpu.memref_slice %arg4[%add3A, %add3A_89, %dma_start3A_109, %dma_start3A_110] : memref<32x80x2x64xi32, #tpu.memory_space<hbm>> -> memref<1x1x2x64xi32, #tpu.memory_space<hbm>>
          %dma_start3A_112 = tpu.memref_squeeze %dma_start3A_111 : memref<1x1x2x64xi32, #tpu.memory_space<hbm>> -> memref<2x64xi32, #tpu.memory_space<hbm>>
          tpu.enqueue_dma source(%dma_start3A_112 : memref<2x64xi32, #tpu.memory_space<hbm>>) target(%arg7 : memref<2x64xi32, #tpu.memory_space<vmem>>) target_semaphore(%run_scoped3A_104 : memref<!tpu.dma_semaphore, #tpu.memory_space<semaphore_mem>>)
          %dma_wait3A_113 = arith.constant 0 : i32
          %dma_wait3A_114 = arith.constant 0 : i32
          %dma_wait3A_115 = tpu.memref_slice %arg4[%add3A, %add3A_89, %dma_wait3A_113, %dma_wait3A_114] : memref<32x80x2x64xi32, #tpu.memory_space<hbm>> -> memref<1x1x2x64xi32, #tpu.memory_space<hbm>>
          %dma_wait3A_116 = tpu.memref_squeeze %dma_wait3A_115 : memref<1x1x2x64xi32, #tpu.memory_space<hbm>> -> memref<2x64xi32, #tpu.memory_space<hbm>>
          %dma_wait3A_117 = arith.constant 0 : i32
          %dma_wait3A_118 = arith.constant 0 : i32
          %dma_wait3A_119 = tpu.memref_slice %arg4[%add3A, %add3A_89, %dma_wait3A_117, %dma_wait3A_118] : memref<32x80x2x64xi32, #tpu.memory_space<hbm>> -> memref<1x1x2x64xi32, #tpu.memory_space<hbm>>
          %dma_wait3A_120 = tpu.memref_squeeze %dma_wait3A_119 : memref<1x1x2x64xi32, #tpu.memory_space<hbm>> -> memref<2x64xi32, #tpu.memory_space<hbm>>
          tpu.wait_dma2 semaphore(%run_scoped3A_104 : memref<!tpu.dma_semaphore, #tpu.memory_space<semaphore_mem>>) src(%dma_wait3A_120 : memref<2x64xi32, #tpu.memory_space<hbm>>) dst(%arg7 : memref<2x64xi32, #tpu.memory_space<vmem>>)
          tpu.yield
        }) : () -> ()
        %dma_start3A_90 = arith.constant 0 : i32
        %dma_start3A_91 = arith.constant 0 : i32
        %dma_start3A_92 = tpu.memref_slice %arg7[%dma_start3A_90, %dma_start3A_91] : memref<2x64xi32, #tpu.memory_space<vmem>> -> memref<1x64xi32, #tpu.memory_space<vmem>>
        %dma_start3A_93 = tpu.memref_squeeze %dma_start3A_92 : memref<1x64xi32, #tpu.memory_space<vmem>> -> memref<64xi32, #tpu.memory_space<vmem>>
        %dma_start3A_94 = arith.constant 0 : i32
        %dma_start3A_95 = arith.constant 0 : i32
        %dma_start3A_96 = tpu.memref_slice %arg2[%dma_start3A_94, %dma_start3A_95] : memref<10000x128xf32, #tpu.memory_space<hbm>> -> memref<10000x128xf32, #tpu.memory_space<hbm>>
        tpu.enqueue_indirect_dma source(%dma_start3A_96 : memref<10000x128xf32, #tpu.memory_space<hbm>>) target(%arg9 : memref<64x128xf32, #tpu.memory_space<vmem>>) offsets(%dma_start3A_93 : memref<64xi32, #tpu.memory_space<vmem>>) semaphore(%arg13 : memref<!tpu.dma_semaphore, #tpu.memory_space<semaphore_mem>>)
        %dma_start3A_97 = arith.constant 1 : i32
        %dma_start3A_98 = arith.constant 0 : i32
        %dma_start3A_99 = tpu.memref_slice %arg7[%dma_start3A_97, %dma_start3A_98] : memref<2x64xi32, #tpu.memory_space<vmem>> -> memref<1x64xi32, #tpu.memory_space<vmem>>
        %dma_start3A_100 = tpu.memref_squeeze %dma_start3A_99 : memref<1x64xi32, #tpu.memory_space<vmem>> -> memref<64xi32, #tpu.memory_space<vmem>>
        %dma_start3A_101 = arith.constant 0 : i32
        %dma_start3A_102 = arith.constant 0 : i32
        %dma_start3A_103 = tpu.memref_slice %arg3[%dma_start3A_101, %dma_start3A_102] : memref<10000x128xf32, #tpu.memory_space<hbm>> -> memref<10000x128xf32, #tpu.memory_space<hbm>>
        tpu.enqueue_indirect_dma source(%dma_start3A_103 : memref<10000x128xf32, #tpu.memory_space<hbm>>) target(%arg10 : memref<64x128xf32, #tpu.memory_space<vmem>>) offsets(%dma_start3A_100 : memref<64xi32, #tpu.memory_space<vmem>>) semaphore(%arg13 : memref<!tpu.dma_semaphore, #tpu.memory_space<semaphore_mem>>)
      } else {
      }
      %dma_wait3A_67 = arith.constant 0 : i32
      %dma_wait3A_68 = arith.constant 0 : i32
      %dma_wait3A_69 = tpu.memref_slice %arg2[%dma_wait3A_67, %dma_wait3A_68] : memref<10000x128xf32, #tpu.memory_space<hbm>> -> memref<64x128xf32, #tpu.memory_space<hbm>>
      %dma_wait3A_70 = arith.constant 0 : i32
      %dma_wait3A_71 = arith.constant 0 : i32
      %dma_wait3A_72 = tpu.memref_slice %arg2[%dma_wait3A_70, %dma_wait3A_71] : memref<10000x128xf32, #tpu.memory_space<hbm>> -> memref<64x128xf32, #tpu.memory_space<hbm>>
      tpu.wait_dma2 semaphore(%arg14 : memref<!tpu.dma_semaphore, #tpu.memory_space<semaphore_mem>>) src(%dma_wait3A_72 : memref<64x128xf32, #tpu.memory_space<hbm>>) dst(%arg11 : memref<64x128xf32, #tpu.memory_space<vmem>>)
      %dma_wait3A_73 = arith.constant 0 : i32
      %dma_wait3A_74 = arith.constant 0 : i32
      %dma_wait3A_75 = tpu.memref_slice %arg3[%dma_wait3A_73, %dma_wait3A_74] : memref<10000x128xf32, #tpu.memory_space<hbm>> -> memref<64x128xf32, #tpu.memory_space<hbm>>
      %dma_wait3A_76 = arith.constant 0 : i32
      %dma_wait3A_77 = arith.constant 0 : i32
      %dma_wait3A_78 = tpu.memref_slice %arg3[%dma_wait3A_76, %dma_wait3A_77] : memref<10000x128xf32, #tpu.memory_space<hbm>> -> memref<64x128xf32, #tpu.memory_space<hbm>>
      tpu.wait_dma2 semaphore(%arg14 : memref<!tpu.dma_semaphore, #tpu.memory_space<semaphore_mem>>) src(%dma_wait3A_78 : memref<64x128xf32, #tpu.memory_space<hbm>>) dst(%arg12 : memref<64x128xf32, #tpu.memory_space<vmem>>)
      %scan3A_79 = arith.constant 0 : i32
      %scan3A_80 = arith.constant 0 : i32
      %scan3A_81 = arith.constant 64 : i32
      %scan3A_82 = arith.addi %scan3A_80, %scan3A_81 : i32
      %scan3A_83 = arith.constant 1 : i32
      scf.for %scan3A_86 = %scan3A_80 to %scan3A_82 step %scan3A_83  : i32 {
        %get3A = arith.index_cast %scan3A_86 : i32 to index
        %get3A_87 = arith.constant 64 : index
        %get3A_88 = tpu.vector_load %arg11[%get3A, %get3A_87] {strides = array<i32>} : memref<64x128xf32, #tpu.memory_space<vmem>>, vector<1x16xf32>,
        %get3A_89 = vector.shape_cast %get3A_88 : vector<1x16xf32> to vector<16xf32>
        %get3A_90 = arith.index_cast %scan3A_86 : i32 to index
        %get3A_91 = arith.constant 0 : index
        %get3A_92 = tpu.vector_load %arg12[%get3A_90, %get3A_91] {strides = array<i32>} : memref<64x128xf32, #tpu.memory_space<vmem>>, vector<1x16xf32>,
        %get3A_93 = vector.shape_cast %get3A_92 : vector<1x16xf32> to vector<16xf32>
        %add3A_94 = arith.addf %get3A_89, %get3A_93 : vector<16xf32>
        %mul3A_95 = arith.constant 2.000000e-01 : f32
        %mul3A_96 = vector.broadcast %mul3A_95 : f32 to vector<16xf32>
        %mul3A_97 = arith.mulf %mul3A_96, %add3A_94 : vector<16xf32>
        %max3A = arith.maximumf %add3A_94, %mul3A_97 : vector<16xf32>
        %exp3A = math.exp %max3A : vector<16xf32>
        %get3A_98 = arith.index_cast %scan3A_86 : i32 to index
        %get3A_99 = arith.constant 0 : index
        %get3A_100 = tpu.vector_load %arg11[%get3A_98, %get3A_99] {strides = array<i32>} : memref<64x128xf32, #tpu.memory_space<vmem>>, vector<1x16xf32>,
        %get3A_101 = vector.shape_cast %get3A_100 : vector<1x16xf32> to vector<16xf32>
        %mul3A_102 = arith.mulf %get3A_101, %exp3A : vector<16xf32>
        %swap3A = arith.index_cast %scan3A_86 : i32 to index
        %swap3A_103 = arith.constant 0 : index
        %swap3A_104 = tpu.vector_load %arg11[%swap3A, %swap3A_103] {strides = array<i32>} : memref<64x128xf32, #tpu.memory_space<vmem>>, vector<1x16xf32>,
        %swap3A_105 = vector.shape_cast %swap3A_104 : vector<1x16xf32> to vector<16xf32>
        %swap3A_106 = vector.shape_cast %mul3A_102 : vector<16xf32> to vector<1x16xf32>
        tpu.vector_store %arg11[%swap3A, %swap3A_103], %swap3A_106 {strides = array<i32>} : memref<64x128xf32, #tpu.memory_space<vmem>>, vector<1x16xf32>,
        %get3A_107 = arith.index_cast %scan3A_86 : i32 to index
        %get3A_108 = arith.constant 16 : index
        %get3A_109 = tpu.vector_load %arg11[%get3A_107, %get3A_108] {strides = array<i32>} : memref<64x128xf32, #tpu.memory_space<vmem>>, vector<1x16xf32>,
        %get3A_110 = vector.shape_cast %get3A_109 : vector<1x16xf32> to vector<16xf32>
        %mul3A_111 = arith.mulf %get3A_110, %exp3A : vector<16xf32>
        %swap3A_112 = arith.index_cast %scan3A_86 : i32 to index
        %swap3A_113 = arith.constant 16 : index
        %swap3A_114 = tpu.vector_load %arg11[%swap3A_112, %swap3A_113] {strides = array<i32>} : memref<64x128xf32, #tpu.memory_space<vmem>>, vector<1x16xf32>,
        %swap3A_115 = vector.shape_cast %swap3A_114 : vector<1x16xf32> to vector<16xf32>
        %swap3A_116 = vector.shape_cast %mul3A_111 : vector<16xf32> to vector<1x16xf32>
        tpu.vector_store %arg11[%swap3A_112, %swap3A_113], %swap3A_116 {strides = array<i32>} : memref<64x128xf32, #tpu.memory_space<vmem>>, vector<1x16xf32>,
        %get3A_117 = arith.index_cast %scan3A_86 : i32 to index
        %get3A_118 = arith.constant 32 : index
        %get3A_119 = tpu.vector_load %arg11[%get3A_117, %get3A_118] {strides = array<i32>} : memref<64x128xf32, #tpu.memory_space<vmem>>, vector<1x16xf32>,
        %get3A_120 = vector.shape_cast %get3A_119 : vector<1x16xf32> to vector<16xf32>
        %mul3A_121 = arith.mulf %get3A_120, %exp3A : vector<16xf32>
        %swap3A_122 = arith.index_cast %scan3A_86 : i32 to index
        %swap3A_123 = arith.constant 32 : index
        %swap3A_124 = tpu.vector_load %arg11[%swap3A_122, %swap3A_123] {strides = array<i32>} : memref<64x128xf32, #tpu.memory_space<vmem>>, vector<1x16xf32>,
        %swap3A_125 = vector.shape_cast %swap3A_124 : vector<1x16xf32> to vector<16xf32>
        %swap3A_126 = vector.shape_cast %mul3A_121 : vector<16xf32> to vector<1x16xf32>
        tpu.vector_store %arg11[%swap3A_122, %swap3A_123], %swap3A_126 {strides = array<i32>} : memref<64x128xf32, #tpu.memory_space<vmem>>, vector<1x16xf32>,
        %get3A_127 = arith.index_cast %scan3A_86 : i32 to index
        %get3A_128 = arith.constant 48 : index
        %get3A_129 = tpu.vector_load %arg11[%get3A_127, %get3A_128] {strides = array<i32>} : memref<64x128xf32, #tpu.memory_space<vmem>>, vector<1x16xf32>,
        %get3A_130 = vector.shape_cast %get3A_129 : vector<1x16xf32> to vector<16xf32>
        %mul3A_131 = arith.mulf %get3A_130, %exp3A : vector<16xf32>
        %swap3A_132 = arith.index_cast %scan3A_86 : i32 to index
        %swap3A_133 = arith.constant 48 : index
        %swap3A_134 = tpu.vector_load %arg11[%swap3A_132, %swap3A_133] {strides = array<i32>} : memref<64x128xf32, #tpu.memory_space<vmem>>, vector<1x16xf32>,
        %swap3A_135 = vector.shape_cast %swap3A_134 : vector<1x16xf32> to vector<16xf32>
        %swap3A_136 = vector.shape_cast %mul3A_131 : vector<16xf32> to vector<1x16xf32>
        tpu.vector_store %arg11[%swap3A_132, %swap3A_133], %swap3A_136 {strides = array<i32>} : memref<64x128xf32, #tpu.memory_space<vmem>>, vector<1x16xf32>,
        %swap3A_137 = arith.index_cast %scan3A_86 : i32 to index
        %swap3A_138 = arith.constant 64 : index
        %swap3A_139 = tpu.vector_load %arg11[%swap3A_137, %swap3A_138] {strides = array<i32>} : memref<64x128xf32, #tpu.memory_space<vmem>>, vector<1x16xf32>,
        %swap3A_140 = vector.shape_cast %swap3A_139 : vector<1x16xf32> to vector<16xf32>
        %swap3A_141 = vector.shape_cast %exp3A : vector<16xf32> to vector<1x16xf32>
        tpu.vector_store %arg11[%swap3A_137, %swap3A_138], %swap3A_141 {strides = array<i32>} : memref<64x128xf32, #tpu.memory_space<vmem>>, vector<1x16xf32>,
      }
      %scan3A_84 = arith.constant 64 : i32
      %run_scoped3A_85 = arith.constant 1 : i32
      "tpu.region"() ({
        %run_scoped3A_86 = tpu.sem_alloc : memref<!tpu.dma_semaphore, #tpu.memory_space<semaphore_mem>>
        %dma_start3A_87 = arith.constant 0 : i32
        %dma_start3A_88 = tpu.memref_slice %arg8[%run_scoped3A_85, %dma_start3A_87] : memref<2x64xi32, #tpu.memory_space<vmem>> -> memref<1x64xi32, #tpu.memory_space<vmem>>
        %dma_start3A_89 = tpu.memref_squeeze %dma_start3A_88 : memref<1x64xi32, #tpu.memory_space<vmem>> -> memref<64xi32, #tpu.memory_space<vmem>>
        %dma_start3A_90 = arith.constant 0 : i32
        %dma_start3A_91 = arith.constant 0 : i32
        %dma_start3A_92 = tpu.memref_slice %arg15[%dma_start3A_90, %dma_start3A_91] : memref<10240x128xf32, #tpu.memory_space<vmem_shared>> -> memref<10240x128xf32, #tpu.memory_space<vmem_shared>>
        tpu.enqueue_indirect_dma source(%arg11 : memref<64x128xf32, #tpu.memory_space<vmem>>) target(%dma_start3A_92 : memref<10240x128xf32, #tpu.memory_space<vmem_shared>>) offsets(%dma_start3A_89 : memref<64xi32, #tpu.memory_space<vmem>>) semaphore(%run_scoped3A_86 : memref<!tpu.dma_semaphore, #tpu.memory_space<semaphore_mem>>) {add = true}
        %dma_wait3A_93 = arith.constant 0 : i32
        %dma_wait3A_94 = tpu.memref_slice %arg8[%run_scoped3A_85, %dma_wait3A_93] : memref<2x64xi32, #tpu.memory_space<vmem>> -> memref<1x64xi32, #tpu.memory_space<vmem>>
        %dma_wait3A_95 = tpu.memref_squeeze %dma_wait3A_94 : memref<1x64xi32, #tpu.memory_space<vmem>> -> memref<64xi32, #tpu.memory_space<vmem>>
        %dma_wait3A_96 = arith.constant 0 : i32
        %dma_wait3A_97 = arith.constant 0 : i32
        %dma_wait3A_98 = tpu.memref_slice %arg15[%dma_wait3A_96, %dma_wait3A_97] : memref<10240x128xf32, #tpu.memory_space<vmem_shared>> -> memref<10240x128xf32, #tpu.memory_space<vmem_shared>>
        tpu.wait_indirect_dma semaphore(%run_scoped3A_86 : memref<!tpu.dma_semaphore, #tpu.memory_space<semaphore_mem>>) src(%arg11 : memref<64x128xf32, #tpu.memory_space<vmem>>) dst(%dma_wait3A_98 : memref<10240x128xf32, #tpu.memory_space<vmem_shared>>)
        tpu.yield
      }) : () -> ()
    }
    %scan3A_22 = arith.constant 40 : i32
    %barrier3A_23 = arith.constant 0 : index
    tpu.barrier barrier_id(%barrier3A_23)
    %mul3A_24 = arith.constant 640 : i32
    %mul3A_25 = arith.muli %arg1, %mul3A_24 : i32
    %mul3A_26 = arith.constant 640 : i32
    %mul3A_27 = arith.muli %arg1, %mul3A_26 : i32
    "tpu.region"() ({
      %run_scoped3A_28 = tpu.sem_alloc : memref<!tpu.dma_semaphore, #tpu.memory_space<semaphore_mem>>
      %dma_start3A_29 = arith.constant 0 : i32
      %dma_start3A_30 = tpu.memref_slice %arg6[%arg0, %mul3A_27, %dma_start3A_29] : memref<2x10240x128xf32, #tpu.memory_space<hbm>> -> memref<1x640x128xf32, #tpu.memory_space<hbm>>
      %dma_start3A_31 = tpu.memref_squeeze %dma_start3A_30 : memref<1x640x128xf32, #tpu.memory_space<hbm>> -> memref<640x128xf32, #tpu.memory_space<hbm>>
      %dma_start3A_32 = arith.constant 0 : i32
      %dma_start3A_33 = tpu.memref_slice %arg15[%mul3A_25, %dma_start3A_32] : memref<10240x128xf32, #tpu.memory_space<vmem_shared>> -> memref<640x128xf32, #tpu.memory_space<vmem_shared>>
      tpu.enqueue_dma source(%dma_start3A_33 : memref<640x128xf32, #tpu.memory_space<vmem_shared>>) target(%dma_start3A_31 : memref<640x128xf32, #tpu.memory_space<hbm>>) target_semaphore(%run_scoped3A_28 : memref<!tpu.dma_semaphore, #tpu.memory_space<semaphore_mem>>)
      %dma_wait3A = arith.constant 0 : i32
      %dma_wait3A_34 = tpu.memref_slice %arg6[%arg0, %mul3A_27, %dma_wait3A] : memref<2x10240x128xf32, #tpu.memory_space<hbm>> -> memref<1x640x128xf32, #tpu.memory_space<hbm>>
      %dma_wait3A_35 = tpu.memref_squeeze %dma_wait3A_34 : memref<1x640x128xf32, #tpu.memory_space<hbm>> -> memref<640x128xf32, #tpu.memory_space<hbm>>
      %dma_wait3A_36 = arith.constant 0 : i32
      %dma_wait3A_37 = tpu.memref_slice %arg15[%mul3A_25, %dma_wait3A_36] : memref<10240x128xf32, #tpu.memory_space<vmem_shared>> -> memref<640x128xf32, #tpu.memory_space<vmem_shared>>
      tpu.wait_dma2 semaphore(%run_scoped3A_28 : memref<!tpu.dma_semaphore, #tpu.memory_space<semaphore_mem>>) src(%dma_wait3A_37 : memref<640x128xf32, #tpu.memory_space<vmem_shared>>) dst(%dma_wait3A_35 : memref<640x128xf32, #tpu.memory_space<hbm>>)
      tpu.yield
    }) : () -> ()
    return
  }
}

#map = affine_map<(d0, d1) -> (0, 0)>
#map1 = affine_map<(d0, d1) -> (0, 0, 0, 0)>
#map2 = affine_map<(d0, d1) -> (0, 0, 0)>
module attributes {stable_mosaic.version = 14 : i64} {
  func.func @k(%arg0: i32, %arg1: i32, %arg2: memref<10000x128xf32, #tpu.memory_space<hbm>>, %arg3: memref<10000x128xf32, #tpu.memory_space<hbm>>, %arg4: memref<32x80x2x64xi32, #tpu.memory_space<hbm>>, %arg5: memref<10240x128xf32, #tpu.memory_space<hbm>>, %arg6: memref<2x10240x128xf32, #tpu.memory_space<hbm>>, %arg7: memref<2x64xi32, #tpu.memory_space<vmem>>, %arg8: memref<2x64xi32, #tpu.memory_space<vmem>>, %arg9: memref<64x128xf32, #tpu.memory_space<vmem>>, %arg10: memref<64x128xf32, #tpu.memory_space<vmem>>, %arg11: memref<64x128xf32, #tpu.memory_space<vmem>>, %arg12: memref<64x128xf32, #tpu.memory_space<vmem>>, %arg13: memref<!tpu.dma_semaphore, #tpu.memory_space<semaphore_mem>>, %arg14: memref<!tpu.dma_semaphore, #tpu.memory_space<semaphore_mem>>, %arg15: memref<10240x128xf32, #tpu.memory_space<vmem_shared>>) attributes {dimension_semantics = [#tpu.dimension_semantics<core_parallel>, #tpu.dimension_semantics<subcore_parallel>], iteration_bounds = array<i64: 2, 16>, scalar_prefetch = 0 : i64, scratch_operands = 9 : i64, tpu.core_type = #tpu.core_type<sc_vector_subcore>, window_params = [{transform_indices = #map}, {transform_indices = #map}, {transform_indices = #map1}, {transform_indices = #map}, {transform_indices = #map2}]} {
    %mul3A = arith.constant 16 : i32
    %mul3A_0 = arith.muli %arg0, %mul3A : i32
    %add3A = arith.addi %mul3A_0, %arg1 : i32
    %mul3A_1 = arith.constant 640 : i32
    %mul3A_2 = arith.muli %arg1, %mul3A_1 : i32
    %mul3A_3 = arith.constant 640 : i32
    %mul3A_4 = arith.muli %arg1, %mul3A_3 : i32
    "tpu.region"() ({
      %run_scoped3A_28 = tpu.sem_alloc : memref<!tpu.dma_semaphore, #tpu.memory_space<semaphore_mem>>
      %dma_start3A_29 = arith.constant 0 : i32
      %dma_start3A_30 = tpu.memref_slice %arg15[%mul3A_4, %dma_start3A_29] : memref<10240x128xf32, #tpu.memory_space<vmem_shared>> -> memref<640x128xf32, #tpu.memory_space<vmem_shared>>
      %dma_start3A_31 = arith.constant 0 : i32
      %dma_start3A_32 = tpu.memref_slice %arg5[%mul3A_2, %dma_start3A_31] : memref<10240x128xf32, #tpu.memory_space<hbm>> -> memref<640x128xf32, #tpu.memory_space<hbm>>
      tpu.enqueue_dma source(%dma_start3A_32 : memref<640x128xf32, #tpu.memory_space<hbm>>) target(%dma_start3A_30 : memref<640x128xf32, #tpu.memory_space<vmem_shared>>) target_semaphore(%run_scoped3A_28 : memref<!tpu.dma_semaphore, #tpu.memory_space<semaphore_mem>>)
      %dma_wait3A = arith.constant 0 : i32
      %dma_wait3A_33 = tpu.memref_slice %arg15[%mul3A_4, %dma_wait3A] : memref<10240x128xf32, #tpu.memory_space<vmem_shared>> -> memref<640x128xf32, #tpu.memory_space<vmem_shared>>
      %dma_wait3A_34 = arith.constant 0 : i32
      %dma_wait3A_35 = tpu.memref_slice %arg5[%mul3A_2, %dma_wait3A_34] : memref<10240x128xf32, #tpu.memory_space<hbm>> -> memref<640x128xf32, #tpu.memory_space<hbm>>
      tpu.wait_dma2 semaphore(%run_scoped3A_28 : memref<!tpu.dma_semaphore, #tpu.memory_space<semaphore_mem>>) src(%dma_wait3A_35 : memref<640x128xf32, #tpu.memory_space<hbm>>) dst(%dma_wait3A_33 : memref<640x128xf32, #tpu.memory_space<vmem_shared>>)
      tpu.yield
    }) : () -> ()
    %barrier3A = arith.constant 0 : index
    tpu.barrier barrier_id(%barrier3A)
    %run_scoped3A = arith.constant 0 : i32
    "tpu.region"() ({
      %run_scoped3A_28 = tpu.sem_alloc : memref<!tpu.dma_semaphore, #tpu.memory_space<semaphore_mem>>
      %dma_start3A_29 = arith.constant 0 : i32
      %dma_start3A_30 = arith.constant 0 : i32
      %dma_start3A_31 = tpu.memref_slice %arg4[%add3A, %run_scoped3A, %dma_start3A_29, %dma_start3A_30] : memref<32x80x2x64xi32, #tpu.memory_space<hbm>> -> memref<1x1x2x64xi32, #tpu.memory_space<hbm>>
      %dma_start3A_32 = tpu.memref_squeeze %dma_start3A_31 : memref<1x1x2x64xi32, #tpu.memory_space<hbm>> -> memref<2x64xi32, #tpu.memory_space<hbm>>
      %dma_start3A_33 = arith.constant 0 : i32
      %dma_start3A_34 = arith.constant 0 : i32
      %dma_start3A_35 = tpu.memref_slice %arg4[%add3A, %run_scoped3A, %dma_start3A_33, %dma_start3A_34] : memref<32x80x2x64xi32, #tpu.memory_space<hbm>> -> memref<1x1x2x64xi32, #tpu.memory_space<hbm>>
      %dma_start3A_36 = tpu.memref_squeeze %dma_start3A_35 : memref<1x1x2x64xi32, #tpu.memory_space<hbm>> -> memref<2x64xi32, #tpu.memory_space<hbm>>
      tpu.enqueue_dma source(%dma_start3A_36 : memref<2x64xi32, #tpu.memory_space<hbm>>) target(%arg7 : memref<2x64xi32, #tpu.memory_space<vmem>>) target_semaphore(%run_scoped3A_28 : memref<!tpu.dma_semaphore, #tpu.memory_space<semaphore_mem>>)
      %dma_wait3A = arith.constant 0 : i32
      %dma_wait3A_37 = arith.constant 0 : i32
      %dma_wait3A_38 = tpu.memref_slice %arg4[%add3A, %run_scoped3A, %dma_wait3A, %dma_wait3A_37] : memref<32x80x2x64xi32, #tpu.memory_space<hbm>> -> memref<1x1x2x64xi32, #tpu.memory_space<hbm>>
      %dma_wait3A_39 = tpu.memref_squeeze %dma_wait3A_38 : memref<1x1x2x64xi32, #tpu.memory_space<hbm>> -> memref<2x64xi32, #tpu.memory_space<hbm>>
      %dma_wait3A_40 = arith.constant 0 : i32
      %dma_wait3A_41 = arith.constant 0 : i32
      %dma_wait3A_42 = tpu.memref_slice %arg4[%add3A, %run_scoped3A, %dma_wait3A_40, %dma_wait3A_41] : memref<32x80x2x64xi32, #tpu.memory_space<hbm>> -> memref<1x1x2x64xi32, #tpu.memory_space<hbm>>
      %dma_wait3A_43 = tpu.memref_squeeze %dma_wait3A_42 : memref<1x1x2x64xi32, #tpu.memory_space<hbm>> -> memref<2x64xi32, #tpu.memory_space<hbm>>
      tpu.wait_dma2 semaphore(%run_scoped3A_28 : memref<!tpu.dma_semaphore, #tpu.memory_space<semaphore_mem>>) src(%dma_wait3A_43 : memref<2x64xi32, #tpu.memory_space<hbm>>) dst(%arg7 : memref<2x64xi32, #tpu.memory_space<vmem>>)
      tpu.yield
    }) : () -> ()
    %dma_start3A = arith.constant 0 : i32
    %dma_start3A_5 = arith.constant 0 : i32
    %dma_start3A_6 = tpu.memref_slice %arg7[%dma_start3A, %dma_start3A_5] : memref<2x64xi32, #tpu.memory_space<vmem>> -> memref<1x64xi32, #tpu.memory_space<vmem>>
    %dma_start3A_7 = tpu.memref_squeeze %dma_start3A_6 : memref<1x64xi32, #tpu.memory_space<vmem>> -> memref<64xi32, #tpu.memory_space<vmem>>
    %dma_start3A_8 = arith.constant 0 : i32
    %dma_start3A_9 = arith.constant 0 : i32
    %dma_start3A_10 = tpu.memref_slice %arg2[%dma_start3A_8, %dma_start3A_9] : memref<10000x128xf32, #tpu.memory_space<hbm>> -> memref<10000x128xf32, #tpu.memory_space<hbm>>
    tpu.enqueue_indirect_dma source(%dma_start3A_10 : memref<10000x128xf32, #tpu.memory_space<hbm>>) target(%arg9 : memref<64x128xf32, #tpu.memory_space<vmem>>) offsets(%dma_start3A_7 : memref<64xi32, #tpu.memory_space<vmem>>) semaphore(%arg13 : memref<!tpu.dma_semaphore, #tpu.memory_space<semaphore_mem>>)
    %dma_start3A_11 = arith.constant 1 : i32
    %dma_start3A_12 = arith.constant 0 : i32
    %dma_start3A_13 = tpu.memref_slice %arg7[%dma_start3A_11, %dma_start3A_12] : memref<2x64xi32, #tpu.memory_space<vmem>> -> memref<1x64xi32, #tpu.memory_space<vmem>>
    %dma_start3A_14 = tpu.memref_squeeze %dma_start3A_13 : memref<1x64xi32, #tpu.memory_space<vmem>> -> memref<64xi32, #tpu.memory_space<vmem>>
    %dma_start3A_15 = arith.constant 0 : i32
    %dma_start3A_16 = arith.constant 0 : i32
    %dma_start3A_17 = tpu.memref_slice %arg3[%dma_start3A_15, %dma_start3A_16] : memref<10000x128xf32, #tpu.memory_space<hbm>> -> memref<10000x128xf32, #tpu.memory_space<hbm>>
    tpu.enqueue_indirect_dma source(%dma_start3A_17 : memref<10000x128xf32, #tpu.memory_space<hbm>>) target(%arg10 : memref<64x128xf32, #tpu.memory_space<vmem>>) offsets(%dma_start3A_14 : memref<64xi32, #tpu.memory_space<vmem>>) semaphore(%arg13 : memref<!tpu.dma_semaphore, #tpu.memory_space<semaphore_mem>>)
    %scan3A = arith.constant 0 : i32
    %scan3A_18 = arith.constant 0 : i32
    %scan3A_19 = arith.constant 40 : i32
    %scan3A_20 = arith.addi %scan3A_18, %scan3A_19 : i32
    %scan3A_21 = arith.constant 1 : i32
    scf.for %scan3A_28 = %scan3A_18 to %scan3A_20 step %scan3A_21  : i32 {
      %mul3A_29 = arith.constant 2 : i32
      %mul3A_30 = arith.muli %mul3A_29, %scan3A_28 : i32
      %add3A_31 = arith.constant 1 : i32
      %add3A_32 = arith.addi %mul3A_30, %add3A_31 : i32
      "tpu.region"() ({
        %run_scoped3A_86 = tpu.sem_alloc : memref<!tpu.dma_semaphore, #tpu.memory_space<semaphore_mem>>
        %dma_start3A_87 = arith.constant 0 : i32
        %dma_start3A_88 = arith.constant 0 : i32
        %dma_start3A_89 = tpu.memref_slice %arg4[%add3A, %add3A_32, %dma_start3A_87, %dma_start3A_88] : memref<32x80x2x64xi32, #tpu.memory_space<hbm>> -> memref<1x1x2x64xi32, #tpu.memory_space<hbm>>
        %dma_start3A_90 = tpu.memref_squeeze %dma_start3A_89 : memref<1x1x2x64xi32, #tpu.memory_space<hbm>> -> memref<2x64xi32, #tpu.memory_space<hbm>>
        %dma_start3A_91 = arith.constant 0 : i32
        %dma_start3A_92 = arith.constant 0 : i32
        %dma_start3A_93 = tpu.memref_slice %arg4[%add3A, %add3A_32, %dma_start3A_91, %dma_start3A_92] : memref<32x80x2x64xi32, #tpu.memory_space<hbm>> -> memref<1x1x2x64xi32, #tpu.memory_space<hbm>>
        %dma_start3A_94 = tpu.memref_squeeze %dma_start3A_93 : memref<1x1x2x64xi32, #tpu.memory_space<hbm>> -> memref<2x64xi32, #tpu.memory_space<hbm>>
        tpu.enqueue_dma source(%dma_start3A_94 : memref<2x64xi32, #tpu.memory_space<hbm>>) target(%arg8 : memref<2x64xi32, #tpu.memory_space<vmem>>) target_semaphore(%run_scoped3A_86 : memref<!tpu.dma_semaphore, #tpu.memory_space<semaphore_mem>>)
        %dma_wait3A_95 = arith.constant 0 : i32
        %dma_wait3A_96 = arith.constant 0 : i32
        %dma_wait3A_97 = tpu.memref_slice %arg4[%add3A, %add3A_32, %dma_wait3A_95, %dma_wait3A_96] : memref<32x80x2x64xi32, #tpu.memory_space<hbm>> -> memref<1x1x2x64xi32, #tpu.memory_space<hbm>>
        %dma_wait3A_98 = tpu.memref_squeeze %dma_wait3A_97 : memref<1x1x2x64xi32, #tpu.memory_space<hbm>> -> memref<2x64xi32, #tpu.memory_space<hbm>>
        %dma_wait3A_99 = arith.constant 0 : i32
        %dma_wait3A_100 = arith.constant 0 : i32
        %dma_wait3A_101 = tpu.memref_slice %arg4[%add3A, %add3A_32, %dma_wait3A_99, %dma_wait3A_100] : memref<32x80x2x64xi32, #tpu.memory_space<hbm>> -> memref<1x1x2x64xi32, #tpu.memory_space<hbm>>
        %dma_wait3A_102 = tpu.memref_squeeze %dma_wait3A_101 : memref<1x1x2x64xi32, #tpu.memory_space<hbm>> -> memref<2x64xi32, #tpu.memory_space<hbm>>
        tpu.wait_dma2 semaphore(%run_scoped3A_86 : memref<!tpu.dma_semaphore, #tpu.memory_space<semaphore_mem>>) src(%dma_wait3A_102 : memref<2x64xi32, #tpu.memory_space<hbm>>) dst(%arg8 : memref<2x64xi32, #tpu.memory_space<vmem>>)
        tpu.yield
      }) : () -> ()
      %dma_start3A_33 = arith.constant 0 : i32
      %dma_start3A_34 = arith.constant 0 : i32
      %dma_start3A_35 = tpu.memref_slice %arg8[%dma_start3A_33, %dma_start3A_34] : memref<2x64xi32, #tpu.memory_space<vmem>> -> memref<1x64xi32, #tpu.memory_space<vmem>>
      %dma_start3A_36 = tpu.memref_squeeze %dma_start3A_35 : memref<1x64xi32, #tpu.memory_space<vmem>> -> memref<64xi32, #tpu.memory_space<vmem>>
      %dma_start3A_37 = arith.constant 0 : i32
      %dma_start3A_38 = arith.constant 0 : i32
      %dma_start3A_39 = tpu.memref_slice %arg2[%dma_start3A_37, %dma_start3A_38] : memref<10000x128xf32, #tpu.memory_space<hbm>> -> memref<10000x128xf32, #tpu.memory_space<hbm>>
      tpu.enqueue_indirect_dma source(%dma_start3A_39 : memref<10000x128xf32, #tpu.memory_space<hbm>>) target(%arg11 : memref<64x128xf32, #tpu.memory_space<vmem>>) offsets(%dma_start3A_36 : memref<64xi32, #tpu.memory_space<vmem>>) semaphore(%arg14 : memref<!tpu.dma_semaphore, #tpu.memory_space<semaphore_mem>>)
      %dma_start3A_40 = arith.constant 1 : i32
      %dma_start3A_41 = arith.constant 0 : i32
      %dma_start3A_42 = tpu.memref_slice %arg8[%dma_start3A_40, %dma_start3A_41] : memref<2x64xi32, #tpu.memory_space<vmem>> -> memref<1x64xi32, #tpu.memory_space<vmem>>
      %dma_start3A_43 = tpu.memref_squeeze %dma_start3A_42 : memref<1x64xi32, #tpu.memory_space<vmem>> -> memref<64xi32, #tpu.memory_space<vmem>>
      %dma_start3A_44 = arith.constant 0 : i32
      %dma_start3A_45 = arith.constant 0 : i32
      %dma_start3A_46 = tpu.memref_slice %arg3[%dma_start3A_44, %dma_start3A_45] : memref<10000x128xf32, #tpu.memory_space<hbm>> -> memref<10000x128xf32, #tpu.memory_space<hbm>>
      tpu.enqueue_indirect_dma source(%dma_start3A_46 : memref<10000x128xf32, #tpu.memory_space<hbm>>) target(%arg12 : memref<64x128xf32, #tpu.memory_space<vmem>>) offsets(%dma_start3A_43 : memref<64xi32, #tpu.memory_space<vmem>>) semaphore(%arg14 : memref<!tpu.dma_semaphore, #tpu.memory_space<semaphore_mem>>)
      %dma_wait3A = arith.constant 0 : i32
      %dma_wait3A_47 = arith.constant 0 : i32
      %dma_wait3A_48 = tpu.memref_slice %arg2[%dma_wait3A, %dma_wait3A_47] : memref<10000x128xf32, #tpu.memory_space<hbm>> -> memref<64x128xf32, #tpu.memory_space<hbm>>
      %dma_wait3A_49 = arith.constant 0 : i32
      %dma_wait3A_50 = arith.constant 0 : i32
      %dma_wait3A_51 = tpu.memref_slice %arg2[%dma_wait3A_49, %dma_wait3A_50] : memref<10000x128xf32, #tpu.memory_space<hbm>> -> memref<64x128xf32, #tpu.memory_space<hbm>>
      tpu.wait_dma2 semaphore(%arg13 : memref<!tpu.dma_semaphore, #tpu.memory_space<semaphore_mem>>) src(%dma_wait3A_51 : memref<64x128xf32, #tpu.memory_space<hbm>>) dst(%arg9 : memref<64x128xf32, #tpu.memory_space<vmem>>)
      %dma_wait3A_52 = arith.constant 0 : i32
      %dma_wait3A_53 = arith.constant 0 : i32
      %dma_wait3A_54 = tpu.memref_slice %arg3[%dma_wait3A_52, %dma_wait3A_53] : memref<10000x128xf32, #tpu.memory_space<hbm>> -> memref<64x128xf32, #tpu.memory_space<hbm>>
      %dma_wait3A_55 = arith.constant 0 : i32
      %dma_wait3A_56 = arith.constant 0 : i32
      %dma_wait3A_57 = tpu.memref_slice %arg3[%dma_wait3A_55, %dma_wait3A_56] : memref<10000x128xf32, #tpu.memory_space<hbm>> -> memref<64x128xf32, #tpu.memory_space<hbm>>
      tpu.wait_dma2 semaphore(%arg13 : memref<!tpu.dma_semaphore, #tpu.memory_space<semaphore_mem>>) src(%dma_wait3A_57 : memref<64x128xf32, #tpu.memory_space<hbm>>) dst(%arg10 : memref<64x128xf32, #tpu.memory_space<vmem>>)
      %scan3A_58 = arith.constant 0 : i32
      %scan3A_59 = arith.constant 0 : i32
      %scan3A_60 = arith.constant 64 : i32
      %scan3A_61 = arith.addi %scan3A_59, %scan3A_60 : i32
      %scan3A_62 = arith.constant 1 : i32
      scf.for %scan3A_86 = %scan3A_59 to %scan3A_61 step %scan3A_62  : i32 {
        %get3A = arith.index_cast %scan3A_86 : i32 to index
        %get3A_87 = arith.constant 64 : index
        %get3A_88 = tpu.vector_load %arg9[%get3A, %get3A_87] {strides = array<i32>} : memref<64x128xf32, #tpu.memory_space<vmem>>, vector<1x16xf32>,
        %get3A_89 = vector.shape_cast %get3A_88 : vector<1x16xf32> to vector<16xf32>
        %get3A_90 = arith.index_cast %scan3A_86 : i32 to index
        %get3A_91 = arith.constant 0 : index
        %get3A_92 = tpu.vector_load %arg10[%get3A_90, %get3A_91] {strides = array<i32>} : memref<64x128xf32, #tpu.memory_space<vmem>>, vector<1x16xf32>,
        %get3A_93 = vector.shape_cast %get3A_92 : vector<1x16xf32> to vector<16xf32>
        %add3A_94 = arith.addf %get3A_89, %get3A_93 : vector<16xf32>
        %mul3A_95 = arith.constant 2.000000e-01 : f32
        %mul3A_96 = vector.broadcast %mul3A_95 : f32 to vector<16xf32>
        %mul3A_97 = arith.mulf %mul3A_96, %add3A_94 : vector<16xf32>
        %max3A = arith.maximumf %add3A_94, %mul3A_97 : vector<16xf32>
        %exp3A = math.exp %max3A : vector<16xf32>
        %get3A_98 = arith.index_cast %scan3A_86 : i32 to index
        %get3A_99 = arith.constant 0 : index
        %get3A_100 = tpu.vector_load %arg9[%get3A_98, %get3A_99] {strides = array<i32>} : memref<64x128xf32, #tpu.memory_space<vmem>>, vector<1x16xf32>,
        %get3A_101 = vector.shape_cast %get3A_100 : vector<1x16xf32> to vector<16xf32>
        %mul3A_102 = arith.mulf %get3A_101, %exp3A : vector<16xf32>
        %swap3A = arith.index_cast %scan3A_86 : i32 to index
        %swap3A_103 = arith.constant 0 : index
        %swap3A_104 = tpu.vector_load %arg9[%swap3A, %swap3A_103] {strides = array<i32>} : memref<64x128xf32, #tpu.memory_space<vmem>>, vector<1x16xf32>,
        %swap3A_105 = vector.shape_cast %swap3A_104 : vector<1x16xf32> to vector<16xf32>
        %swap3A_106 = vector.shape_cast %mul3A_102 : vector<16xf32> to vector<1x16xf32>
        tpu.vector_store %arg9[%swap3A, %swap3A_103], %swap3A_106 {strides = array<i32>} : memref<64x128xf32, #tpu.memory_space<vmem>>, vector<1x16xf32>,
        %get3A_107 = arith.index_cast %scan3A_86 : i32 to index
        %get3A_108 = arith.constant 16 : index
        %get3A_109 = tpu.vector_load %arg9[%get3A_107, %get3A_108] {strides = array<i32>} : memref<64x128xf32, #tpu.memory_space<vmem>>, vector<1x16xf32>,
        %get3A_110 = vector.shape_cast %get3A_109 : vector<1x16xf32> to vector<16xf32>
        %mul3A_111 = arith.mulf %get3A_110, %exp3A : vector<16xf32>
        %swap3A_112 = arith.index_cast %scan3A_86 : i32 to index
        %swap3A_113 = arith.constant 16 : index
        %swap3A_114 = tpu.vector_load %arg9[%swap3A_112, %swap3A_113] {strides = array<i32>} : memref<64x128xf32, #tpu.memory_space<vmem>>, vector<1x16xf32>,
        %swap3A_115 = vector.shape_cast %swap3A_114 : vector<1x16xf32> to vector<16xf32>
        %swap3A_116 = vector.shape_cast %mul3A_111 : vector<16xf32> to vector<1x16xf32>
        tpu.vector_store %arg9[%swap3A_112, %swap3A_113], %swap3A_116 {strides = array<i32>} : memref<64x128xf32, #tpu.memory_space<vmem>>, vector<1x16xf32>,
        %get3A_117 = arith.index_cast %scan3A_86 : i32 to index
        %get3A_118 = arith.constant 32 : index
        %get3A_119 = tpu.vector_load %arg9[%get3A_117, %get3A_118] {strides = array<i32>} : memref<64x128xf32, #tpu.memory_space<vmem>>, vector<1x16xf32>,
        %get3A_120 = vector.shape_cast %get3A_119 : vector<1x16xf32> to vector<16xf32>
        %mul3A_121 = arith.mulf %get3A_120, %exp3A : vector<16xf32>
        %swap3A_122 = arith.index_cast %scan3A_86 : i32 to index
        %swap3A_123 = arith.constant 32 : index
        %swap3A_124 = tpu.vector_load %arg9[%swap3A_122, %swap3A_123] {strides = array<i32>} : memref<64x128xf32, #tpu.memory_space<vmem>>, vector<1x16xf32>,
        %swap3A_125 = vector.shape_cast %swap3A_124 : vector<1x16xf32> to vector<16xf32>
        %swap3A_126 = vector.shape_cast %mul3A_121 : vector<16xf32> to vector<1x16xf32>
        tpu.vector_store %arg9[%swap3A_122, %swap3A_123], %swap3A_126 {strides = array<i32>} : memref<64x128xf32, #tpu.memory_space<vmem>>, vector<1x16xf32>,
        %get3A_127 = arith.index_cast %scan3A_86 : i32 to index
        %get3A_128 = arith.constant 48 : index
        %get3A_129 = tpu.vector_load %arg9[%get3A_127, %get3A_128] {strides = array<i32>} : memref<64x128xf32, #tpu.memory_space<vmem>>, vector<1x16xf32>,
        %get3A_130 = vector.shape_cast %get3A_129 : vector<1x16xf32> to vector<16xf32>
        %mul3A_131 = arith.mulf %get3A_130, %exp3A : vector<16xf32>
        %swap3A_132 = arith.index_cast %scan3A_86 : i32 to index
        %swap3A_133 = arith.constant 48 : index
        %swap3A_134 = tpu.vector_load %arg9[%swap3A_132, %swap3A_133] {strides = array<i32>} : memref<64x128xf32, #tpu.memory_space<vmem>>, vector<1x16xf32>,
        %swap3A_135 = vector.shape_cast %swap3A_134 : vector<1x16xf32> to vector<16xf32>
        %swap3A_136 = vector.shape_cast %mul3A_131 : vector<16xf32> to vector<1x16xf32>
        tpu.vector_store %arg9[%swap3A_132, %swap3A_133], %swap3A_136 {strides = array<i32>} : memref<64x128xf32, #tpu.memory_space<vmem>>, vector<1x16xf32>,
        %swap3A_137 = arith.index_cast %scan3A_86 : i32 to index
        %swap3A_138 = arith.constant 64 : index
        %swap3A_139 = tpu.vector_load %arg9[%swap3A_137, %swap3A_138] {strides = array<i32>} : memref<64x128xf32, #tpu.memory_space<vmem>>, vector<1x16xf32>,
        %swap3A_140 = vector.shape_cast %swap3A_139 : vector<1x16xf32> to vector<16xf32>
        %swap3A_141 = vector.shape_cast %exp3A : vector<16xf32> to vector<1x16xf32>
        tpu.vector_store %arg9[%swap3A_137, %swap3A_138], %swap3A_141 {strides = array<i32>} : memref<64x128xf32, #tpu.memory_space<vmem>>, vector<1x16xf32>,
      }
      %scan3A_63 = arith.constant 64 : i32
      %run_scoped3A_64 = arith.constant 1 : i32
      "tpu.region"() ({
        %run_scoped3A_86 = tpu.sem_alloc : memref<!tpu.dma_semaphore, #tpu.memory_space<semaphore_mem>>
        %dma_start3A_87 = arith.constant 0 : i32
        %dma_start3A_88 = tpu.memref_slice %arg7[%run_scoped3A_64, %dma_start3A_87] : memref<2x64xi32, #tpu.memory_space<vmem>> -> memref<1x64xi32, #tpu.memory_space<vmem>>
        %dma_start3A_89 = tpu.memref_squeeze %dma_start3A_88 : memref<1x64xi32, #tpu.memory_space<vmem>> -> memref<64xi32, #tpu.memory_space<vmem>>
        %dma_start3A_90 = arith.constant 0 : i32
        %dma_start3A_91 = arith.constant 0 : i32
        %dma_start3A_92 = tpu.memref_slice %arg15[%dma_start3A_90, %dma_start3A_91] : memref<10240x128xf32, #tpu.memory_space<vmem_shared>> -> memref<10240x128xf32, #tpu.memory_space<vmem_shared>>
        tpu.enqueue_indirect_dma source(%arg9 : memref<64x128xf32, #tpu.memory_space<vmem>>) target(%dma_start3A_92 : memref<10240x128xf32, #tpu.memory_space<vmem_shared>>) offsets(%dma_start3A_89 : memref<64xi32, #tpu.memory_space<vmem>>) semaphore(%run_scoped3A_86 : memref<!tpu.dma_semaphore, #tpu.memory_space<semaphore_mem>>) {add = true}
        %dma_wait3A_93 = arith.constant 0 : i32
        %dma_wait3A_94 = tpu.memref_slice %arg7[%run_scoped3A_64, %dma_wait3A_93] : memref<2x64xi32, #tpu.memory_space<vmem>> -> memref<1x64xi32, #tpu.memory_space<vmem>>
        %dma_wait3A_95 = tpu.memref_squeeze %dma_wait3A_94 : memref<1x64xi32, #tpu.memory_space<vmem>> -> memref<64xi32, #tpu.memory_space<vmem>>
        %dma_wait3A_96 = arith.constant 0 : i32
        %dma_wait3A_97 = arith.constant 0 : i32
        %dma_wait3A_98 = tpu.memref_slice %arg15[%dma_wait3A_96, %dma_wait3A_97] : memref<10240x128xf32, #tpu.memory_space<vmem_shared>> -> memref<10240x128xf32, #tpu.memory_space<vmem_shared>>
        tpu.wait_indirect_dma semaphore(%run_scoped3A_86 : memref<!tpu.dma_semaphore, #tpu.memory_space<semaphore_mem>>) src(%arg9 : memref<64x128xf32, #tpu.memory_space<vmem>>) dst(%dma_wait3A_98 : memref<10240x128xf32, #tpu.memory_space<vmem_shared>>)
        tpu.yield
      }) : () -> ()
      %lt3A = arith.constant 39 : i32
      %lt3A_65 = arith.cmpi slt, %scan3A_28, %lt3A : i32
      %convert_element_type3A = arith.extui %lt3A_65 : i1 to i32
      %cond3A = arith.constant 0 : i32
      %cond3A_66 = arith.cmpi ne, %convert_element_type3A, %cond3A : i32
      scf.if %cond3A_66 {
        %mul3A_86 = arith.constant 2 : i32
        %mul3A_87 = arith.muli %mul3A_86, %scan3A_28 : i32
        %add3A_88 = arith.constant 2 : i32
        %add3A_89 = arith.addi %mul3A_87, %add3A_88 : i32
        "tpu.region"() ({
          %run_scoped3A_104 = tpu.sem_alloc : memref<!tpu.dma_semaphore, #tpu.memory_space<semaphore_mem>>
          %dma_start3A_105 = arith.constant 0 : i32
          %dma_start3A_106 = arith.constant 0 : i32
          %dma_start3A_107 = tpu.memref_slice %arg4[%add3A, %add3A_89, %dma_start3A_105, %dma_start3A_106] : memref<32x80x2x64xi32, #tpu.memory_space<hbm>> -> memref<1x1x2x64xi32, #tpu.memory_space<hbm>>
          %dma_start3A_108 = tpu.memref_squeeze %dma_start3A_107 : memref<1x1x2x64xi32, #tpu.memory_space<hbm>> -> memref<2x64xi32, #tpu.memory_space<hbm>>
          %dma_start3A_109 = arith.constant 0 : i32
          %dma_start3A_110 = arith.constant 0 : i32
          %dma_start3A_111 = tpu.memref_slice %arg4[%add3A, %add3A_89, %dma_start3A_109, %dma_start3A_110] : memref<32x80x2x64xi32, #tpu.memory_space<hbm>> -> memref<1x1x2x64xi32, #tpu.memory_space<hbm>>
          %dma_start3A_112 = tpu.memref_squeeze %dma_start3A_111 : memref<1x1x2x64xi32, #tpu.memory_space<hbm>> -> memref<2x64xi32, #tpu.memory_space<hbm>>
          tpu.enqueue_dma source(%dma_start3A_112 : memref<2x64xi32, #tpu.memory_space<hbm>>) target(%arg7 : memref<2x64xi32, #tpu.memory_space<vmem>>) target_semaphore(%run_scoped3A_104 : memref<!tpu.dma_semaphore, #tpu.memory_space<semaphore_mem>>)
          %dma_wait3A_113 = arith.constant 0 : i32
          %dma_wait3A_114 = arith.constant 0 : i32
          %dma_wait3A_115 = tpu.memref_slice %arg4[%add3A, %add3A_89, %dma_wait3A_113, %dma_wait3A_114] : memref<32x80x2x64xi32, #tpu.memory_space<hbm>> -> memref<1x1x2x64xi32, #tpu.memory_space<hbm>>
          %dma_wait3A_116 = tpu.memref_squeeze %dma_wait3A_115 : memref<1x1x2x64xi32, #tpu.memory_space<hbm>> -> memref<2x64xi32, #tpu.memory_space<hbm>>
          %dma_wait3A_117 = arith.constant 0 : i32
          %dma_wait3A_118 = arith.constant 0 : i32
          %dma_wait3A_119 = tpu.memref_slice %arg4[%add3A, %add3A_89, %dma_wait3A_117, %dma_wait3A_118] : memref<32x80x2x64xi32, #tpu.memory_space<hbm>> -> memref<1x1x2x64xi32, #tpu.memory_space<hbm>>
          %dma_wait3A_120 = tpu.memref_squeeze %dma_wait3A_119 : memref<1x1x2x64xi32, #tpu.memory_space<hbm>> -> memref<2x64xi32, #tpu.memory_space<hbm>>
          tpu.wait_dma2 semaphore(%run_scoped3A_104 : memref<!tpu.dma_semaphore, #tpu.memory_space<semaphore_mem>>) src(%dma_wait3A_120 : memref<2x64xi32, #tpu.memory_space<hbm>>) dst(%arg7 : memref<2x64xi32, #tpu.memory_space<vmem>>)
          tpu.yield
        }) : () -> ()
        %dma_start3A_90 = arith.constant 0 : i32
        %dma_start3A_91 = arith.constant 0 : i32
        %dma_start3A_92 = tpu.memref_slice %arg7[%dma_start3A_90, %dma_start3A_91] : memref<2x64xi32, #tpu.memory_space<vmem>> -> memref<1x64xi32, #tpu.memory_space<vmem>>
        %dma_start3A_93 = tpu.memref_squeeze %dma_start3A_92 : memref<1x64xi32, #tpu.memory_space<vmem>> -> memref<64xi32, #tpu.memory_space<vmem>>
        %dma_start3A_94 = arith.constant 0 : i32
        %dma_start3A_95 = arith.constant 0 : i32
        %dma_start3A_96 = tpu.memref_slice %arg2[%dma_start3A_94, %dma_start3A_95] : memref<10000x128xf32, #tpu.memory_space<hbm>> -> memref<10000x128xf32, #tpu.memory_space<hbm>>
        tpu.enqueue_indirect_dma source(%dma_start3A_96 : memref<10000x128xf32, #tpu.memory_space<hbm>>) target(%arg9 : memref<64x128xf32, #tpu.memory_space<vmem>>) offsets(%dma_start3A_93 : memref<64xi32, #tpu.memory_space<vmem>>) semaphore(%arg13 : memref<!tpu.dma_semaphore, #tpu.memory_space<semaphore_mem>>)
        %dma_start3A_97 = arith.constant 1 : i32
        %dma_start3A_98 = arith.constant 0 : i32
        %dma_start3A_99 = tpu.memref_slice %arg7[%dma_start3A_97, %dma_start3A_98] : memref<2x64xi32, #tpu.memory_space<vmem>> -> memref<1x64xi32, #tpu.memory_space<vmem>>
        %dma_start3A_100 = tpu.memref_squeeze %dma_start3A_99 : memref<1x64xi32, #tpu.memory_space<vmem>> -> memref<64xi32, #tpu.memory_space<vmem>>
        %dma_start3A_101 = arith.constant 0 : i32
        %dma_start3A_102 = arith.constant 0 : i32
        %dma_start3A_103 = tpu.memref_slice %arg3[%dma_start3A_101, %dma_start3A_102] : memref<10000x128xf32, #tpu.memory_space<hbm>> -> memref<10000x128xf32, #tpu.memory_space<hbm>>
        tpu.enqueue_indirect_dma source(%dma_start3A_103 : memref<10000x128xf32, #tpu.memory_space<hbm>>) target(%arg10 : memref<64x128xf32, #tpu.memory_space<vmem>>) offsets(%dma_start3A_100 : memref<64xi32, #tpu.memory_space<vmem>>) semaphore(%arg13 : memref<!tpu.dma_semaphore, #tpu.memory_space<semaphore_mem>>)
      } else {
      }
      %dma_wait3A_67 = arith.constant 0 : i32
      %dma_wait3A_68 = arith.constant 0 : i32
      %dma_wait3A_69 = tpu.memref_slice %arg2[%dma_wait3A_67, %dma_wait3A_68] : memref<10000x128xf32, #tpu.memory_space<hbm>> -> memref<64x128xf32, #tpu.memory_space<hbm>>
      %dma_wait3A_70 = arith.constant 0 : i32
      %dma_wait3A_71 = arith.constant 0 : i32
      %dma_wait3A_72 = tpu.memref_slice %arg2[%dma_wait3A_70, %dma_wait3A_71] : memref<10000x128xf32, #tpu.memory_space<hbm>> -> memref<64x128xf32, #tpu.memory_space<hbm>>
      tpu.wait_dma2 semaphore(%arg14 : memref<!tpu.dma_semaphore, #tpu.memory_space<semaphore_mem>>) src(%dma_wait3A_72 : memref<64x128xf32, #tpu.memory_space<hbm>>) dst(%arg11 : memref<64x128xf32, #tpu.memory_space<vmem>>)
      %dma_wait3A_73 = arith.constant 0 : i32
      %dma_wait3A_74 = arith.constant 0 : i32
      %dma_wait3A_75 = tpu.memref_slice %arg3[%dma_wait3A_73, %dma_wait3A_74] : memref<10000x128xf32, #tpu.memory_space<hbm>> -> memref<64x128xf32, #tpu.memory_space<hbm>>
      %dma_wait3A_76 = arith.constant 0 : i32
      %dma_wait3A_77 = arith.constant 0 : i32
      %dma_wait3A_78 = tpu.memref_slice %arg3[%dma_wait3A_76, %dma_wait3A_77] : memref<10000x128xf32, #tpu.memory_space<hbm>> -> memref<64x128xf32, #tpu.memory_space<hbm>>
      tpu.wait_dma2 semaphore(%arg14 : memref<!tpu.dma_semaphore, #tpu.memory_space<semaphore_mem>>) src(%dma_wait3A_78 : memref<64x128xf32, #tpu.memory_space<hbm>>) dst(%arg12 : memref<64x128xf32, #tpu.memory_space<vmem>>)
      %scan3A_79 = arith.constant 0 : i32
      %scan3A_80 = arith.constant 0 : i32
      %scan3A_81 = arith.constant 64 : i32
      %scan3A_82 = arith.addi %scan3A_80, %scan3A_81 : i32
      %scan3A_83 = arith.constant 1 : i32
      scf.for %scan3A_86 = %scan3A_80 to %scan3A_82 step %scan3A_83  : i32 {
        %get3A = arith.index_cast %scan3A_86 : i32 to index
        %get3A_87 = arith.constant 64 : index
        %get3A_88 = tpu.vector_load %arg11[%get3A, %get3A_87] {strides = array<i32>} : memref<64x128xf32, #tpu.memory_space<vmem>>, vector<1x16xf32>,
        %get3A_89 = vector.shape_cast %get3A_88 : vector<1x16xf32> to vector<16xf32>
        %get3A_90 = arith.index_cast %scan3A_86 : i32 to index
        %get3A_91 = arith.constant 0 : index
        %get3A_92 = tpu.vector_load %arg12[%get3A_90, %get3A_91] {strides = array<i32>} : memref<64x128xf32, #tpu.memory_space<vmem>>, vector<1x16xf32>,
        %get3A_93 = vector.shape_cast %get3A_92 : vector<1x16xf32> to vector<16xf32>
        %add3A_94 = arith.addf %get3A_89, %get3A_93 : vector<16xf32>
        %mul3A_95 = arith.constant 2.000000e-01 : f32
        %mul3A_96 = vector.broadcast %mul3A_95 : f32 to vector<16xf32>
        %mul3A_97 = arith.mulf %mul3A_96, %add3A_94 : vector<16xf32>
        %max3A = arith.maximumf %add3A_94, %mul3A_97 : vector<16xf32>
        %exp3A = math.exp %max3A : vector<16xf32>
        %get3A_98 = arith.index_cast %scan3A_86 : i32 to index
        %get3A_99 = arith.constant 0 : index
        %get3A_100 = tpu.vector_load %arg11[%get3A_98, %get3A_99] {strides = array<i32>} : memref<64x128xf32, #tpu.memory_space<vmem>>, vector<1x16xf32>,
        %get3A_101 = vector.shape_cast %get3A_100 : vector<1x16xf32> to vector<16xf32>
        %mul3A_102 = arith.mulf %get3A_101, %exp3A : vector<16xf32>
        %swap3A = arith.index_cast %scan3A_86 : i32 to index
        %swap3A_103 = arith.constant 0 : index
        %swap3A_104 = tpu.vector_load %arg11[%swap3A, %swap3A_103] {strides = array<i32>} : memref<64x128xf32, #tpu.memory_space<vmem>>, vector<1x16xf32>,
        %swap3A_105 = vector.shape_cast %swap3A_104 : vector<1x16xf32> to vector<16xf32>
        %swap3A_106 = vector.shape_cast %mul3A_102 : vector<16xf32> to vector<1x16xf32>
        tpu.vector_store %arg11[%swap3A, %swap3A_103], %swap3A_106 {strides = array<i32>} : memref<64x128xf32, #tpu.memory_space<vmem>>, vector<1x16xf32>,
        %get3A_107 = arith.index_cast %scan3A_86 : i32 to index
        %get3A_108 = arith.constant 16 : index
        %get3A_109 = tpu.vector_load %arg11[%get3A_107, %get3A_108] {strides = array<i32>} : memref<64x128xf32, #tpu.memory_space<vmem>>, vector<1x16xf32>,
        %get3A_110 = vector.shape_cast %get3A_109 : vector<1x16xf32> to vector<16xf32>
        %mul3A_111 = arith.mulf %get3A_110, %exp3A : vector<16xf32>
        %swap3A_112 = arith.index_cast %scan3A_86 : i32 to index
        %swap3A_113 = arith.constant 16 : index
        %swap3A_114 = tpu.vector_load %arg11[%swap3A_112, %swap3A_113] {strides = array<i32>} : memref<64x128xf32, #tpu.memory_space<vmem>>, vector<1x16xf32>,
        %swap3A_115 = vector.shape_cast %swap3A_114 : vector<1x16xf32> to vector<16xf32>
        %swap3A_116 = vector.shape_cast %mul3A_111 : vector<16xf32> to vector<1x16xf32>
        tpu.vector_store %arg11[%swap3A_112, %swap3A_113], %swap3A_116 {strides = array<i32>} : memref<64x128xf32, #tpu.memory_space<vmem>>, vector<1x16xf32>,
        %get3A_117 = arith.index_cast %scan3A_86 : i32 to index
        %get3A_118 = arith.constant 32 : index
        %get3A_119 = tpu.vector_load %arg11[%get3A_117, %get3A_118] {strides = array<i32>} : memref<64x128xf32, #tpu.memory_space<vmem>>, vector<1x16xf32>,
        %get3A_120 = vector.shape_cast %get3A_119 : vector<1x16xf32> to vector<16xf32>
        %mul3A_121 = arith.mulf %get3A_120, %exp3A : vector<16xf32>
        %swap3A_122 = arith.index_cast %scan3A_86 : i32 to index
        %swap3A_123 = arith.constant 32 : index
        %swap3A_124 = tpu.vector_load %arg11[%swap3A_122, %swap3A_123] {strides = array<i32>} : memref<64x128xf32, #tpu.memory_space<vmem>>, vector<1x16xf32>,
        %swap3A_125 = vector.shape_cast %swap3A_124 : vector<1x16xf32> to vector<16xf32>
        %swap3A_126 = vector.shape_cast %mul3A_121 : vector<16xf32> to vector<1x16xf32>
        tpu.vector_store %arg11[%swap3A_122, %swap3A_123], %swap3A_126 {strides = array<i32>} : memref<64x128xf32, #tpu.memory_space<vmem>>, vector<1x16xf32>,
        %get3A_127 = arith.index_cast %scan3A_86 : i32 to index
        %get3A_128 = arith.constant 48 : index
        %get3A_129 = tpu.vector_load %arg11[%get3A_127, %get3A_128] {strides = array<i32>} : memref<64x128xf32, #tpu.memory_space<vmem>>, vector<1x16xf32>,
        %get3A_130 = vector.shape_cast %get3A_129 : vector<1x16xf32> to vector<16xf32>
        %mul3A_131 = arith.mulf %get3A_130, %exp3A : vector<16xf32>
        %swap3A_132 = arith.index_cast %scan3A_86 : i32 to index
        %swap3A_133 = arith.constant 48 : index
        %swap3A_134 = tpu.vector_load %arg11[%swap3A_132, %swap3A_133] {strides = array<i32>} : memref<64x128xf32, #tpu.memory_space<vmem>>, vector<1x16xf32>,
        %swap3A_135 = vector.shape_cast %swap3A_134 : vector<1x16xf32> to vector<16xf32>
        %swap3A_136 = vector.shape_cast %mul3A_131 : vector<16xf32> to vector<1x16xf32>
        tpu.vector_store %arg11[%swap3A_132, %swap3A_133], %swap3A_136 {strides = array<i32>} : memref<64x128xf32, #tpu.memory_space<vmem>>, vector<1x16xf32>,
        %swap3A_137 = arith.index_cast %scan3A_86 : i32 to index
        %swap3A_138 = arith.constant 64 : index
        %swap3A_139 = tpu.vector_load %arg11[%swap3A_137, %swap3A_138] {strides = array<i32>} : memref<64x128xf32, #tpu.memory_space<vmem>>, vector<1x16xf32>,
        %swap3A_140 = vector.shape_cast %swap3A_139 : vector<1x16xf32> to vector<16xf32>
        %swap3A_141 = vector.shape_cast %exp3A : vector<16xf32> to vector<1x16xf32>
        tpu.vector_store %arg11[%swap3A_137, %swap3A_138], %swap3A_141 {strides = array<i32>} : memref<64x128xf32, #tpu.memory_space<vmem>>, vector<1x16xf32>,
      }
      %scan3A_84 = arith.constant 64 : i32
      %run_scoped3A_85 = arith.constant 1 : i32
      "tpu.region"() ({
        %run_scoped3A_86 = tpu.sem_alloc : memref<!tpu.dma_semaphore, #tpu.memory_space<semaphore_mem>>
        %dma_start3A_87 = arith.constant 0 : i32
        %dma_start3A_88 = tpu.memref_slice %arg8[%run_scoped3A_85, %dma_start3A_87] : memref<2x64xi32, #tpu.memory_space<vmem>> -> memref<1x64xi32, #tpu.memory_space<vmem>>
        %dma_start3A_89 = tpu.memref_squeeze %dma_start3A_88 : memref<1x64xi32, #tpu.memory_space<vmem>> -> memref<64xi32, #tpu.memory_space<vmem>>
        %dma_start3A_90 = arith.constant 0 : i32
        %dma_start3A_91 = arith.constant 0 : i32
        %dma_start3A_92 = tpu.memref_slice %arg15[%dma_start3A_90, %dma_start3A_91] : memref<10240x128xf32, #tpu.memory_space<vmem_shared>> -> memref<10240x128xf32, #tpu.memory_space<vmem_shared>>
        tpu.enqueue_indirect_dma source(%arg11 : memref<64x128xf32, #tpu.memory_space<vmem>>) target(%dma_start3A_92 : memref<10240x128xf32, #tpu.memory_space<vmem_shared>>) offsets(%dma_start3A_89 : memref<64xi32, #tpu.memory_space<vmem>>) semaphore(%run_scoped3A_86 : memref<!tpu.dma_semaphore, #tpu.memory_space<semaphore_mem>>) {add = true}
        %dma_wait3A_93 = arith.constant 0 : i32
        %dma_wait3A_94 = tpu.memref_slice %arg8[%run_scoped3A_85, %dma_wait3A_93] : memref<2x64xi32, #tpu.memory_space<vmem>> -> memref<1x64xi32, #tpu.memory_space<vmem>>
        %dma_wait3A_95 = tpu.memref_squeeze %dma_wait3A_94 : memref<1x64xi32, #tpu.memory_space<vmem>> -> memref<64xi32, #tpu.memory_space<vmem>>
        %dma_wait3A_96 = arith.constant 0 : i32
        %dma_wait3A_97 = arith.constant 0 : i32
        %dma_wait3A_98 = tpu.memref_slice %arg15[%dma_wait3A_96, %dma_wait3A_97] : memref<10240x128xf32, #tpu.memory_space<vmem_shared>> -> memref<10240x128xf32, #tpu.memory_space<vmem_shared>>
        tpu.wait_indirect_dma semaphore(%run_scoped3A_86 : memref<!tpu.dma_semaphore, #tpu.memory_space<semaphore_mem>>) src(%arg11 : memref<64x128xf32, #tpu.memory_space<vmem>>) dst(%dma_wait3A_98 : memref<10240x128xf32, #tpu.memory_space<vmem_shared>>)
        tpu.yield
      }) : () -> ()
    }
    %scan3A_22 = arith.constant 40 : i32
    %barrier3A_23 = arith.constant 0 : index
    tpu.barrier barrier_id(%barrier3A_23)
    %mul3A_24 = arith.constant 640 : i32
    %mul3A_25 = arith.muli %arg1, %mul3A_24 : i32
    %mul3A_26 = arith.constant 640 : i32
    %mul3A_27 = arith.muli %arg1, %mul3A_26 : i32
    "tpu.region"() ({
      %run_scoped3A_28 = tpu.sem_alloc : memref<!tpu.dma_semaphore, #tpu.memory_space<semaphore_mem>>
      %dma_start3A_29 = arith.constant 0 : i32
      %dma_start3A_30 = tpu.memref_slice %arg6[%arg0, %mul3A_27, %dma_start3A_29] : memref<2x10240x128xf32, #tpu.memory_space<hbm>> -> memref<1x640x128xf32, #tpu.memory_space<hbm>>
      %dma_start3A_31 = tpu.memref_squeeze %dma_start3A_30 : memref<1x640x128xf32, #tpu.memory_space<hbm>> -> memref<640x128xf32, #tpu.memory_space<hbm>>
      %dma_start3A_32 = arith.constant 0 : i32
      %dma_start3A_33 = tpu.memref_slice %arg15[%mul3A_25, %dma_start3A_32] : memref<10240x128xf32, #tpu.memory_space<vmem_shared>> -> memref<640x128xf32, #tpu.memory_space<vmem_shared>>
      tpu.enqueue_dma source(%dma_start3A_33 : memref<640x128xf32, #tpu.memory_space<vmem_shared>>) target(%dma_start3A_31 : memref<640x128xf32, #tpu.memory_space<hbm>>) target_semaphore(%run_scoped3A_28 : memref<!tpu.dma_semaphore, #tpu.memory_space<semaphore_mem>>)
      %dma_wait3A = arith.constant 0 : i32
      %dma_wait3A_34 = tpu.memref_slice %arg6[%arg0, %mul3A_27, %dma_wait3A] : memref<2x10240x128xf32, #tpu.memory_space<hbm>> -> memref<1x640x128xf32, #tpu.memory_space<hbm>>
      %dma_wait3A_35 = tpu.memref_squeeze %dma_wait3A_34 : memref<1x640x128xf32, #tpu.memory_space<hbm>> -> memref<640x128xf32, #tpu.memory_space<hbm>>
      %dma_wait3A_36 = arith.constant 0 : i32
      %dma_wait3A_37 = tpu.memref_slice %arg15[%mul3A_25, %dma_wait3A_36] : memref<10240x128xf32, #tpu.memory_space<vmem_shared>> -> memref<640x128xf32, #tpu.memory_space<vmem_shared>>
      tpu.wait_dma2 semaphore(%run_scoped3A_28 : memref<!tpu.dma_semaphore, #tpu.memory_space<semaphore_mem>>) src(%dma_wait3A_37 : memref<640x128xf32, #tpu.memory_space<vmem_shared>>) dst(%dma_wait3A_35 : memref<640x128xf32, #tpu.memory_space<hbm>>)
      tpu.yield
    }) : () -> ()
    return
  }
}

module attributes {stable_mosaic.version = 14 : i64} {
  func.func @body(%arg0: i32, %arg1: memref<512x16xf32, #tpu.memory_space<vmem>>, %arg2: memref<512x128xf32, #tpu.memory_space<vmem>>, %arg3: memref<16x128xf32, #tpu.memory_space<vmem>>, %arg4: memref<1x128xf32, #tpu.memory_space<vmem>>, %arg5: memref<128x64xf32, #tpu.memory_space<vmem>>, %arg6: memref<1x64xf32, #tpu.memory_space<vmem>>, %arg7: memref<64x2048xf32, #tpu.memory_space<vmem>>, %arg8: memref<1x2048xf32, #tpu.memory_space<vmem>>, %arg9: memref<2048x16xf32, #tpu.memory_space<vmem>>, %arg10: memref<512x128xf32, #tpu.memory_space<vmem>>) attributes {dimension_semantics = [#tpu.dimension_semantics<arbitrary>], iteration_bounds = array<i64: 320>, scalar_prefetch = 0 : i64, scratch_operands = 0 : i64, tpu.core_type = #tpu.core_type<tc>, window_params = [{transform_indices = @transform_0, window_bounds = array<i64: 512, 16>}, {transform_indices = @transform_1, window_bounds = array<i64: 512, 128>}, {pipeline_mode = #tpu.pipeline_mode<synchronous>, transform_indices = @transform_2, window_bounds = array<i64: 16, 128>}, {pipeline_mode = #tpu.pipeline_mode<synchronous>, transform_indices = @transform_3, window_bounds = array<i64: 1, 128>}, {pipeline_mode = #tpu.pipeline_mode<synchronous>, transform_indices = @transform_4, window_bounds = array<i64: 128, 64>}, {pipeline_mode = #tpu.pipeline_mode<synchronous>, transform_indices = @transform_5, window_bounds = array<i64: 1, 64>}, {pipeline_mode = #tpu.pipeline_mode<synchronous>, transform_indices = @transform_6, window_bounds = array<i64: 64, 2048>}, {pipeline_mode = #tpu.pipeline_mode<synchronous>, transform_indices = @transform_7, window_bounds = array<i64: 1, 2048>}, {pipeline_mode = #tpu.pipeline_mode<synchronous>, transform_indices = @transform_8, window_bounds = array<i64: 2048, 16>}, {transform_indices = @transform_9, window_bounds = array<i64: 512, 128>}]} {
    %get3A = arith.constant 0 : index
    %get3A_0 = arith.constant 0 : index
    %get3A_1 = vector.load %arg1[%get3A, %get3A_0] : memref<512x16xf32, #tpu.memory_space<vmem>>, vector<512x16xf32>
    %get3A_2 = arith.constant 0 : index
    %get3A_3 = arith.constant 0 : index
    %get3A_4 = vector.load %arg3[%get3A_2, %get3A_3] : memref<16x128xf32, #tpu.memory_space<vmem>>, vector<16x128xf32>
    %convert_element_type3A = arith.truncf %get3A_1 : vector<512x16xf32> to vector<512x16xbf16>
    %convert_element_type3A_5 = arith.truncf %get3A_4 : vector<16x128xf32> to vector<16x128xbf16>
    %dot_general3A = arith.constant dense<0.000000e+00> : vector<512x128xf32>
    %dot_general3A_6 = tpu.matmul %convert_element_type3A, %convert_element_type3A_5, %dot_general3A {dimension_numbers = #tpu.dot_dimension_numbers<[1], [0], [0], [1], [0, 0, 1, 1], [], []>, transpose_lhs_hint = false} : vector<512x16xbf16>, vector<16x128xbf16>, vector<512x128xf32> -> vector<512x128xf32>
    %get3A_7 = arith.constant 0 : index
    %get3A_8 = arith.constant 0 : index
    %get3A_9 = vector.load %arg4[%get3A_7, %get3A_8] : memref<1x128xf32, #tpu.memory_space<vmem>>, vector<1x128xf32>
    %add3A = vector.broadcast %get3A_9 : vector<1x128xf32> to vector<512x128xf32>
    %add3A_10 = arith.addf %dot_general3A_6, %add3A : vector<512x128xf32>
    %max3A = arith.constant 0.000000e+00 : f32
    %max3A_11 = vector.broadcast %max3A : f32 to vector<512x128xf32>
    %max3A_12 = arith.maximumf %add3A_10, %max3A_11 : vector<512x128xf32>
    %get3A_13 = arith.constant 0 : index
    %get3A_14 = arith.constant 0 : index
    %get3A_15 = vector.load %arg5[%get3A_13, %get3A_14] : memref<128x64xf32, #tpu.memory_space<vmem>>, vector<128x64xf32>
    %convert_element_type3A_16 = arith.truncf %max3A_12 : vector<512x128xf32> to vector<512x128xbf16>
    %convert_element_type3A_17 = arith.truncf %get3A_15 : vector<128x64xf32> to vector<128x64xbf16>
    %dot_general3A_18 = arith.constant dense<0.000000e+00> : vector<512x64xf32>
    %dot_general3A_19 = tpu.matmul %convert_element_type3A_16, %convert_element_type3A_17, %dot_general3A_18 {dimension_numbers = #tpu.dot_dimension_numbers<[1], [0], [0], [1], [0, 0, 1, 1], [], []>, transpose_lhs_hint = false} : vector<512x128xbf16>, vector<128x64xbf16>, vector<512x64xf32> -> vector<512x64xf32>
    %get3A_20 = arith.constant 0 : index
    %get3A_21 = arith.constant 0 : index
    %get3A_22 = vector.load %arg6[%get3A_20, %get3A_21] : memref<1x64xf32, #tpu.memory_space<vmem>>, vector<1x64xf32>
    %add3A_23 = vector.broadcast %get3A_22 : vector<1x64xf32> to vector<512x64xf32>
    %add3A_24 = arith.addf %dot_general3A_19, %add3A_23 : vector<512x64xf32>
    %max3A_25 = arith.constant 0.000000e+00 : f32
    %max3A_26 = vector.broadcast %max3A_25 : f32 to vector<512x64xf32>
    %max3A_27 = arith.maximumf %add3A_24, %max3A_26 : vector<512x64xf32>
    %get3A_28 = arith.constant 0 : index
    %get3A_29 = arith.constant 0 : index
    %get3A_30 = vector.load %arg7[%get3A_28, %get3A_29] : memref<64x2048xf32, #tpu.memory_space<vmem>>, vector<64x2048xf32>
    %convert_element_type3A_31 = arith.truncf %max3A_27 : vector<512x64xf32> to vector<512x64xbf16>
    %convert_element_type3A_32 = arith.truncf %get3A_30 : vector<64x2048xf32> to vector<64x2048xbf16>
    %dot_general3A_33 = arith.constant dense<0.000000e+00> : vector<512x2048xf32>
    %dot_general3A_34 = tpu.matmul %convert_element_type3A_31, %convert_element_type3A_32, %dot_general3A_33 {dimension_numbers = #tpu.dot_dimension_numbers<[1], [0], [0], [1], [0, 0, 1, 1], [], []>, transpose_lhs_hint = false} : vector<512x64xbf16>, vector<64x2048xbf16>, vector<512x2048xf32> -> vector<512x2048xf32>
    %get3A_35 = arith.constant 0 : index
    %get3A_36 = arith.constant 0 : index
    %get3A_37 = vector.load %arg8[%get3A_35, %get3A_36] : memref<1x2048xf32, #tpu.memory_space<vmem>>, vector<1x2048xf32>
    %add3A_38 = vector.broadcast %get3A_37 : vector<1x2048xf32> to vector<512x2048xf32>
    %add3A_39 = arith.addf %dot_general3A_34, %add3A_38 : vector<512x2048xf32>
    %get3A_40 = arith.constant 0 : index
    %get3A_41 = arith.constant 0 : index
    %get3A_42 = vector.load %arg2[%get3A_40, %get3A_41] : memref<512x128xf32, #tpu.memory_space<vmem>>, vector<512x128xf32>
    %convert_element_type3A_43 = arith.truncf %get3A_42 : vector<512x128xf32> to vector<512x128xbf16>
    %convert_element_type3A_44 = arith.extf %convert_element_type3A_43 : vector<512x128xbf16> to vector<512x128xf32>
    %convert_element_type3A_45 = arith.truncf %add3A_39 : vector<512x2048xf32> to vector<512x2048xbf16>
    %convert_element_type3A_46 = arith.extf %convert_element_type3A_45 : vector<512x2048xbf16> to vector<512x2048xf32>
    %slice3A = vector.extract_strided_slice %convert_element_type3A_46 {offsets = [0, 0], sizes = [512, 128], strides = [1, 1]} : vector<512x2048xf32> to vector<512x128xf32>
    %mul3A = arith.mulf %slice3A, %convert_element_type3A_44 : vector<512x128xf32>
    %reduce_sum3A = arith.constant dense<0.000000e+00> : vector<512xf32>
    %reduce_sum3A_47 = vector.multi_reduction <add>, %mul3A, %reduce_sum3A [1] : vector<512x128xf32> to vector<512xf32>
    %broadcast_in_dim3A = vector.shape_cast %reduce_sum3A_47 : vector<512xf32> to vector<512x1xf32>
    %slice3A_48 = vector.extract_strided_slice %convert_element_type3A_46 {offsets = [0, 128], sizes = [512, 128], strides = [1, 1]} : vector<512x2048xf32> to vector<512x128xf32>
    %mul3A_49 = arith.mulf %slice3A_48, %convert_element_type3A_44 : vector<512x128xf32>
    %reduce_sum3A_50 = arith.constant dense<0.000000e+00> : vector<512xf32>
    %reduce_sum3A_51 = vector.multi_reduction <add>, %mul3A_49, %reduce_sum3A_50 [1] : vector<512x128xf32> to vector<512xf32>
    %broadcast_in_dim3A_52 = vector.shape_cast %reduce_sum3A_51 : vector<512xf32> to vector<512x1xf32>
    %slice3A_53 = vector.extract_strided_slice %convert_element_type3A_46 {offsets = [0, 256], sizes = [512, 128], strides = [1, 1]} : vector<512x2048xf32> to vector<512x128xf32>
    %mul3A_54 = arith.mulf %slice3A_53, %convert_element_type3A_44 : vector<512x128xf32>
    %reduce_sum3A_55 = arith.constant dense<0.000000e+00> : vector<512xf32>
    %reduce_sum3A_56 = vector.multi_reduction <add>, %mul3A_54, %reduce_sum3A_55 [1] : vector<512x128xf32> to vector<512xf32>
    %broadcast_in_dim3A_57 = vector.shape_cast %reduce_sum3A_56 : vector<512xf32> to vector<512x1xf32>
    %slice3A_58 = vector.extract_strided_slice %convert_element_type3A_46 {offsets = [0, 384], sizes = [512, 128], strides = [1, 1]} : vector<512x2048xf32> to vector<512x128xf32>
    %mul3A_59 = arith.mulf %slice3A_58, %convert_element_type3A_44 : vector<512x128xf32>
    %reduce_sum3A_60 = arith.constant dense<0.000000e+00> : vector<512xf32>
    %reduce_sum3A_61 = vector.multi_reduction <add>, %mul3A_59, %reduce_sum3A_60 [1] : vector<512x128xf32> to vector<512xf32>
    %broadcast_in_dim3A_62 = vector.shape_cast %reduce_sum3A_61 : vector<512xf32> to vector<512x1xf32>
    %slice3A_63 = vector.extract_strided_slice %convert_element_type3A_46 {offsets = [0, 512], sizes = [512, 128], strides = [1, 1]} : vector<512x2048xf32> to vector<512x128xf32>
    %mul3A_64 = arith.mulf %slice3A_63, %convert_element_type3A_44 : vector<512x128xf32>
    %reduce_sum3A_65 = arith.constant dense<0.000000e+00> : vector<512xf32>
    %reduce_sum3A_66 = vector.multi_reduction <add>, %mul3A_64, %reduce_sum3A_65 [1] : vector<512x128xf32> to vector<512xf32>
    %broadcast_in_dim3A_67 = vector.shape_cast %reduce_sum3A_66 : vector<512xf32> to vector<512x1xf32>
    %slice3A_68 = vector.extract_strided_slice %convert_element_type3A_46 {offsets = [0, 640], sizes = [512, 128], strides = [1, 1]} : vector<512x2048xf32> to vector<512x128xf32>
    %mul3A_69 = arith.mulf %slice3A_68, %convert_element_type3A_44 : vector<512x128xf32>
    %reduce_sum3A_70 = arith.constant dense<0.000000e+00> : vector<512xf32>
    %reduce_sum3A_71 = vector.multi_reduction <add>, %mul3A_69, %reduce_sum3A_70 [1] : vector<512x128xf32> to vector<512xf32>
    %broadcast_in_dim3A_72 = vector.shape_cast %reduce_sum3A_71 : vector<512xf32> to vector<512x1xf32>
    %slice3A_73 = vector.extract_strided_slice %convert_element_type3A_46 {offsets = [0, 768], sizes = [512, 128], strides = [1, 1]} : vector<512x2048xf32> to vector<512x128xf32>
    %mul3A_74 = arith.mulf %slice3A_73, %convert_element_type3A_44 : vector<512x128xf32>
    %reduce_sum3A_75 = arith.constant dense<0.000000e+00> : vector<512xf32>
    %reduce_sum3A_76 = vector.multi_reduction <add>, %mul3A_74, %reduce_sum3A_75 [1] : vector<512x128xf32> to vector<512xf32>
    %broadcast_in_dim3A_77 = vector.shape_cast %reduce_sum3A_76 : vector<512xf32> to vector<512x1xf32>
    %slice3A_78 = vector.extract_strided_slice %convert_element_type3A_46 {offsets = [0, 896], sizes = [512, 128], strides = [1, 1]} : vector<512x2048xf32> to vector<512x128xf32>
    %mul3A_79 = arith.mulf %slice3A_78, %convert_element_type3A_44 : vector<512x128xf32>
    %reduce_sum3A_80 = arith.constant dense<0.000000e+00> : vector<512xf32>
    %reduce_sum3A_81 = vector.multi_reduction <add>, %mul3A_79, %reduce_sum3A_80 [1] : vector<512x128xf32> to vector<512xf32>
    %broadcast_in_dim3A_82 = vector.shape_cast %reduce_sum3A_81 : vector<512xf32> to vector<512x1xf32>
    %slice3A_83 = vector.extract_strided_slice %convert_element_type3A_46 {offsets = [0, 1024], sizes = [512, 128], strides = [1, 1]} : vector<512x2048xf32> to vector<512x128xf32>
    %mul3A_84 = arith.mulf %slice3A_83, %convert_element_type3A_44 : vector<512x128xf32>
    %reduce_sum3A_85 = arith.constant dense<0.000000e+00> : vector<512xf32>
    %reduce_sum3A_86 = vector.multi_reduction <add>, %mul3A_84, %reduce_sum3A_85 [1] : vector<512x128xf32> to vector<512xf32>
    %broadcast_in_dim3A_87 = vector.shape_cast %reduce_sum3A_86 : vector<512xf32> to vector<512x1xf32>
    %slice3A_88 = vector.extract_strided_slice %convert_element_type3A_46 {offsets = [0, 1152], sizes = [512, 128], strides = [1, 1]} : vector<512x2048xf32> to vector<512x128xf32>
    %mul3A_89 = arith.mulf %slice3A_88, %convert_element_type3A_44 : vector<512x128xf32>
    %reduce_sum3A_90 = arith.constant dense<0.000000e+00> : vector<512xf32>
    %reduce_sum3A_91 = vector.multi_reduction <add>, %mul3A_89, %reduce_sum3A_90 [1] : vector<512x128xf32> to vector<512xf32>
    %broadcast_in_dim3A_92 = vector.shape_cast %reduce_sum3A_91 : vector<512xf32> to vector<512x1xf32>
    %slice3A_93 = vector.extract_strided_slice %convert_element_type3A_46 {offsets = [0, 1280], sizes = [512, 128], strides = [1, 1]} : vector<512x2048xf32> to vector<512x128xf32>
    %mul3A_94 = arith.mulf %slice3A_93, %convert_element_type3A_44 : vector<512x128xf32>
    %reduce_sum3A_95 = arith.constant dense<0.000000e+00> : vector<512xf32>
    %reduce_sum3A_96 = vector.multi_reduction <add>, %mul3A_94, %reduce_sum3A_95 [1] : vector<512x128xf32> to vector<512xf32>
    %broadcast_in_dim3A_97 = vector.shape_cast %reduce_sum3A_96 : vector<512xf32> to vector<512x1xf32>
    %slice3A_98 = vector.extract_strided_slice %convert_element_type3A_46 {offsets = [0, 1408], sizes = [512, 128], strides = [1, 1]} : vector<512x2048xf32> to vector<512x128xf32>
    %mul3A_99 = arith.mulf %slice3A_98, %convert_element_type3A_44 : vector<512x128xf32>
    %reduce_sum3A_100 = arith.constant dense<0.000000e+00> : vector<512xf32>
    %reduce_sum3A_101 = vector.multi_reduction <add>, %mul3A_99, %reduce_sum3A_100 [1] : vector<512x128xf32> to vector<512xf32>
    %broadcast_in_dim3A_102 = vector.shape_cast %reduce_sum3A_101 : vector<512xf32> to vector<512x1xf32>
    %slice3A_103 = vector.extract_strided_slice %convert_element_type3A_46 {offsets = [0, 1536], sizes = [512, 128], strides = [1, 1]} : vector<512x2048xf32> to vector<512x128xf32>
    %mul3A_104 = arith.mulf %slice3A_103, %convert_element_type3A_44 : vector<512x128xf32>
    %reduce_sum3A_105 = arith.constant dense<0.000000e+00> : vector<512xf32>
    %reduce_sum3A_106 = vector.multi_reduction <add>, %mul3A_104, %reduce_sum3A_105 [1] : vector<512x128xf32> to vector<512xf32>
    %broadcast_in_dim3A_107 = vector.shape_cast %reduce_sum3A_106 : vector<512xf32> to vector<512x1xf32>
    %slice3A_108 = vector.extract_strided_slice %convert_element_type3A_46 {offsets = [0, 1664], sizes = [512, 128], strides = [1, 1]} : vector<512x2048xf32> to vector<512x128xf32>
    %mul3A_109 = arith.mulf %slice3A_108, %convert_element_type3A_44 : vector<512x128xf32>
    %reduce_sum3A_110 = arith.constant dense<0.000000e+00> : vector<512xf32>
    %reduce_sum3A_111 = vector.multi_reduction <add>, %mul3A_109, %reduce_sum3A_110 [1] : vector<512x128xf32> to vector<512xf32>
    %broadcast_in_dim3A_112 = vector.shape_cast %reduce_sum3A_111 : vector<512xf32> to vector<512x1xf32>
    %slice3A_113 = vector.extract_strided_slice %convert_element_type3A_46 {offsets = [0, 1792], sizes = [512, 128], strides = [1, 1]} : vector<512x2048xf32> to vector<512x128xf32>
    %mul3A_114 = arith.mulf %slice3A_113, %convert_element_type3A_44 : vector<512x128xf32>
    %reduce_sum3A_115 = arith.constant dense<0.000000e+00> : vector<512xf32>
    %reduce_sum3A_116 = vector.multi_reduction <add>, %mul3A_114, %reduce_sum3A_115 [1] : vector<512x128xf32> to vector<512xf32>
    %broadcast_in_dim3A_117 = vector.shape_cast %reduce_sum3A_116 : vector<512xf32> to vector<512x1xf32>
    %slice3A_118 = vector.extract_strided_slice %convert_element_type3A_46 {offsets = [0, 1920], sizes = [512, 128], strides = [1, 1]} : vector<512x2048xf32> to vector<512x128xf32>
    %mul3A_119 = arith.mulf %slice3A_118, %convert_element_type3A_44 : vector<512x128xf32>
    %reduce_sum3A_120 = arith.constant dense<0.000000e+00> : vector<512xf32>
    %reduce_sum3A_121 = vector.multi_reduction <add>, %mul3A_119, %reduce_sum3A_120 [1] : vector<512x128xf32> to vector<512xf32>
    %broadcast_in_dim3A_122 = vector.shape_cast %reduce_sum3A_121 : vector<512xf32> to vector<512x1xf32>
    %broadcast_in_dim3A_123 = arith.constant 0.000000e+00 : f32
    %broadcast_in_dim3A_124 = vector.broadcast %broadcast_in_dim3A_123 : f32 to vector<512x112xf32>
    %concatenate3A = tpu.concatenate %broadcast_in_dim3A, %broadcast_in_dim3A_52, %broadcast_in_dim3A_57, %broadcast_in_dim3A_62, %broadcast_in_dim3A_67, %broadcast_in_dim3A_72, %broadcast_in_dim3A_77, %broadcast_in_dim3A_82, %broadcast_in_dim3A_87, %broadcast_in_dim3A_92, %broadcast_in_dim3A_97, %broadcast_in_dim3A_102, %broadcast_in_dim3A_107, %broadcast_in_dim3A_112, %broadcast_in_dim3A_117, %broadcast_in_dim3A_122, %broadcast_in_dim3A_124 in 1 : vector<512x1xf32>, vector<512x1xf32>, vector<512x1xf32>, vector<512x1xf32>, vector<512x1xf32>, vector<512x1xf32>, vector<512x1xf32>, vector<512x1xf32>, vector<512x1xf32>, vector<512x1xf32>, vector<512x1xf32>, vector<512x1xf32>, vector<512x1xf32>, vector<512x1xf32>, vector<512x1xf32>, vector<512x1xf32>, vector<512x112xf32> -> vector<512x128xf32>
    %swap3A = arith.constant 0 : index
    %swap3A_125 = arith.constant 0 : index
    %swap3A_126 = vector.load %arg10[%swap3A, %swap3A_125] : memref<512x128xf32, #tpu.memory_space<vmem>>, vector<512x128xf32>
    tpu.vector_store %arg10[%swap3A, %swap3A_125], %concatenate3A {strides = array<i32>} : memref<512x128xf32, #tpu.memory_space<vmem>>, vector<512x128xf32>,
    return
  }
  func.func @transform_0(%arg0: i32) -> (i32, i32) {
    %c0_i32 = arith.constant 0 : i32
    %c0_i32_0 = arith.constant 0 : i32
    return %arg0, %c0_i32 : i32, i32
  }
  func.func @transform_1(%arg0: i32) -> (i32, i32) {
    %c0_i32 = arith.constant 0 : i32
    %c0_i32_0 = arith.constant 0 : i32
    return %arg0, %c0_i32 : i32, i32
  }
  func.func @transform_2(%arg0: i32) -> (i32, i32) {
    %c0_i32 = arith.constant 0 : i32
    %c0_i32_0 = arith.constant 0 : i32
    %c0_i32_1 = arith.constant 0 : i32
    return %c0_i32, %c0_i32_0 : i32, i32
  }
  func.func @transform_3(%arg0: i32) -> (i32, i32) {
    %c0_i32 = arith.constant 0 : i32
    %c0_i32_0 = arith.constant 0 : i32
    %c0_i32_1 = arith.constant 0 : i32
    return %c0_i32, %c0_i32_0 : i32, i32
  }
  func.func @transform_4(%arg0: i32) -> (i32, i32) {
    %c0_i32 = arith.constant 0 : i32
    %c0_i32_0 = arith.constant 0 : i32
    %c0_i32_1 = arith.constant 0 : i32
    return %c0_i32, %c0_i32_0 : i32, i32
  }
  func.func @transform_5(%arg0: i32) -> (i32, i32) {
    %c0_i32 = arith.constant 0 : i32
    %c0_i32_0 = arith.constant 0 : i32
    %c0_i32_1 = arith.constant 0 : i32
    return %c0_i32, %c0_i32_0 : i32, i32
  }
  func.func @transform_6(%arg0: i32) -> (i32, i32) {
    %c0_i32 = arith.constant 0 : i32
    %c0_i32_0 = arith.constant 0 : i32
    %c0_i32_1 = arith.constant 0 : i32
    return %c0_i32, %c0_i32_0 : i32, i32
  }
  func.func @transform_7(%arg0: i32) -> (i32, i32) {
    %c0_i32 = arith.constant 0 : i32
    %c0_i32_0 = arith.constant 0 : i32
    %c0_i32_1 = arith.constant 0 : i32
    return %c0_i32, %c0_i32_0 : i32, i32
  }
  func.func @transform_8(%arg0: i32) -> (i32, i32) {
    %c0_i32 = arith.constant 0 : i32
    %c0_i32_0 = arith.constant 0 : i32
    %c0_i32_1 = arith.constant 0 : i32
    return %c0_i32, %c0_i32_0 : i32, i32
  }
  func.func @transform_9(%arg0: i32) -> (i32, i32) {
    %c0_i32 = arith.constant 0 : i32
    %c0_i32_0 = arith.constant 0 : i32
    return %arg0, %c0_i32 : i32, i32
  }
}

module attributes {stable_mosaic.version = 14 : i64} {
  func.func @body(%arg0: memref<10000x128xf32, #tpu.memory_space<vmem>>, %arg1: memref<2x10000x16xf32, #tpu.memory_space<vmem>>, %arg2: memref<128x16xf32, #tpu.memory_space<vmem>>, %arg3: memref<1x16xf32, #tpu.memory_space<vmem>>, %arg4: memref<1x16xf32, #tpu.memory_space<vmem>>, %arg5: memref<1x16xf32, #tpu.memory_space<vmem>>, %arg6: memref<16x64xf32, #tpu.memory_space<vmem>>, %arg7: memref<64x1xf32, #tpu.memory_space<vmem>>, %arg8: memref<64x1xf32, #tpu.memory_space<vmem>>, %arg9: memref<10000x128xf32, #tpu.memory_space<vmem>>, %arg10: memref<10000x128xf32, #tpu.memory_space<vmem>>) attributes {dimension_semantics = [], scalar_prefetch = 0 : i64, scratch_operands = 0 : i64, tpu.core_type = #tpu.core_type<tc>} {
    %get3A = arith.constant 0 : index
    %get3A_0 = arith.constant 0 : index
    %get3A_1 = arith.constant 0 : index
    %get3A_2 = vector.load %arg1[%get3A, %get3A_0, %get3A_1] : memref<2x10000x16xf32, #tpu.memory_space<vmem>>, vector<1x10000x16xf32>
    %get3A_3 = vector.shape_cast %get3A_2 : vector<1x10000x16xf32> to vector<10000x16xf32>
    %get3A_4 = arith.constant 1 : index
    %get3A_5 = arith.constant 0 : index
    %get3A_6 = arith.constant 0 : index
    %get3A_7 = vector.load %arg1[%get3A_4, %get3A_5, %get3A_6] : memref<2x10000x16xf32, #tpu.memory_space<vmem>>, vector<1x10000x16xf32>
    %get3A_8 = vector.shape_cast %get3A_7 : vector<1x10000x16xf32> to vector<10000x16xf32>
    %add3A = arith.addf %get3A_3, %get3A_8 : vector<10000x16xf32>
    %get3A_9 = arith.constant 0 : index
    %get3A_10 = arith.constant 0 : index
    %get3A_11 = vector.load %arg0[%get3A_9, %get3A_10] : memref<10000x128xf32, #tpu.memory_space<vmem>>, vector<10000x128xf32>
    %get3A_12 = arith.constant 0 : index
    %get3A_13 = arith.constant 0 : index
    %get3A_14 = vector.load %arg2[%get3A_12, %get3A_13] : memref<128x16xf32, #tpu.memory_space<vmem>>, vector<128x16xf32>
    %convert_element_type3A = arith.truncf %get3A_11 : vector<10000x128xf32> to vector<10000x128xbf16>
    %convert_element_type3A_15 = arith.truncf %get3A_14 : vector<128x16xf32> to vector<128x16xbf16>
    %dot_general3A = arith.constant dense<0.000000e+00> : vector<10000x16xf32>
    %dot_general3A_16 = tpu.matmul %convert_element_type3A, %convert_element_type3A_15, %dot_general3A {dimension_numbers = #tpu.dot_dimension_numbers<[1], [0], [0], [1], [0, 0, 1, 1], [], []>, transpose_lhs_hint = false} : vector<10000x128xbf16>, vector<128x16xbf16>, vector<10000x16xf32> -> vector<10000x16xf32>
    %add3A_17 = arith.addf %dot_general3A_16, %add3A : vector<10000x16xf32>
    %get3A_18 = arith.constant 0 : index
    %get3A_19 = arith.constant 0 : index
    %get3A_20 = vector.load %arg3[%get3A_18, %get3A_19] : memref<1x16xf32, #tpu.memory_space<vmem>>, vector<1x16xf32>
    %add3A_21 = vector.broadcast %get3A_20 : vector<1x16xf32> to vector<10000x16xf32>
    %add3A_22 = arith.addf %add3A_17, %add3A_21 : vector<10000x16xf32>
    %get3A_23 = arith.constant 0 : index
    %get3A_24 = arith.constant 0 : index
    %get3A_25 = vector.load %arg4[%get3A_23, %get3A_24] : memref<1x16xf32, #tpu.memory_space<vmem>>, vector<1x16xf32>
    %get3A_26 = arith.constant 0 : index
    %get3A_27 = arith.constant 0 : index
    %get3A_28 = vector.load %arg5[%get3A_26, %get3A_27] : memref<1x16xf32, #tpu.memory_space<vmem>>, vector<1x16xf32>
    %reduce_sum3A = arith.constant dense<0.000000e+00> : vector<16xf32>
    %reduce_sum3A_29 = vector.multi_reduction <add>, %add3A_22, %reduce_sum3A [0] : vector<10000x16xf32> to vector<16xf32>
    %div3A = arith.constant 1.000000e+04 : f32
    %div3A_30 = vector.broadcast %div3A : f32 to vector<16xf32>
    %div3A_31 = arith.divf %reduce_sum3A_29, %div3A_30 : vector<16xf32>
    %jit3A = arith.constant 0 : i32
    %reduce_sum3A_32 = arith.constant dense<0.000000e+00> : vector<16xf32>
    %reduce_sum3A_33 = vector.multi_reduction <add>, %add3A_22, %reduce_sum3A_32 [0] : vector<10000x16xf32> to vector<16xf32>
    %broadcast_in_dim3A = vector.shape_cast %reduce_sum3A_33 : vector<16xf32> to vector<1x16xf32>
    %div3A_34 = arith.constant 1.000000e+04 : f32
    %div3A_35 = vector.broadcast %div3A_34 : f32 to vector<1x16xf32>
    %div3A_36 = arith.divf %broadcast_in_dim3A, %div3A_35 : vector<1x16xf32>
    %sub3A = vector.broadcast %div3A_36 : vector<1x16xf32> to vector<10000x16xf32>
    %sub3A_37 = arith.subf %add3A_22, %sub3A : vector<10000x16xf32>
    %square3A = arith.mulf %sub3A_37, %sub3A_37 : vector<10000x16xf32>
    %convert_element_type3A_38 = arith.sitofp %jit3A : i32 to f32
    %sub3A_39 = arith.constant 1.000000e+04 : f32
    %sub3A_40 = arith.subf %sub3A_39, %convert_element_type3A_38 : f32
    %reduce_sum3A_41 = arith.constant dense<0.000000e+00> : vector<16xf32>
    %reduce_sum3A_42 = vector.multi_reduction <add>, %square3A, %reduce_sum3A_41 [0] : vector<10000x16xf32> to vector<16xf32>
    %div3A_43 = vector.broadcast %sub3A_40 : f32 to vector<16xf32>
    %div3A_44 = arith.divf %reduce_sum3A_42, %div3A_43 : vector<16xf32>
    %gt3A = arith.constant 0.000000e+00 : f32
    %gt3A_45 = arith.cmpf ogt, %sub3A_40, %gt3A : f32
    %jit3A_46 = arith.constant 0x7FC00000 : f32
    %broadcast_in_dim3A_47 = vector.broadcast %jit3A_46 : f32 to vector<16xf32>
    %select_n3A = arith.select %gt3A_45, %div3A_44, %broadcast_in_dim3A_47 : vector<16xf32>
    %broadcast_in_dim3A_48 = vector.shape_cast %div3A_31 : vector<16xf32> to vector<1x16xf32>
    %sub3A_49 = vector.broadcast %broadcast_in_dim3A_48 : vector<1x16xf32> to vector<10000x16xf32>
    %sub3A_50 = arith.subf %add3A_22, %sub3A_49 : vector<10000x16xf32>
    %add3A_51 = arith.constant 9.99999974E-6 : f32
    %add3A_52 = vector.broadcast %add3A_51 : f32 to vector<16xf32>
    %add3A_53 = arith.addf %select_n3A, %add3A_52 : vector<16xf32>
    %sqrt3A = math.sqrt %add3A_53 : vector<16xf32>
    %broadcast_in_dim3A_54 = vector.shape_cast %sqrt3A : vector<16xf32> to vector<1x16xf32>
    %div3A_55 = vector.broadcast %broadcast_in_dim3A_54 : vector<1x16xf32> to vector<10000x16xf32>
    %div3A_56 = arith.divf %sub3A_50, %div3A_55 : vector<10000x16xf32>
    %mul3A = vector.broadcast %get3A_25 : vector<1x16xf32> to vector<10000x16xf32>
    %mul3A_57 = arith.mulf %div3A_56, %mul3A : vector<10000x16xf32>
    %add3A_58 = vector.broadcast %get3A_28 : vector<1x16xf32> to vector<10000x16xf32>
    %add3A_59 = arith.addf %mul3A_57, %add3A_58 : vector<10000x16xf32>
    %max3A = arith.constant 0.000000e+00 : f32
    %max3A_60 = vector.broadcast %max3A : f32 to vector<10000x16xf32>
    %max3A_61 = arith.maximumf %add3A_59, %max3A_60 : vector<10000x16xf32>
    %get3A_62 = arith.constant 0 : index
    %get3A_63 = arith.constant 0 : index
    %get3A_64 = vector.load %arg6[%get3A_62, %get3A_63] : memref<16x64xf32, #tpu.memory_space<vmem>>, vector<16x64xf32>
    %get3A_65 = arith.constant 0 : index
    %get3A_66 = arith.constant 0 : index
    %get3A_67 = vector.load %arg7[%get3A_65, %get3A_66] : memref<64x1xf32, #tpu.memory_space<vmem>>, vector<64x1xf32>
    %get3A_68 = arith.constant 0 : index
    %get3A_69 = arith.constant 0 : index
    %get3A_70 = vector.load %arg8[%get3A_68, %get3A_69] : memref<64x1xf32, #tpu.memory_space<vmem>>, vector<64x1xf32>
    %convert_element_type3A_71 = arith.truncf %max3A_61 : vector<10000x16xf32> to vector<10000x16xbf16>
    %convert_element_type3A_72 = arith.truncf %get3A_64 : vector<16x64xf32> to vector<16x64xbf16>
    %dot_general3A_73 = arith.constant dense<0.000000e+00> : vector<10000x64xf32>
    %dot_general3A_74 = tpu.matmul %convert_element_type3A_71, %convert_element_type3A_72, %dot_general3A_73 {dimension_numbers = #tpu.dot_dimension_numbers<[1], [0], [0], [1], [0, 0, 1, 1], [], []>, transpose_lhs_hint = false} : vector<10000x16xbf16>, vector<16x64xbf16>, vector<10000x64xf32> -> vector<10000x64xf32>
    %convert_element_type3A_75 = arith.truncf %dot_general3A_74 : vector<10000x64xf32> to vector<10000x64xbf16>
    %convert_element_type3A_76 = arith.truncf %get3A_67 : vector<64x1xf32> to vector<64x1xbf16>
    %dot_general3A_77 = arith.constant dense<0.000000e+00> : vector<10000x1xf32>
    %dot_general3A_78 = tpu.matmul %convert_element_type3A_75, %convert_element_type3A_76, %dot_general3A_77 {dimension_numbers = #tpu.dot_dimension_numbers<[1], [0], [0], [1], [0, 0, 1, 1], [], []>, transpose_lhs_hint = false} : vector<10000x64xbf16>, vector<64x1xbf16>, vector<10000x1xf32> -> vector<10000x1xf32>
    %convert_element_type3A_79 = arith.truncf %dot_general3A_74 : vector<10000x64xf32> to vector<10000x64xbf16>
    %convert_element_type3A_80 = arith.truncf %get3A_70 : vector<64x1xf32> to vector<64x1xbf16>
    %dot_general3A_81 = arith.constant dense<0.000000e+00> : vector<10000x1xf32>
    %dot_general3A_82 = tpu.matmul %convert_element_type3A_79, %convert_element_type3A_80, %dot_general3A_81 {dimension_numbers = #tpu.dot_dimension_numbers<[1], [0], [0], [1], [0, 0, 1, 1], [], []>, transpose_lhs_hint = false} : vector<10000x64xbf16>, vector<64x1xbf16>, vector<10000x1xf32> -> vector<10000x1xf32>
    %broadcast_in_dim3A_83 = vector.shape_cast %dot_general3A_78 : vector<10000x1xf32> to vector<10000x1xf32>
    %broadcast_in_dim3A_84 = vector.broadcast %broadcast_in_dim3A_83 : vector<10000x1xf32> to vector<10000x16xf32>
    %broadcast_in_dim3A_85 = arith.constant 0.000000e+00 : f32
    %broadcast_in_dim3A_86 = vector.broadcast %broadcast_in_dim3A_85 : f32 to vector<10000x48xf32>
    %concatenate3A = tpu.concatenate %dot_general3A_74, %broadcast_in_dim3A_84, %broadcast_in_dim3A_86 in 1 : vector<10000x64xf32>, vector<10000x16xf32>, vector<10000x48xf32> -> vector<10000x128xf32>
    %broadcast_in_dim3A_87 = vector.shape_cast %dot_general3A_82 : vector<10000x1xf32> to vector<10000x1xf32>
    %broadcast_in_dim3A_88 = vector.broadcast %broadcast_in_dim3A_87 : vector<10000x1xf32> to vector<10000x16xf32>
    %broadcast_in_dim3A_89 = arith.constant 0.000000e+00 : f32
    %broadcast_in_dim3A_90 = vector.broadcast %broadcast_in_dim3A_89 : f32 to vector<10000x112xf32>
    %concatenate3A_91 = tpu.concatenate %broadcast_in_dim3A_88, %broadcast_in_dim3A_90 in 1 : vector<10000x16xf32>, vector<10000x112xf32> -> vector<10000x128xf32>
    %swap3A = arith.constant 0 : index
    %swap3A_92 = arith.constant 0 : index
    %swap3A_93 = vector.load %arg9[%swap3A, %swap3A_92] : memref<10000x128xf32, #tpu.memory_space<vmem>>, vector<10000x128xf32>
    tpu.vector_store %arg9[%swap3A, %swap3A_92], %concatenate3A {strides = array<i32>} : memref<10000x128xf32, #tpu.memory_space<vmem>>, vector<10000x128xf32>,
    %swap3A_94 = arith.constant 0 : index
    %swap3A_95 = arith.constant 0 : index
    %swap3A_96 = vector.load %arg10[%swap3A_94, %swap3A_95] : memref<10000x128xf32, #tpu.memory_space<vmem>>, vector<10000x128xf32>
    tpu.vector_store %arg10[%swap3A_94, %swap3A_95], %concatenate3A_91 {strides = array<i32>} : memref<10000x128xf32, #tpu.memory_space<vmem>>, vector<10000x128xf32>,
    return
  }
}

module attributes {stable_mosaic.version = 14 : i64} {
  func.func @body(%arg0: memref<2x10000x80xf32, #tpu.memory_space<vmem>>, %arg1: memref<10000x128xf32, #tpu.memory_space<vmem>>, %arg2: memref<10000x8xf32, #tpu.memory_space<vmem>>, %arg3: memref<1x64xf32, #tpu.memory_space<vmem>>, %arg4: memref<1x64xf32, #tpu.memory_space<vmem>>, %arg5: memref<1x64xf32, #tpu.memory_space<vmem>>, %arg6: memref<64x64xf32, #tpu.memory_space<vmem>>, %arg7: memref<64x1xf32, #tpu.memory_space<vmem>>, %arg8: memref<64x1xf32, #tpu.memory_space<vmem>>, %arg9: memref<10000x128xf32, #tpu.memory_space<vmem>>, %arg10: memref<10000x128xf32, #tpu.memory_space<vmem>>) attributes {dimension_semantics = [], scalar_prefetch = 0 : i64, scratch_operands = 0 : i64, tpu.core_type = #tpu.core_type<tc>} {
    %get3A = arith.constant 0 : index
    %get3A_0 = arith.constant 0 : index
    %get3A_1 = vector.load %arg3[%get3A, %get3A_0] : memref<1x64xf32, #tpu.memory_space<vmem>>, vector<1x64xf32>
    %get3A_2 = arith.constant 0 : index
    %get3A_3 = arith.constant 0 : index
    %get3A_4 = arith.constant 0 : index
    %get3A_5 = vector.load %arg0[%get3A_2, %get3A_3, %get3A_4] : memref<2x10000x80xf32, #tpu.memory_space<vmem>>, vector<1x10000x64xf32>
    %get3A_6 = vector.shape_cast %get3A_5 : vector<1x10000x64xf32> to vector<10000x64xf32>
    %get3A_7 = arith.constant 1 : index
    %get3A_8 = arith.constant 0 : index
    %get3A_9 = arith.constant 0 : index
    %get3A_10 = vector.load %arg0[%get3A_7, %get3A_8, %get3A_9] : memref<2x10000x80xf32, #tpu.memory_space<vmem>>, vector<1x10000x64xf32>
    %get3A_11 = vector.shape_cast %get3A_10 : vector<1x10000x64xf32> to vector<10000x64xf32>
    %add3A = arith.addf %get3A_6, %get3A_11 : vector<10000x64xf32>
    %get3A_12 = arith.constant 0 : index
    %get3A_13 = arith.constant 0 : index
    %get3A_14 = arith.constant 64 : index
    %get3A_15 = vector.load %arg0[%get3A_12, %get3A_13, %get3A_14] : memref<2x10000x80xf32, #tpu.memory_space<vmem>>, vector<1x10000x1xf32>
    %get3A_16 = vector.shape_cast %get3A_15 : vector<1x10000x1xf32> to vector<10000x1xf32>
    %get3A_17 = arith.constant 1 : index
    %get3A_18 = arith.constant 0 : index
    %get3A_19 = arith.constant 64 : index
    %get3A_20 = vector.load %arg0[%get3A_17, %get3A_18, %get3A_19] : memref<2x10000x80xf32, #tpu.memory_space<vmem>>, vector<1x10000x1xf32>
    %get3A_21 = vector.shape_cast %get3A_20 : vector<1x10000x1xf32> to vector<10000x1xf32>
    %add3A_22 = arith.addf %get3A_16, %get3A_21 : vector<10000x1xf32>
    %get3A_23 = arith.constant 0 : index
    %get3A_24 = arith.constant 0 : index
    %get3A_25 = vector.load %arg1[%get3A_23, %get3A_24] : memref<10000x128xf32, #tpu.memory_space<vmem>>, vector<10000x64xf32>
    %get3A_26 = arith.constant 0 : index
    %get3A_27 = arith.constant 64 : index
    %get3A_28 = vector.load %arg1[%get3A_26, %get3A_27] : memref<10000x128xf32, #tpu.memory_space<vmem>>, vector<10000x1xf32>
    %get3A_29 = arith.constant 0 : index
    %get3A_30 = arith.constant 0 : index
    %get3A_31 = vector.load %arg2[%get3A_29, %get3A_30] : memref<10000x8xf32, #tpu.memory_space<vmem>>, vector<10000x1xf32>
    %add3A_32 = arith.addf %get3A_28, %get3A_31 : vector<10000x1xf32>
    %mul3A = arith.constant 2.000000e-01 : f32
    %mul3A_33 = vector.broadcast %mul3A : f32 to vector<10000x1xf32>
    %mul3A_34 = arith.mulf %mul3A_33, %add3A_32 : vector<10000x1xf32>
    %max3A = arith.maximumf %add3A_32, %mul3A_34 : vector<10000x1xf32>
    %exp3A = math.exp %max3A : vector<10000x1xf32>
    %mul3A_35 = vector.broadcast %exp3A : vector<10000x1xf32> to vector<10000x64xf32>
    %mul3A_36 = arith.mulf %mul3A_35, %get3A_25 : vector<10000x64xf32>
    %add3A_37 = arith.addf %add3A, %mul3A_36 : vector<10000x64xf32>
    %add3A_38 = arith.addf %add3A_22, %exp3A : vector<10000x1xf32>
    %add3A_39 = arith.constant 1.000000e-16 : f32
    %add3A_40 = vector.broadcast %add3A_39 : f32 to vector<10000x1xf32>
    %add3A_41 = arith.addf %add3A_38, %add3A_40 : vector<10000x1xf32>
    %div3A = vector.broadcast %add3A_41 : vector<10000x1xf32> to vector<10000x64xf32>
    %div3A_42 = arith.divf %add3A_37, %div3A : vector<10000x64xf32>
    %add3A_43 = vector.broadcast %get3A_1 : vector<1x64xf32> to vector<10000x64xf32>
    %add3A_44 = arith.addf %div3A_42, %add3A_43 : vector<10000x64xf32>
    %get3A_45 = arith.constant 0 : index
    %get3A_46 = arith.constant 0 : index
    %get3A_47 = vector.load %arg4[%get3A_45, %get3A_46] : memref<1x64xf32, #tpu.memory_space<vmem>>, vector<1x64xf32>
    %get3A_48 = arith.constant 0 : index
    %get3A_49 = arith.constant 0 : index
    %get3A_50 = vector.load %arg5[%get3A_48, %get3A_49] : memref<1x64xf32, #tpu.memory_space<vmem>>, vector<1x64xf32>
    %reduce_sum3A = arith.constant dense<0.000000e+00> : vector<64xf32>
    %reduce_sum3A_51 = vector.multi_reduction <add>, %add3A_44, %reduce_sum3A [0] : vector<10000x64xf32> to vector<64xf32>
    %div3A_52 = arith.constant 1.000000e+04 : f32
    %div3A_53 = vector.broadcast %div3A_52 : f32 to vector<64xf32>
    %div3A_54 = arith.divf %reduce_sum3A_51, %div3A_53 : vector<64xf32>
    %jit3A = arith.constant 0 : i32
    %reduce_sum3A_55 = arith.constant dense<0.000000e+00> : vector<64xf32>
    %reduce_sum3A_56 = vector.multi_reduction <add>, %add3A_44, %reduce_sum3A_55 [0] : vector<10000x64xf32> to vector<64xf32>
    %broadcast_in_dim3A = vector.shape_cast %reduce_sum3A_56 : vector<64xf32> to vector<1x64xf32>
    %div3A_57 = arith.constant 1.000000e+04 : f32
    %div3A_58 = vector.broadcast %div3A_57 : f32 to vector<1x64xf32>
    %div3A_59 = arith.divf %broadcast_in_dim3A, %div3A_58 : vector<1x64xf32>
    %sub3A = vector.broadcast %div3A_59 : vector<1x64xf32> to vector<10000x64xf32>
    %sub3A_60 = arith.subf %add3A_44, %sub3A : vector<10000x64xf32>
    %square3A = arith.mulf %sub3A_60, %sub3A_60 : vector<10000x64xf32>
    %convert_element_type3A = arith.sitofp %jit3A : i32 to f32
    %sub3A_61 = arith.constant 1.000000e+04 : f32
    %sub3A_62 = arith.subf %sub3A_61, %convert_element_type3A : f32
    %reduce_sum3A_63 = arith.constant dense<0.000000e+00> : vector<64xf32>
    %reduce_sum3A_64 = vector.multi_reduction <add>, %square3A, %reduce_sum3A_63 [0] : vector<10000x64xf32> to vector<64xf32>
    %div3A_65 = vector.broadcast %sub3A_62 : f32 to vector<64xf32>
    %div3A_66 = arith.divf %reduce_sum3A_64, %div3A_65 : vector<64xf32>
    %gt3A = arith.constant 0.000000e+00 : f32
    %gt3A_67 = arith.cmpf ogt, %sub3A_62, %gt3A : f32
    %jit3A_68 = arith.constant 0x7FC00000 : f32
    %broadcast_in_dim3A_69 = vector.broadcast %jit3A_68 : f32 to vector<64xf32>
    %select_n3A = arith.select %gt3A_67, %div3A_66, %broadcast_in_dim3A_69 : vector<64xf32>
    %broadcast_in_dim3A_70 = vector.shape_cast %div3A_54 : vector<64xf32> to vector<1x64xf32>
    %sub3A_71 = vector.broadcast %broadcast_in_dim3A_70 : vector<1x64xf32> to vector<10000x64xf32>
    %sub3A_72 = arith.subf %add3A_44, %sub3A_71 : vector<10000x64xf32>
    %add3A_73 = arith.constant 9.99999974E-6 : f32
    %add3A_74 = vector.broadcast %add3A_73 : f32 to vector<64xf32>
    %add3A_75 = arith.addf %select_n3A, %add3A_74 : vector<64xf32>
    %sqrt3A = math.sqrt %add3A_75 : vector<64xf32>
    %broadcast_in_dim3A_76 = vector.shape_cast %sqrt3A : vector<64xf32> to vector<1x64xf32>
    %div3A_77 = vector.broadcast %broadcast_in_dim3A_76 : vector<1x64xf32> to vector<10000x64xf32>
    %div3A_78 = arith.divf %sub3A_72, %div3A_77 : vector<10000x64xf32>
    %mul3A_79 = vector.broadcast %get3A_47 : vector<1x64xf32> to vector<10000x64xf32>
    %mul3A_80 = arith.mulf %div3A_78, %mul3A_79 : vector<10000x64xf32>
    %add3A_81 = vector.broadcast %get3A_50 : vector<1x64xf32> to vector<10000x64xf32>
    %add3A_82 = arith.addf %mul3A_80, %add3A_81 : vector<10000x64xf32>
    %max3A_83 = arith.constant 0.000000e+00 : f32
    %max3A_84 = vector.broadcast %max3A_83 : f32 to vector<10000x64xf32>
    %max3A_85 = arith.maximumf %add3A_82, %max3A_84 : vector<10000x64xf32>
    %get3A_86 = arith.constant 0 : index
    %get3A_87 = arith.constant 0 : index
    %get3A_88 = vector.load %arg6[%get3A_86, %get3A_87] : memref<64x64xf32, #tpu.memory_space<vmem>>, vector<64x64xf32>
    %get3A_89 = arith.constant 0 : index
    %get3A_90 = arith.constant 0 : index
    %get3A_91 = vector.load %arg7[%get3A_89, %get3A_90] : memref<64x1xf32, #tpu.memory_space<vmem>>, vector<64x1xf32>
    %get3A_92 = arith.constant 0 : index
    %get3A_93 = arith.constant 0 : index
    %get3A_94 = vector.load %arg8[%get3A_92, %get3A_93] : memref<64x1xf32, #tpu.memory_space<vmem>>, vector<64x1xf32>
    %convert_element_type3A_95 = arith.truncf %max3A_85 : vector<10000x64xf32> to vector<10000x64xbf16>
    %convert_element_type3A_96 = arith.truncf %get3A_88 : vector<64x64xf32> to vector<64x64xbf16>
    %dot_general3A = arith.constant dense<0.000000e+00> : vector<10000x64xf32>
    %dot_general3A_97 = tpu.matmul %convert_element_type3A_95, %convert_element_type3A_96, %dot_general3A {dimension_numbers = #tpu.dot_dimension_numbers<[1], [0], [0], [1], [0, 0, 1, 1], [], []>, transpose_lhs_hint = false} : vector<10000x64xbf16>, vector<64x64xbf16>, vector<10000x64xf32> -> vector<10000x64xf32>
    %convert_element_type3A_98 = arith.truncf %dot_general3A_97 : vector<10000x64xf32> to vector<10000x64xbf16>
    %convert_element_type3A_99 = arith.truncf %get3A_91 : vector<64x1xf32> to vector<64x1xbf16>
    %dot_general3A_100 = arith.constant dense<0.000000e+00> : vector<10000x1xf32>
    %dot_general3A_101 = tpu.matmul %convert_element_type3A_98, %convert_element_type3A_99, %dot_general3A_100 {dimension_numbers = #tpu.dot_dimension_numbers<[1], [0], [0], [1], [0, 0, 1, 1], [], []>, transpose_lhs_hint = false} : vector<10000x64xbf16>, vector<64x1xbf16>, vector<10000x1xf32> -> vector<10000x1xf32>
    %convert_element_type3A_102 = arith.truncf %dot_general3A_97 : vector<10000x64xf32> to vector<10000x64xbf16>
    %convert_element_type3A_103 = arith.truncf %get3A_94 : vector<64x1xf32> to vector<64x1xbf16>
    %dot_general3A_104 = arith.constant dense<0.000000e+00> : vector<10000x1xf32>
    %dot_general3A_105 = tpu.matmul %convert_element_type3A_102, %convert_element_type3A_103, %dot_general3A_104 {dimension_numbers = #tpu.dot_dimension_numbers<[1], [0], [0], [1], [0, 0, 1, 1], [], []>, transpose_lhs_hint = false} : vector<10000x64xbf16>, vector<64x1xbf16>, vector<10000x1xf32> -> vector<10000x1xf32>
    %broadcast_in_dim3A_106 = vector.shape_cast %dot_general3A_101 : vector<10000x1xf32> to vector<10000x1xf32>
    %broadcast_in_dim3A_107 = vector.broadcast %broadcast_in_dim3A_106 : vector<10000x1xf32> to vector<10000x16xf32>
    %broadcast_in_dim3A_108 = arith.constant 0.000000e+00 : f32
    %broadcast_in_dim3A_109 = vector.broadcast %broadcast_in_dim3A_108 : f32 to vector<10000x48xf32>
    %concatenate3A = tpu.concatenate %dot_general3A_97, %broadcast_in_dim3A_107, %broadcast_in_dim3A_109 in 1 : vector<10000x64xf32>, vector<10000x16xf32>, vector<10000x48xf32> -> vector<10000x128xf32>
    %broadcast_in_dim3A_110 = vector.shape_cast %dot_general3A_105 : vector<10000x1xf32> to vector<10000x1xf32>
    %broadcast_in_dim3A_111 = vector.broadcast %broadcast_in_dim3A_110 : vector<10000x1xf32> to vector<10000x16xf32>
    %broadcast_in_dim3A_112 = arith.constant 0.000000e+00 : f32
    %broadcast_in_dim3A_113 = vector.broadcast %broadcast_in_dim3A_112 : f32 to vector<10000x112xf32>
    %concatenate3A_114 = tpu.concatenate %broadcast_in_dim3A_111, %broadcast_in_dim3A_113 in 1 : vector<10000x16xf32>, vector<10000x112xf32> -> vector<10000x128xf32>
    %swap3A = arith.constant 0 : index
    %swap3A_115 = arith.constant 0 : index
    %swap3A_116 = vector.load %arg9[%swap3A, %swap3A_115] : memref<10000x128xf32, #tpu.memory_space<vmem>>, vector<10000x128xf32>
    tpu.vector_store %arg9[%swap3A, %swap3A_115], %concatenate3A {strides = array<i32>} : memref<10000x128xf32, #tpu.memory_space<vmem>>, vector<10000x128xf32>,
    %swap3A_117 = arith.constant 0 : index
    %swap3A_118 = arith.constant 0 : index
    %swap3A_119 = vector.load %arg10[%swap3A_117, %swap3A_118] : memref<10000x128xf32, #tpu.memory_space<vmem>>, vector<10000x128xf32>
    tpu.vector_store %arg10[%swap3A_117, %swap3A_118], %concatenate3A_114 {strides = array<i32>} : memref<10000x128xf32, #tpu.memory_space<vmem>>, vector<10000x128xf32>,
    return
  }
}

module attributes {stable_mosaic.version = 14 : i64} {
  func.func @body(%arg0: memref<2x10000x80xf32, #tpu.memory_space<vmem>>, %arg1: memref<10000x128xf32, #tpu.memory_space<vmem>>, %arg2: memref<10000x8xf32, #tpu.memory_space<vmem>>, %arg3: memref<1x10000xi32, #tpu.memory_space<vmem>>, %arg4: memref<1x64xf32, #tpu.memory_space<vmem>>, %arg5: memref<1x64xf32, #tpu.memory_space<vmem>>, %arg6: memref<1x64xf32, #tpu.memory_space<vmem>>, %arg7: memref<64x128xf32, #tpu.memory_space<vmem>>, %arg8: memref<1x128xf32, #tpu.memory_space<vmem>>, %arg9: memref<1x128xf32, #tpu.memory_space<vmem>>, %arg10: memref<1x128xf32, #tpu.memory_space<vmem>>, %arg11: memref<128x128xf32, #tpu.memory_space<vmem>>, %arg12: memref<1x128xf32, #tpu.memory_space<vmem>>, %arg13: memref<1x128xf32, #tpu.memory_space<vmem>>, %arg14: memref<1x128xf32, #tpu.memory_space<vmem>>, %arg15: memref<128x64xf32, #tpu.memory_space<vmem>>, %arg16: memref<1x64xf32, #tpu.memory_space<vmem>>, %arg17: memref<64x64xf32, #tpu.memory_space<vmem>>) attributes {dimension_semantics = [], scalar_prefetch = 0 : i64, scratch_operands = 0 : i64, tpu.core_type = #tpu.core_type<tc>} {
    %get3A = arith.constant 0 : index
    %get3A_0 = arith.constant 0 : index
    %get3A_1 = vector.load %arg4[%get3A, %get3A_0] : memref<1x64xf32, #tpu.memory_space<vmem>>, vector<1x64xf32>
    %get3A_2 = arith.constant 0 : index
    %get3A_3 = arith.constant 0 : index
    %get3A_4 = arith.constant 0 : index
    %get3A_5 = vector.load %arg0[%get3A_2, %get3A_3, %get3A_4] : memref<2x10000x80xf32, #tpu.memory_space<vmem>>, vector<1x10000x64xf32>
    %get3A_6 = vector.shape_cast %get3A_5 : vector<1x10000x64xf32> to vector<10000x64xf32>
    %get3A_7 = arith.constant 1 : index
    %get3A_8 = arith.constant 0 : index
    %get3A_9 = arith.constant 0 : index
    %get3A_10 = vector.load %arg0[%get3A_7, %get3A_8, %get3A_9] : memref<2x10000x80xf32, #tpu.memory_space<vmem>>, vector<1x10000x64xf32>
    %get3A_11 = vector.shape_cast %get3A_10 : vector<1x10000x64xf32> to vector<10000x64xf32>
    %add3A = arith.addf %get3A_6, %get3A_11 : vector<10000x64xf32>
    %get3A_12 = arith.constant 0 : index
    %get3A_13 = arith.constant 0 : index
    %get3A_14 = arith.constant 64 : index
    %get3A_15 = vector.load %arg0[%get3A_12, %get3A_13, %get3A_14] : memref<2x10000x80xf32, #tpu.memory_space<vmem>>, vector<1x10000x1xf32>
    %get3A_16 = vector.shape_cast %get3A_15 : vector<1x10000x1xf32> to vector<10000x1xf32>
    %get3A_17 = arith.constant 1 : index
    %get3A_18 = arith.constant 0 : index
    %get3A_19 = arith.constant 64 : index
    %get3A_20 = vector.load %arg0[%get3A_17, %get3A_18, %get3A_19] : memref<2x10000x80xf32, #tpu.memory_space<vmem>>, vector<1x10000x1xf32>
    %get3A_21 = vector.shape_cast %get3A_20 : vector<1x10000x1xf32> to vector<10000x1xf32>
    %add3A_22 = arith.addf %get3A_16, %get3A_21 : vector<10000x1xf32>
    %get3A_23 = arith.constant 0 : index
    %get3A_24 = arith.constant 0 : index
    %get3A_25 = vector.load %arg1[%get3A_23, %get3A_24] : memref<10000x128xf32, #tpu.memory_space<vmem>>, vector<10000x64xf32>
    %get3A_26 = arith.constant 0 : index
    %get3A_27 = arith.constant 64 : index
    %get3A_28 = vector.load %arg1[%get3A_26, %get3A_27] : memref<10000x128xf32, #tpu.memory_space<vmem>>, vector<10000x1xf32>
    %get3A_29 = arith.constant 0 : index
    %get3A_30 = arith.constant 0 : index
    %get3A_31 = vector.load %arg2[%get3A_29, %get3A_30] : memref<10000x8xf32, #tpu.memory_space<vmem>>, vector<10000x1xf32>
    %add3A_32 = arith.addf %get3A_28, %get3A_31 : vector<10000x1xf32>
    %mul3A = arith.constant 2.000000e-01 : f32
    %mul3A_33 = vector.broadcast %mul3A : f32 to vector<10000x1xf32>
    %mul3A_34 = arith.mulf %mul3A_33, %add3A_32 : vector<10000x1xf32>
    %max3A = arith.maximumf %add3A_32, %mul3A_34 : vector<10000x1xf32>
    %exp3A = math.exp %max3A : vector<10000x1xf32>
    %mul3A_35 = vector.broadcast %exp3A : vector<10000x1xf32> to vector<10000x64xf32>
    %mul3A_36 = arith.mulf %mul3A_35, %get3A_25 : vector<10000x64xf32>
    %add3A_37 = arith.addf %add3A, %mul3A_36 : vector<10000x64xf32>
    %add3A_38 = arith.addf %add3A_22, %exp3A : vector<10000x1xf32>
    %add3A_39 = arith.constant 1.000000e-16 : f32
    %add3A_40 = vector.broadcast %add3A_39 : f32 to vector<10000x1xf32>
    %add3A_41 = arith.addf %add3A_38, %add3A_40 : vector<10000x1xf32>
    %div3A = vector.broadcast %add3A_41 : vector<10000x1xf32> to vector<10000x64xf32>
    %div3A_42 = arith.divf %add3A_37, %div3A : vector<10000x64xf32>
    %add3A_43 = vector.broadcast %get3A_1 : vector<1x64xf32> to vector<10000x64xf32>
    %add3A_44 = arith.addf %div3A_42, %add3A_43 : vector<10000x64xf32>
    %get3A_45 = arith.constant 0 : index
    %get3A_46 = arith.constant 0 : index
    %get3A_47 = vector.load %arg5[%get3A_45, %get3A_46] : memref<1x64xf32, #tpu.memory_space<vmem>>, vector<1x64xf32>
    %get3A_48 = arith.constant 0 : index
    %get3A_49 = arith.constant 0 : index
    %get3A_50 = vector.load %arg6[%get3A_48, %get3A_49] : memref<1x64xf32, #tpu.memory_space<vmem>>, vector<1x64xf32>
    %reduce_sum3A = arith.constant dense<0.000000e+00> : vector<64xf32>
    %reduce_sum3A_51 = vector.multi_reduction <add>, %add3A_44, %reduce_sum3A [0] : vector<10000x64xf32> to vector<64xf32>
    %div3A_52 = arith.constant 1.000000e+04 : f32
    %div3A_53 = vector.broadcast %div3A_52 : f32 to vector<64xf32>
    %div3A_54 = arith.divf %reduce_sum3A_51, %div3A_53 : vector<64xf32>
    %jit3A = arith.constant 0 : i32
    %reduce_sum3A_55 = arith.constant dense<0.000000e+00> : vector<64xf32>
    %reduce_sum3A_56 = vector.multi_reduction <add>, %add3A_44, %reduce_sum3A_55 [0] : vector<10000x64xf32> to vector<64xf32>
    %broadcast_in_dim3A = vector.shape_cast %reduce_sum3A_56 : vector<64xf32> to vector<1x64xf32>
    %div3A_57 = arith.constant 1.000000e+04 : f32
    %div3A_58 = vector.broadcast %div3A_57 : f32 to vector<1x64xf32>
    %div3A_59 = arith.divf %broadcast_in_dim3A, %div3A_58 : vector<1x64xf32>
    %sub3A = vector.broadcast %div3A_59 : vector<1x64xf32> to vector<10000x64xf32>
    %sub3A_60 = arith.subf %add3A_44, %sub3A : vector<10000x64xf32>
    %square3A = arith.mulf %sub3A_60, %sub3A_60 : vector<10000x64xf32>
    %convert_element_type3A = arith.sitofp %jit3A : i32 to f32
    %sub3A_61 = arith.constant 1.000000e+04 : f32
    %sub3A_62 = arith.subf %sub3A_61, %convert_element_type3A : f32
    %reduce_sum3A_63 = arith.constant dense<0.000000e+00> : vector<64xf32>
    %reduce_sum3A_64 = vector.multi_reduction <add>, %square3A, %reduce_sum3A_63 [0] : vector<10000x64xf32> to vector<64xf32>
    %div3A_65 = vector.broadcast %sub3A_62 : f32 to vector<64xf32>
    %div3A_66 = arith.divf %reduce_sum3A_64, %div3A_65 : vector<64xf32>
    %gt3A = arith.constant 0.000000e+00 : f32
    %gt3A_67 = arith.cmpf ogt, %sub3A_62, %gt3A : f32
    %jit3A_68 = arith.constant 0x7FC00000 : f32
    %broadcast_in_dim3A_69 = vector.broadcast %jit3A_68 : f32 to vector<64xf32>
    %select_n3A = arith.select %gt3A_67, %div3A_66, %broadcast_in_dim3A_69 : vector<64xf32>
    %broadcast_in_dim3A_70 = vector.shape_cast %div3A_54 : vector<64xf32> to vector<1x64xf32>
    %sub3A_71 = vector.broadcast %broadcast_in_dim3A_70 : vector<1x64xf32> to vector<10000x64xf32>
    %sub3A_72 = arith.subf %add3A_44, %sub3A_71 : vector<10000x64xf32>
    %add3A_73 = arith.constant 9.99999974E-6 : f32
    %add3A_74 = vector.broadcast %add3A_73 : f32 to vector<64xf32>
    %add3A_75 = arith.addf %select_n3A, %add3A_74 : vector<64xf32>
    %sqrt3A = math.sqrt %add3A_75 : vector<64xf32>
    %broadcast_in_dim3A_76 = vector.shape_cast %sqrt3A : vector<64xf32> to vector<1x64xf32>
    %div3A_77 = vector.broadcast %broadcast_in_dim3A_76 : vector<1x64xf32> to vector<10000x64xf32>
    %div3A_78 = arith.divf %sub3A_72, %div3A_77 : vector<10000x64xf32>
    %mul3A_79 = vector.broadcast %get3A_47 : vector<1x64xf32> to vector<10000x64xf32>
    %mul3A_80 = arith.mulf %div3A_78, %mul3A_79 : vector<10000x64xf32>
    %add3A_81 = vector.broadcast %get3A_50 : vector<1x64xf32> to vector<10000x64xf32>
    %add3A_82 = arith.addf %mul3A_80, %add3A_81 : vector<10000x64xf32>
    %max3A_83 = arith.constant 0.000000e+00 : f32
    %max3A_84 = vector.broadcast %max3A_83 : f32 to vector<10000x64xf32>
    %max3A_85 = arith.maximumf %add3A_82, %max3A_84 : vector<10000x64xf32>
    %iota3A = tpu.iota {dimensions = array<i32: 0>} : vector<64x10000xi32>
    %get3A_86 = arith.constant 0 : index
    %get3A_87 = arith.constant 0 : index
    %get3A_88 = vector.load %arg3[%get3A_86, %get3A_87] : memref<1x10000xi32, #tpu.memory_space<vmem>>, vector<1x10000xi32>
    %eq3A = vector.broadcast %get3A_88 : vector<1x10000xi32> to vector<64x10000xi32>
    %eq3A_89 = arith.cmpi eq, %eq3A, %iota3A : vector<64x10000xi32>
    %convert_element_type3A_90 = arith.extui %eq3A_89 : vector<64x10000xi1> to vector<64x10000xi32>
    %convert_element_type3A_91 = arith.sitofp %convert_element_type3A_90 : vector<64x10000xi32> to vector<64x10000xf32>
    %dot_general3A = arith.constant dense<0.000000e+00> : vector<64x64xf32>
    %dot_general3A_92 = tpu.matmul %convert_element_type3A_91, %max3A_85, %dot_general3A {dimension_numbers = #tpu.dot_dimension_numbers<[1], [0], [0], [1], [0, 0, 1, 1], [], []>, precision = #tpu.contract_precision<fp32>, transpose_lhs_hint = false} : vector<64x10000xf32>, vector<10000x64xf32>, vector<64x64xf32> -> vector<64x64xf32>
    %reduce_sum3A_93 = arith.constant dense<0.000000e+00> : vector<64xf32>
    %reduce_sum3A_94 = vector.multi_reduction <add>, %convert_element_type3A_91, %reduce_sum3A_93 [1] : vector<64x10000xf32> to vector<64xf32>
    %broadcast_in_dim3A_95 = vector.shape_cast %reduce_sum3A_94 : vector<64xf32> to vector<64x1xf32>
    %max3A_96 = arith.constant 1.000000e+00 : f32
    %max3A_97 = vector.broadcast %max3A_96 : f32 to vector<64x1xf32>
    %max3A_98 = arith.maximumf %broadcast_in_dim3A_95, %max3A_97 : vector<64x1xf32>
    %div3A_99 = vector.broadcast %max3A_98 : vector<64x1xf32> to vector<64x64xf32>
    %div3A_100 = arith.divf %dot_general3A_92, %div3A_99 : vector<64x64xf32>
    %get3A_101 = arith.constant 0 : index
    %get3A_102 = arith.constant 0 : index
    %get3A_103 = vector.load %arg7[%get3A_101, %get3A_102] : memref<64x128xf32, #tpu.memory_space<vmem>>, vector<64x128xf32>
    %convert_element_type3A_104 = arith.truncf %div3A_100 : vector<64x64xf32> to vector<64x64xbf16>
    %convert_element_type3A_105 = arith.truncf %get3A_103 : vector<64x128xf32> to vector<64x128xbf16>
    %dot_general3A_106 = arith.constant dense<0.000000e+00> : vector<64x128xf32>
    %dot_general3A_107 = tpu.matmul %convert_element_type3A_104, %convert_element_type3A_105, %dot_general3A_106 {dimension_numbers = #tpu.dot_dimension_numbers<[1], [0], [0], [1], [0, 0, 1, 1], [], []>, transpose_lhs_hint = false} : vector<64x64xbf16>, vector<64x128xbf16>, vector<64x128xf32> -> vector<64x128xf32>
    %get3A_108 = arith.constant 0 : index
    %get3A_109 = arith.constant 0 : index
    %get3A_110 = vector.load %arg8[%get3A_108, %get3A_109] : memref<1x128xf32, #tpu.memory_space<vmem>>, vector<1x128xf32>
    %add3A_111 = vector.broadcast %get3A_110 : vector<1x128xf32> to vector<64x128xf32>
    %add3A_112 = arith.addf %dot_general3A_107, %add3A_111 : vector<64x128xf32>
    %get3A_113 = arith.constant 0 : index
    %get3A_114 = arith.constant 0 : index
    %get3A_115 = vector.load %arg9[%get3A_113, %get3A_114] : memref<1x128xf32, #tpu.memory_space<vmem>>, vector<1x128xf32>
    %get3A_116 = arith.constant 0 : index
    %get3A_117 = arith.constant 0 : index
    %get3A_118 = vector.load %arg10[%get3A_116, %get3A_117] : memref<1x128xf32, #tpu.memory_space<vmem>>, vector<1x128xf32>
    %reduce_sum3A_119 = arith.constant dense<0.000000e+00> : vector<128xf32>
    %reduce_sum3A_120 = vector.multi_reduction <add>, %add3A_112, %reduce_sum3A_119 [0] : vector<64x128xf32> to vector<128xf32>
    %div3A_121 = arith.constant 6.400000e+01 : f32
    %div3A_122 = vector.broadcast %div3A_121 : f32 to vector<128xf32>
    %div3A_123 = arith.divf %reduce_sum3A_120, %div3A_122 : vector<128xf32>
    %jit3A_124 = arith.constant 0 : i32
    %reduce_sum3A_125 = arith.constant dense<0.000000e+00> : vector<128xf32>
    %reduce_sum3A_126 = vector.multi_reduction <add>, %add3A_112, %reduce_sum3A_125 [0] : vector<64x128xf32> to vector<128xf32>
    %broadcast_in_dim3A_127 = vector.shape_cast %reduce_sum3A_126 : vector<128xf32> to vector<1x128xf32>
    %div3A_128 = arith.constant 6.400000e+01 : f32
    %div3A_129 = vector.broadcast %div3A_128 : f32 to vector<1x128xf32>
    %div3A_130 = arith.divf %broadcast_in_dim3A_127, %div3A_129 : vector<1x128xf32>
    %sub3A_131 = vector.broadcast %div3A_130 : vector<1x128xf32> to vector<64x128xf32>
    %sub3A_132 = arith.subf %add3A_112, %sub3A_131 : vector<64x128xf32>
    %square3A_133 = arith.mulf %sub3A_132, %sub3A_132 : vector<64x128xf32>
    %convert_element_type3A_134 = arith.sitofp %jit3A_124 : i32 to f32
    %sub3A_135 = arith.constant 6.400000e+01 : f32
    %sub3A_136 = arith.subf %sub3A_135, %convert_element_type3A_134 : f32
    %reduce_sum3A_137 = arith.constant dense<0.000000e+00> : vector<128xf32>
    %reduce_sum3A_138 = vector.multi_reduction <add>, %square3A_133, %reduce_sum3A_137 [0] : vector<64x128xf32> to vector<128xf32>
    %div3A_139 = vector.broadcast %sub3A_136 : f32 to vector<128xf32>
    %div3A_140 = arith.divf %reduce_sum3A_138, %div3A_139 : vector<128xf32>
    %gt3A_141 = arith.constant 0.000000e+00 : f32
    %gt3A_142 = arith.cmpf ogt, %sub3A_136, %gt3A_141 : f32
    %jit3A_143 = arith.constant 0x7FC00000 : f32
    %broadcast_in_dim3A_144 = vector.broadcast %jit3A_143 : f32 to vector<128xf32>
    %select_n3A_145 = arith.select %gt3A_142, %div3A_140, %broadcast_in_dim3A_144 : vector<128xf32>
    %broadcast_in_dim3A_146 = vector.shape_cast %div3A_123 : vector<128xf32> to vector<1x128xf32>
    %sub3A_147 = vector.broadcast %broadcast_in_dim3A_146 : vector<1x128xf32> to vector<64x128xf32>
    %sub3A_148 = arith.subf %add3A_112, %sub3A_147 : vector<64x128xf32>
    %add3A_149 = arith.constant 9.99999974E-6 : f32
    %add3A_150 = vector.broadcast %add3A_149 : f32 to vector<128xf32>
    %add3A_151 = arith.addf %select_n3A_145, %add3A_150 : vector<128xf32>
    %sqrt3A_152 = math.sqrt %add3A_151 : vector<128xf32>
    %broadcast_in_dim3A_153 = vector.shape_cast %sqrt3A_152 : vector<128xf32> to vector<1x128xf32>
    %div3A_154 = vector.broadcast %broadcast_in_dim3A_153 : vector<1x128xf32> to vector<64x128xf32>
    %div3A_155 = arith.divf %sub3A_148, %div3A_154 : vector<64x128xf32>
    %mul3A_156 = vector.broadcast %get3A_115 : vector<1x128xf32> to vector<64x128xf32>
    %mul3A_157 = arith.mulf %div3A_155, %mul3A_156 : vector<64x128xf32>
    %add3A_158 = vector.broadcast %get3A_118 : vector<1x128xf32> to vector<64x128xf32>
    %add3A_159 = arith.addf %mul3A_157, %add3A_158 : vector<64x128xf32>
    %max3A_160 = arith.constant 0.000000e+00 : f32
    %max3A_161 = vector.broadcast %max3A_160 : f32 to vector<64x128xf32>
    %max3A_162 = arith.maximumf %add3A_159, %max3A_161 : vector<64x128xf32>
    %get3A_163 = arith.constant 0 : index
    %get3A_164 = arith.constant 0 : index
    %get3A_165 = vector.load %arg11[%get3A_163, %get3A_164] : memref<128x128xf32, #tpu.memory_space<vmem>>, vector<128x128xf32>
    %convert_element_type3A_166 = arith.truncf %max3A_162 : vector<64x128xf32> to vector<64x128xbf16>
    %convert_element_type3A_167 = arith.truncf %get3A_165 : vector<128x128xf32> to vector<128x128xbf16>
    %dot_general3A_168 = arith.constant dense<0.000000e+00> : vector<64x128xf32>
    %dot_general3A_169 = tpu.matmul %convert_element_type3A_166, %convert_element_type3A_167, %dot_general3A_168 {dimension_numbers = #tpu.dot_dimension_numbers<[1], [0], [0], [1], [0, 0, 1, 1], [], []>, transpose_lhs_hint = false} : vector<64x128xbf16>, vector<128x128xbf16>, vector<64x128xf32> -> vector<64x128xf32>
    %get3A_170 = arith.constant 0 : index
    %get3A_171 = arith.constant 0 : index
    %get3A_172 = vector.load %arg12[%get3A_170, %get3A_171] : memref<1x128xf32, #tpu.memory_space<vmem>>, vector<1x128xf32>
    %add3A_173 = vector.broadcast %get3A_172 : vector<1x128xf32> to vector<64x128xf32>
    %add3A_174 = arith.addf %dot_general3A_169, %add3A_173 : vector<64x128xf32>
    %get3A_175 = arith.constant 0 : index
    %get3A_176 = arith.constant 0 : index
    %get3A_177 = vector.load %arg13[%get3A_175, %get3A_176] : memref<1x128xf32, #tpu.memory_space<vmem>>, vector<1x128xf32>
    %get3A_178 = arith.constant 0 : index
    %get3A_179 = arith.constant 0 : index
    %get3A_180 = vector.load %arg14[%get3A_178, %get3A_179] : memref<1x128xf32, #tpu.memory_space<vmem>>, vector<1x128xf32>
    %reduce_sum3A_181 = arith.constant dense<0.000000e+00> : vector<128xf32>
    %reduce_sum3A_182 = vector.multi_reduction <add>, %add3A_174, %reduce_sum3A_181 [0] : vector<64x128xf32> to vector<128xf32>
    %div3A_183 = arith.constant 6.400000e+01 : f32
    %div3A_184 = vector.broadcast %div3A_183 : f32 to vector<128xf32>
    %div3A_185 = arith.divf %reduce_sum3A_182, %div3A_184 : vector<128xf32>
    %jit3A_186 = arith.constant 0 : i32
    %reduce_sum3A_187 = arith.constant dense<0.000000e+00> : vector<128xf32>
    %reduce_sum3A_188 = vector.multi_reduction <add>, %add3A_174, %reduce_sum3A_187 [0] : vector<64x128xf32> to vector<128xf32>
    %broadcast_in_dim3A_189 = vector.shape_cast %reduce_sum3A_188 : vector<128xf32> to vector<1x128xf32>
    %div3A_190 = arith.constant 6.400000e+01 : f32
    %div3A_191 = vector.broadcast %div3A_190 : f32 to vector<1x128xf32>
    %div3A_192 = arith.divf %broadcast_in_dim3A_189, %div3A_191 : vector<1x128xf32>
    %sub3A_193 = vector.broadcast %div3A_192 : vector<1x128xf32> to vector<64x128xf32>
    %sub3A_194 = arith.subf %add3A_174, %sub3A_193 : vector<64x128xf32>
    %square3A_195 = arith.mulf %sub3A_194, %sub3A_194 : vector<64x128xf32>
    %convert_element_type3A_196 = arith.sitofp %jit3A_186 : i32 to f32
    %sub3A_197 = arith.constant 6.400000e+01 : f32
    %sub3A_198 = arith.subf %sub3A_197, %convert_element_type3A_196 : f32
    %reduce_sum3A_199 = arith.constant dense<0.000000e+00> : vector<128xf32>
    %reduce_sum3A_200 = vector.multi_reduction <add>, %square3A_195, %reduce_sum3A_199 [0] : vector<64x128xf32> to vector<128xf32>
    %div3A_201 = vector.broadcast %sub3A_198 : f32 to vector<128xf32>
    %div3A_202 = arith.divf %reduce_sum3A_200, %div3A_201 : vector<128xf32>
    %gt3A_203 = arith.constant 0.000000e+00 : f32
    %gt3A_204 = arith.cmpf ogt, %sub3A_198, %gt3A_203 : f32
    %jit3A_205 = arith.constant 0x7FC00000 : f32
    %broadcast_in_dim3A_206 = vector.broadcast %jit3A_205 : f32 to vector<128xf32>
    %select_n3A_207 = arith.select %gt3A_204, %div3A_202, %broadcast_in_dim3A_206 : vector<128xf32>
    %broadcast_in_dim3A_208 = vector.shape_cast %div3A_185 : vector<128xf32> to vector<1x128xf32>
    %sub3A_209 = vector.broadcast %broadcast_in_dim3A_208 : vector<1x128xf32> to vector<64x128xf32>
    %sub3A_210 = arith.subf %add3A_174, %sub3A_209 : vector<64x128xf32>
    %add3A_211 = arith.constant 9.99999974E-6 : f32
    %add3A_212 = vector.broadcast %add3A_211 : f32 to vector<128xf32>
    %add3A_213 = arith.addf %select_n3A_207, %add3A_212 : vector<128xf32>
    %sqrt3A_214 = math.sqrt %add3A_213 : vector<128xf32>
    %broadcast_in_dim3A_215 = vector.shape_cast %sqrt3A_214 : vector<128xf32> to vector<1x128xf32>
    %div3A_216 = vector.broadcast %broadcast_in_dim3A_215 : vector<1x128xf32> to vector<64x128xf32>
    %div3A_217 = arith.divf %sub3A_210, %div3A_216 : vector<64x128xf32>
    %mul3A_218 = vector.broadcast %get3A_177 : vector<1x128xf32> to vector<64x128xf32>
    %mul3A_219 = arith.mulf %div3A_217, %mul3A_218 : vector<64x128xf32>
    %add3A_220 = vector.broadcast %get3A_180 : vector<1x128xf32> to vector<64x128xf32>
    %add3A_221 = arith.addf %mul3A_219, %add3A_220 : vector<64x128xf32>
    %max3A_222 = arith.constant 0.000000e+00 : f32
    %max3A_223 = vector.broadcast %max3A_222 : f32 to vector<64x128xf32>
    %max3A_224 = arith.maximumf %add3A_221, %max3A_223 : vector<64x128xf32>
    %get3A_225 = arith.constant 0 : index
    %get3A_226 = arith.constant 0 : index
    %get3A_227 = vector.load %arg15[%get3A_225, %get3A_226] : memref<128x64xf32, #tpu.memory_space<vmem>>, vector<128x64xf32>
    %convert_element_type3A_228 = arith.truncf %max3A_224 : vector<64x128xf32> to vector<64x128xbf16>
    %convert_element_type3A_229 = arith.truncf %get3A_227 : vector<128x64xf32> to vector<128x64xbf16>
    %dot_general3A_230 = arith.constant dense<0.000000e+00> : vector<64x64xf32>
    %dot_general3A_231 = tpu.matmul %convert_element_type3A_228, %convert_element_type3A_229, %dot_general3A_230 {dimension_numbers = #tpu.dot_dimension_numbers<[1], [0], [0], [1], [0, 0, 1, 1], [], []>, transpose_lhs_hint = false} : vector<64x128xbf16>, vector<128x64xbf16>, vector<64x64xf32> -> vector<64x64xf32>
    %get3A_232 = arith.constant 0 : index
    %get3A_233 = arith.constant 0 : index
    %get3A_234 = vector.load %arg16[%get3A_232, %get3A_233] : memref<1x64xf32, #tpu.memory_space<vmem>>, vector<1x64xf32>
    %add3A_235 = vector.broadcast %get3A_234 : vector<1x64xf32> to vector<64x64xf32>
    %add3A_236 = arith.addf %dot_general3A_231, %add3A_235 : vector<64x64xf32>
    %swap3A = arith.constant 0 : index
    %swap3A_237 = arith.constant 0 : index
    %swap3A_238 = vector.load %arg17[%swap3A, %swap3A_237] : memref<64x64xf32, #tpu.memory_space<vmem>>, vector<64x64xf32>
    tpu.vector_store %arg17[%swap3A, %swap3A_237], %add3A_236 {strides = array<i32>} : memref<64x64xf32, #tpu.memory_space<vmem>>, vector<64x64xf32>,
    return
  }
}

</mosaic_0001>

<sc_bundles>
// kernel: kernel.10.cloned.1.call-start
scs
__scs_entry_jumppad:
0x0: {  	(pc) =	sbr.rel $0x88, $3  }
0x1: {  	(tag) =	ssettag $0x0;
	lr =	simm.s32 $0x1  }
0x2: {  	[smem:$0x3F7D] =	sst lr;
	_ =	strace $0xD0000000  }
0x3: {  	_ = 	snop  }
0x4: {  	_ = 	snop  }
0x5: {  	_ = 	snop  }
0x6: {  	_ = 	snop  }
0x7: {  	_ = 	snop  }
__scs_overlays_trampoline_lowered:
0x8: {  	[smem:$0x3F8C] =	sst s0  }
0x9: {  	[smem:$0x3F8D] =	sst s1  }
0xa: {  	[smem:$0x3F8E] =	sst s2  }
0xb: {  	[smem:$0x3F8F] =	sst s3  }
0xc: {  	[smem:$0x3F90] =	sst s4  }
0xd: {  	[smem:$0x3F91] =	sst s5  }
0xe: {  	[smem:$0x3F92] =	sst s6  }
0xf: {  	[smem:$0x3F93] =	sst s7  }
0x10: {  	[smem:$0x3F94] =	sst s8  }
0x11: {  	[smem:$0x3F95] =	sst s9;
	s0 =	simm.s32 @!p0 $0x0  }
0x12: {  	s1 =	sld [smem:$0x3F7B];
	s0 =	simm.s32 @p0 $0x1  }
0x13: {  	[smem:$0x3F96] =	sst s0;
	s0 =	simm.s32 @!p1 $0x0  }
0x14: {  	s2 =	sld [smem:$0x3F7A];
	s0 =	simm.s32 @p1 $0x1  }
0x15: {  	[smem:$0x3F97] =	sst s0;
	s0 =	simm.s32 @!p2 $0x0  }
0x16: {  	s3 =	sld [smem:$0x3FDB];
	s0 =	simm.s32 @p2 $0x1  }
0x17: {  	s4 =	simm.s32 $0x1BF5;
	[smem:$0x3F99] =	sst s0  }
0x18: {  	s0 =	sld [smem:$0x3F7C];
	_ =	swait.ge [sflag:s4], $0x0  }
0x19: {  	s7 =	sld [smem:$0x3F7D]  }
0x1a: {  	s8 =	sadd.s32 $0xFFFFE003, lr  }
0x1b: {  	s9 =	sadd.s32 $0xFFFFFEF7, lr;
	s5 =	simm.s32 $0xFFFFFFFF;
	p2 =	slt.u32 s8, $0xFFFFF086  }
0x1c: {  	p1 =	slt.u32 s9, $0xF7A;
	s5 =	simm.s32 @!p2 $0x0  }
0x1d: {  	s5 =	simm.s32 @p1 $0x1;
	p0 =	seq.s32 s7, s2  }
0x1e: {  	s7 =	smul.u32 @!p0 $0xF7A, s2;
	p2 =	seq.s32 @!p0 s5, $0x0  }
0x1f: {  	s9 =	smul.u32 $0xF7A, s1;
	s8 =	simm.s32 @!p0 $0x1BF5;
	p2 =	por !p2, p0  }
0x20: {  	[sflag:s8] =	ssyncset.s32 @!p0 $0xFFFFF086;
	s6 =	sadd.s32 @!p0 s3, s7;
	s7 =	simm.s32 @!p0 $0x108  }
0x21: {  	s3 =	sadd.s32 s3, s9;
	s6 =	sadd.s32 @!p0 $0x88, s6;
	s7 =	simm.s32 @p2 $0x1082  }
0x22: {  	[simem:s7], [sflag:s8] =	dma.local @!p0 [hbm:s6], $0xF7A  }
0x23: {  	s9 =	sor.u32 $0xD0000000, s2;
	s6 =	simm.s32 $0x108;
	_ =	swait.ge @!p0 [sflag:s8], $0x0  }
0x24: {  	s3 =	sadd.s32 $0x88, s3;
	s6 =	simm.s32 @!p1 $0x1082;
	[sflag:s4] =	ssyncset.s32 $0xFFFFF086  }
0x25: {  	[simem:s6], [sflag:s4] =	dma.local [hbm:s3], $0xF7A  }
0x26: {  	[smem:$0x3F7D] =	sst s1;
	(tag) =	ssettag s2;
	_ =	strace s9  }
0x27: {  	s1 =	sld [smem:$0x3F8D]  }
0x28: {  	s2 =	sld [smem:$0x3F8E]  }
0x29: {  	s4 =	sld [smem:$0x3F90]  }
0x2a: {  	p0 =	seq.s32 s5, $0x0;
	s5 =	sld [smem:$0x3F91]  }
0x2b: {  	s6 =	sld [smem:$0x3F92]  }
0x2c: {  	s7 =	sld [smem:$0x3F93]  }
0x2d: {  	s3 =	simm.s32 $0x108;
	s8 =	sld [smem:$0x3F94]  }
0x2e: {  	s3 =	simm.s32 @!p0 $0x1082;
	s9 =	sld [smem:$0x3F95]  }
0x2f: {  	lr =	sadd.s32 s0, s3;
	s0 =	sld [smem:$0x3F8C]  }
0x30: {  	s3 =	sld [smem:$0x3F8F]  }
0x31: {  	[smem:$0x3F98] =	sst s10  }
0x32: {  	s10 =	sld [smem:$0x3F96];
	_ =	sdelay $0x3  }
0x33: {  	p0 =	seq.s32 s10, $0x1;
	s10 =	sld [smem:$0x3F98];
	_ =	sdelay $0x3  }
0x34: {  	[smem:$0x3F98] =	sst s10  }
0x35: {  	s10 =	sld [smem:$0x3F97];
	_ =	sdelay $0x3  }
0x36: {  	p1 =	seq.s32 s10, $0x1;
	s10 =	sld [smem:$0x3F98];
	_ =	sdelay $0x3  }
0x37: {  	[smem:$0x3F98] =	sst s10  }
0x38: {  	s10 =	sld [smem:$0x3F99]  }
0x39: {  	_ = 	snop;
	(pc) =	sbr.ind lr, $3  }
0x3a: {  	_ = 	snop  }
0x3b: {  	_ = 	snop  }
0x3c: {  	p2 =	seq.s32 s10, $0x1;
	s10 =	sld [smem:$0x3F98]  }
0x3d: {  	_ =	shalt  }
0x3e: {  	_ =	shalt  }
0x3f: {  	_ =	shalt  }
0x40: {  	_ =	shalt  }
0x41: {  	_ =	shalt  }
0x42: {  	_ =	shalt  }
0x43: {  	_ =	shalt  }
0x44: {  	_ =	shalt  }
0x45: {  	_ =	shalt  }
0x46: {  	_ =	shalt  }
0x47: {  	_ =	shalt  }
0x48: {  	_ =	shalt  }
0x49: {  	_ =	shalt  }
0x4a: {  	_ =	shalt  }
0x4b: {  	_ =	shalt  }
0x4c: {  	_ =	shalt  }
0x4d: {  	_ =	shalt  }
0x4e: {  	_ =	shalt  }
0x4f: {  	_ =	shalt  }
0x50: {  	_ =	shalt  }
0x51: {  	_ =	shalt  }
0x52: {  	_ =	shalt  }
0x53: {  	_ =	shalt  }
0x54: {  	_ =	shalt  }
0x55: {  	_ =	shalt  }
0x56: {  	_ =	shalt  }
0x57: {  	_ =	shalt  }
0x58: {  	_ =	shalt  }
0x59: {  	_ =	shalt  }
0x5a: {  	_ =	shalt  }
0x5b: {  	_ =	shalt  }
0x5c: {  	_ =	shalt  }
0x5d: {  	_ =	shalt  }
0x5e: {  	_ =	shalt  }
0x5f: {  	_ =	shalt  }
0x60: {  	_ =	shalt  }
0x61: {  	_ =	shalt  }
0x62: {  	_ =	shalt  }
0x63: {  	_ =	shalt  }
0x64: {  	_ =	shalt  }
0x65: {  	_ =	shalt  }
0x66: {  	_ =	shalt  }
0x67: {  	_ =	shalt  }
0x68: {  	_ =	shalt  }
0x69: {  	_ =	shalt  }
0x6a: {  	_ =	shalt  }
0x6b: {  	_ =	shalt  }
0x6c: {  	_ =	shalt  }
0x6d: {  	_ =	shalt  }
0x6e: {  	_ =	shalt  }
0x6f: {  	_ =	shalt  }
0x70: {  	_ =	shalt  }
0x71: {  	_ =	shalt  }
0x72: {  	_ =	shalt  }
0x73: {  	_ =	shalt  }
0x74: {  	_ =	shalt  }
0x75: {  	_ =	shalt  }
0x76: {  	_ =	shalt  }
0x77: {  	_ =	shalt  }
0x78: {  	_ =	shalt  }
0x79: {  	_ =	shalt  }
0x7a: {  	_ =	shalt  }
0x7b: {  	_ =	shalt  }
0x7c: {  	_ =	shalt  }
0x7d: {  	_ =	shalt  }
0x7e: {  	_ =	shalt  }
0x7f: {  	_ =	shalt  }
0x80: {  	_ =	shalt  }
0x81: {  	_ =	shalt  }
0x82: {  	_ =	shalt  }
0x83: {  	_ =	shalt  }
0x84: {  	_ =	shalt  }
0x85: {  	_ =	shalt  }
0x86: {  	_ =	shalt  }
0x87: {  	_ =	shalt  }
.Lfunc_end0:
.L_simem_size_0:
called_computation_lowered:
.L_overlay_start_0:
0x88: {  	s2 =	sld [smem:$0x3FD9]  }
0x89: {  	s3 =	sld [smem:$0x3FFE];
	_ =	sdelay $0x1  }
0x8a: {  	s1 =	srdreg.scid  }
0x8b: {  	s0 =	sand.u32 $0x1, s1  }
0x8c: {  	s17 =	sshll.u32 s0, $0xA;
	s2 =	sadd.s32 s3, s2  }
0x8d: {  	s2 =	sadd.s32 s2, s17  }
0x8e: {  	[smem:$0x3FA4] =	sst s2  }
0x8f: {  	_ = 	snop  }
0x90: {  	s2 =	sld [smem:$0x3FC9];
	(tm) =	ssettm $0x1  }
0x91: {  	s18 =	sld [smem:$0x3FFB];
	_ =	sdelay $0x3  }
0x92: {  	_ =	strace s18  }
0x93: {  	s3 =	sld [smem:$0x3FFC];
	_ =	sdelay $0x3  }
0x94: {  	_ =	strace s3  }
0x95: {  	s3 =	sld [smem:$0x3FFD];
	_ =	sdelay $0x3  }
0x96: {  	_ =	strace s3  }
0x97: {  	_ =	strace $0x8FFFFFFF  }
0x98: {  	s19 =	sld [smem:$0x3FDB];
	_ =	sdelay $0x1  }
0x99: {  	s4 =	simm.s32 $_scs_section_size  }
0x9a: {  	s5 =	simm.s32 $_size__tile_overlayer_lowered;
	s6 =	simm.s32 $_tile_overlayer_lowered  }
0x9b: {  	s22 =	simm.s32 $0x1BFF;
	s21 =	sshll.u32 s6, $0x1;
	s3 =	sadd.s32 s4, s19  }
0x9c: {  	s7 =	simm.s32 $0x0;
	s20 =	sshll.u32 s5, $0x1;
	s5 =	sadd.s32 s21, s3  }
0x9d: {  	[timem:s7], [sflag:s22] =	dma.local [hbm:s5], s20  }
0x9e: {  	_ =	swait.ge [sflag:s22], s20  }
0x9f: {  	s4 =	ssub.s32 $0x0, s20;
	[sflag:s22] =	ssyncset.done $0x0  }
0xa0: {  	[sflag:s22] =	ssyncadd.s32 s4;
	_ =	sdelay $0x1  }
0xa1: {  	s23 =	simm.s32 $0x1B8B  }
0xa2: {  	_ =	swait.ge [sflag:s23], $0x1  }
0xa3: {  	[sflag:s23] =	ssyncset.done $0x0  }
0xa4: {  	s25 =	simm.s32 $0x1B8E;
	s24 =	sld [smem:$0x3FFE];
	[sflag:s23] =	ssyncadd.s32 $0xFFFFFFFF  }
0xa5: {  	s26 =	simm.s32 $execute0_lowered;
	[smem:$0x3FD2] =	sst s25  }
0xa6: {  	s5 =	sshll.u32 s26, $0x1;
	_ =	strace $0x80000046;
	[dreg:$0x1] =	wrdreg $0xFFFFFFFF  }
0xa7: {  	s28 =	simm.s32 $_size_execute0_lowered;
	s3 =	sadd.s32 s3, s5;
	[dreg:$0x0] =	wrdreg $0x0  }
0xa8: {  	s5 =	sshll.u32 s28, $0x1;
	[dreg:$0x2] =	wrdreg s3  }
0xa9: {  	[dreg:$0x3] =	wrdreg s5  }
0xaa: {  	[dreg:$0x4] =	wrdreg $0xC0  }
0xab: {  	_ =	task [dreg:s7], $0x5FFFF  }
0xac: {  	[dreg:$0x1] =	wrdreg $0xFFFFFFFF  }
0xad: {  	[dreg:$0x0] =	wrdreg $0x60  }
0xae: {  	[dreg:$0x2] =	wrdreg s2  }
0xaf: {  	[dreg:$0x3] =	wrdreg s24  }
0xb0: {  	[dreg:$0x4] =	wrdreg $0x9  }
0xb1: {  	_ =	task.clear_ibuf [dreg:s7], $0x5FFFF;
	_ =	strace $0x90000046  }
0xb2: {  	s29 =	simm.s32 $0x9;
	_ =	strace $0x80000048  }
0xb3: {  	_ =	swait.ge [sflag:s29], $0x1  }
0xb4: {  	[sflag:s29] =	ssyncadd.s32 $0xFFFFFFFF  }
0xb5: {  	_ =	strace $0x90000048  }
0xb6: {  	_ =	sfence  }
0xb7: {  	s30 =	sld [smem:$0x0];
	_ =	sdelay $0x2  }
0xb8: {  	s31 =	sshll.u32 s1, $0xD;
	s1 =	sshrl.u32 s1, $0x2  }
0xb9: {  	s3 =	sand.u32 $0x4000, s31;
	s1 =	sadd.s32 s1, s30  }
0xba: {  	s0 =	sor.u32 s3, s0;
	s1 =	sshll.u32 s1, $0x11  }
0xbb: {  	s0 =	sor.u32 s1, s0  }
0xbc: {  	s0 =	sadd.s32 $0x8F2B, s0  }
0xbd: {  	[sflag:s0] =	ssyncadd.remote.s32 $0x1  }
0xbe: {  	_ =	sfence.sel $0xFFFF  }
0xbf: {  	[dreg:$0x0] =	wrdreg $0xFFFFFFFF;
	(pc) =	sbr.abs _section_cstart, $3  }
0xc0: {  	[dreg:$0x1] =	wrdreg $0xFFFFFFFF  }
0xc1: {  	_ =	task.clear_ibuf [dreg:s7], $0x2FFFF;
	_ =	strace $0x9FFFFFFF  }
0xc2: {  	(tm) =	ssettm $0x7FFFFFFF  }
0xc3: {  	_ =	shalt  }
tec
execute0_lowered:
.L_overlay_start_1:
0x0: {  	(tag) =	ssettag $0x1  }
0x1: {  	s2 =	rddreg [dreg:$0x0]  }
0x2: {  	s0 =	srdreg.scid;
	s4 =	rddreg [dreg:$0x1];
	s3 =	simm.s32 $0x0  }
0x3: {  	s13 =	simm.s32 $0x80;
	s14 =	simm.s32 $0x1400;
	s15 =	simm.s32 $0x5400  }
0x4: {  	s16 =	simm.s32 $0x1;
	s17 =	simm.s32 $0x3;
	s18 =	simm.s32 $0x100  }
0x5: {  	s19 =	simm.s32 $0x2;
	s20 =	simm.s32 $0x4;
	s7 =	sand.u32 $0x1, s0  }
0x6: {  	s21 =	simm.s32 $0x1380;
	s0 =	stileid.u32;
	s10 =	smul.u32 $0x280, s7  }
0x7: {  	s22 =	simm.s32 $0x0;
	[smem:$0x7FF] =	sst s3;
	s30 =	smul.u32 $0x28, s0  }
0x8: {  	s11 =	sadd.s32 $0x13000, s4;
	s1 =	sshll.u32 s7, $0x4;
	s31 =	smul.u32 $0x140000, s7  }
0x9: {  	s8 =	ssub.s32 $0x2, s7;
	s12 =	smul.u32 $0x14000, s0;
	s5 =	sor.u32 s0, s1  }
0xa: {  	s1 =	rddreg [dreg:$0x2];
	s29 =	sshrl.u32 s8, $0x1;
	s6 =	smul.u32 $0x280, s5  }
0xb: {  	s9 =	smul.u32 $0x14000, s5;
	s5 =	ssub.s32 s8, s29;
	s8 =	sadd.s32 s30, s10  }
0xc: {  	_ =	strace $0x80000047;
	s10 =	sshll.u32 s8, $0xB;
	s6 =	sadd.s32 s6, s4  }
0xd: {  	s5 =	smax.u32 s5, $0x1;
	s10 =	sadd.s32 s10, s11;
	s4 =	sadd.s32 $0xE000, s6  }
0xe: {  	s6 =	sadd.s32 s11, s9;
	s11 =	sadd.s32 s31, s11;
	s10 =	sadd.s32 $0x1800, s10  }
0xf: {  	s7 =	sadd.s32 $0x800, s6;
	s8 =	sadd.s32 $0x13000, s6;
	s11 =	sadd.s32 s12, s11  }
0x10: {  	s9 =	sadd.s32 $0x13800, s6;
	s12 =	simm.s32 $0x5;
	s11 =	sadd.s32 $0x1000, s11  }
.LBB2_1:
0x11: {  	[tilespmem:s3], [sflag:$0x5] =	stream.linear.gather [hbm4b:s4+s3], $0x1400, $0x38;
	[tilespmem:$0x9400] =	vst v63  }
0x12: {  	_ =	swait.ge [sflag:s12], $0x1400  }
0x13: {  	[sflag:s12] =	ssyncset.done $0x0  }
0x14: {  	[sflag:s12] =	ssyncadd.s32 $0xFFFFEC00  }
0x15: {  	[tilespmem:s14], [sflag:$0x1] =	stream.indirect.gather [hbm4b:s2+s13], $0x80, s3, s13, $0xb8;
	[tilespmem:$0x9400] =	vst v63  }
0x16: {  	_ = 	snop  }
0x17: {  	[tilespmem:s15], [sflag:$0x2] =	stream.indirect.gather [hbm4b:s2+s13], $0x80, s13, s13, $0xb8;
	[tilespmem:$0x9400] =	vst v63  }
0x18: {  	_ =	swait.ge [sflag:s16], $0x4000  }
0x19: {  	[sflag:s16] =	ssyncset.done $0x0  }
0x1a: {  	[sflag:s16] =	ssyncadd.s32 $0xFFFFC000  }
0x1b: {  	[hbm4b:s6+s3] =	stream.linear.scatter [tilespmem:s14], [sflag:$0x3], $0x4000, $0x38;
	[tilespmem:$0x9400] =	vst v63  }
0x1c: {  	_ =	swait.ge [sflag:s17], $0x4000  }
0x1d: {  	[sflag:s17] =	ssyncset.done $0x0  }
0x1e: {  	[sflag:s17] =	ssyncadd.s32 $0xFFFFC000  }
0x1f: {  	[tilespmem:s14], [sflag:$0x1] =	stream.indirect.gather [hbm4b:s2+s13], $0x80, s18, s13, $0xb8;
	[tilespmem:$0x9400] =	vst v63  }
0x20: {  	_ =	swait.ge [sflag:s19], $0x4000  }
0x21: {  	[sflag:s19] =	ssyncset.done $0x0  }
0x22: {  	[sflag:s19] =	ssyncadd.s32 $0xFFFFC000  }
0x23: {  	[hbm4b:s7+s3] =	stream.linear.scatter [tilespmem:s15], [sflag:$0x4], $0x4000, $0x38;
	[tilespmem:$0x9400] =	vst v63  }
0x24: {  	_ =	swait.ge [sflag:s20], $0x4000  }
0x25: {  	[sflag:s20] =	ssyncset.done $0x0  }
0x26: {  	s23 =	simm.s32 $0x180;
	[sflag:s20] =	ssyncadd.s32 $0xFFFFC000  }
0x27: {  	[tilespmem:s15], [sflag:$0x2] =	stream.indirect.gather [hbm4b:s2+s13], $0x80, s23, s13, $0xb8;
	[tilespmem:$0x9400] =	vst v63  }
0x28: {  	_ =	swait.ge [sflag:s16], $0x4000  }
0x29: {  	[sflag:s16] =	ssyncset.done $0x0  }
0x2a: {  	s30 =	sadd.s32 $0x0, s11;
	[sflag:s16] =	ssyncadd.s32 $0xFFFFC000  }
0x2b: {  	[hbm4b:s30+s3] =	stream.linear.scatter [tilespmem:s14], [sflag:$0x3], $0x4000, $0x38;
	[tilespmem:$0x9400] =	vst v63  }
0x2c: {  	_ =	swait.ge [sflag:s17], $0x4000  }
0x2d: {  	[sflag:s17] =	ssyncset.done $0x0  }
0x2e: {  	s31 =	simm.s32 $0x200;
	[sflag:s17] =	ssyncadd.s32 $0xFFFFC000  }
0x2f: {  	[tilespmem:s14], [sflag:$0x1] =	stream.indirect.gather [hbm4b:s2+s13], $0x80, s31, s13, $0xb8;
	[tilespmem:$0x9400] =	vst v63  }
0x30: {  	_ =	swait.ge [sflag:s19], $0x4000  }
0x31: {  	s25 =	sadd.s32 $0x0, s10;
	[sflag:s19] =	ssyncset.done $0x0  }
0x32: {  	s24 =	simm.s32 $0x300;
	s23 =	simm.s32 $0x1000;
	[sflag:s19] =	ssyncadd.s32 $0xFFFFC000  }
.LBB2_2:
0x33: {  	[hbm4b:s25+s3] =	stream.linear.scatter [tilespmem:s15], [sflag:$0x4], $0x4000, $0x38;
	[tilespmem:$0x9400] =	vst v63  }
0x34: {  	s25 =	smov.u32 s23  }
0x35: {  	p0 =	sne.s32 s23, $0x11000;
	s23 =	sadd.s32 $0x1000, s23;
	_ =	swait.ge [sflag:s20], $0x4000  }
0x36: {  	[sflag:s20] =	ssyncset.done $0x0  }
0x37: {  	s26 =	sadd.s32 $0xFFFFFF80, s24;
	[sflag:s20] =	ssyncadd.s32 $0xFFFFC000  }
0x38: {  	[tilespmem:s15], [sflag:$0x2] =	stream.indirect.gather [hbm4b:s2+s13], $0x80, s26, s13, $0xb8;
	[tilespmem:$0x9400] =	vst v63  }
0x39: {  	_ =	swait.ge [sflag:s16], $0x4000  }
0x3a: {  	[sflag:s16] =	ssyncset.done $0x0  }
0x3b: {  	s26 =	sadd.s32 s25, s11;
	[sflag:s16] =	ssyncadd.s32 $0xFFFFC000  }
0x3c: {  	[hbm4b:s26+s3] =	stream.linear.scatter [tilespmem:s14], [sflag:$0x3], $0x4000, $0x38;
	[tilespmem:$0x9400] =	vst v63  }
0x3d: {  	_ =	swait.ge [sflag:s17], $0x4000  }
0x3e: {  	[sflag:s17] =	ssyncset.done $0x0  }
.Ltmp0:
0x3f: {  	[sflag:s17] =	ssyncadd.s32 $0xFFFFC000;
	(pc) =	sbr.rel @p0 .LBB2_2-.Ltmp0, $4  }
0x40: {  	[tilespmem:s14], [sflag:$0x1] =	stream.indirect.gather [hbm4b:s2+s13], $0x80, s24, s13, $0xb8;
	[tilespmem:$0x9400] =	vst v63  }
0x41: {  	_ =	swait.ge [sflag:s19], $0x4000  }
0x42: {  	[sflag:s19] =	ssyncset.done $0x0  }
0x43: {  	s25 =	sadd.s32 s25, s10;
	s24 =	sadd.s32 $0x100, s24;
	[sflag:s19] =	ssyncadd.s32 $0xFFFFC000  }
0x44: {  	[hbm4b:s25+s3] =	stream.linear.scatter [tilespmem:s15], [sflag:$0x4], $0x4000, $0x38;
	[tilespmem:$0x9400] =	vst v63  }
0x45: {  	_ =	swait.ge [sflag:s20], $0x4000  }
0x46: {  	[sflag:s20] =	ssyncset.done $0x0  }
0x47: {  	[sflag:s20] =	ssyncadd.s32 $0xFFFFC000  }
0x48: {  	[tilespmem:s15], [sflag:$0x2] =	stream.indirect.gather [hbm4b:s2+s13], $0x80, s21, s13, $0xb8;
	[tilespmem:$0x9400] =	vst v63  }
0x49: {  	_ =	swait.ge [sflag:s16], $0x4000  }
0x4a: {  	[sflag:s16] =	ssyncset.done $0x0  }
0x4b: {  	[sflag:s16] =	ssyncadd.s32 $0xFFFFC000  }
0x4c: {  	[hbm4b:s8+s3] =	stream.linear.scatter [tilespmem:s14], [sflag:$0x3], $0x4000, $0x38;
	[tilespmem:$0x9400] =	vst v63  }
0x4d: {  	_ =	swait.ge [sflag:s19], $0x4000  }
0x4e: {  	[sflag:s19] =	ssyncset.done $0x0  }
0x4f: {  	s22 =	sadd.s32 $0x1, s22;
	[sflag:s19] =	ssyncadd.s32 $0xFFFFC000  }
0x50: {  	[hbm4b:s9+s3] =	stream.linear.scatter [tilespmem:s15], [sflag:$0x4], $0x4000, $0x38;
	[tilespmem:$0x9400] =	vst v63  }
0x51: {  	p0 =	sne.s32 s22, s5;
	_ =	swait.ge [sflag:s17], $0x4000  }
.Ltmp1:
0x52: {  	[sflag:s17] =	ssyncset.done $0x0;
	(pc) =	sbr.rel @p0 .LBB2_1-.Ltmp1, $4  }
0x53: {  	[sflag:s17] =	ssyncadd.s32 $0xFFFFC000  }
0x54: {  	_ =	swait.ge [sflag:s20], $0x4000  }
0x55: {  	[sflag:s20] =	ssyncset.done $0x0  }
0x56: {  	[sflag:s20] =	ssyncadd.s32 $0xFFFFC000  }
0x57: {  	_ =	sfence.sel $0x180000  }
0x58: {  	[bflag:$0x0] =	sbarrier.arrive $0xFFFF  }
0x59: {  	p0 =	sne.s32 s0, $0x0;
	_ =	strace $0x90000047  }
0x5a: {  	s0 =	sadd.s32 @!p0 $0x100000, s1;
	[bflag:$0x2] =	sbarrier.arrive $0xFFFF  }
0x5b: {  	[sflag:s0] =	ssyncadd.tile.s32 @!p0 $0x1;
	_ =	shalt  }
.Lfunc_end2:
_tile_overlayer_lowered:
.L_overlay_start_2:
0x5c: {  	(tag) =	ssettag $0x2  }
0x5d: {  	s0 =	rddreg [dreg:$0x0];
	s2 =	stileid.u32  }
0x5e: {  	s1 =	rddreg [dreg:$0x1];
	p0 =	sne.s32 s2, $0x0  }
0x5f: {  	s3 =	rddreg [dreg:$0x2];
	[bflag:$0x3] =	sbarrier.arrive $0xFFFF;
	s2 =	simm.s32 @!p0 $0x1C05  }
0x60: {  	[timem:s3], [sflag:s2] =	dma.local @!p0 [hbm:s0], s1  }
0x61: {  	s0 =	simm.s32 @!p0 $0x5  }
0x62: {  	_ =	swait.ge @!p0 [sflag:s0], s1  }
0x63: {  	s1 =	ssub.s32 @!p0 $0x0, s1;
	[sflag:s0] =	ssyncset.done @!p0 $0x0  }
0x64: {  	[sflag:s0] =	ssyncadd.s32 @!p0 s1  }
0x65: {  	[bflag:$0x3] =	sbarrier.arrive $0xFFFF  }
0x66: {  	_ =	shalt  }

// kernel: kernel.13.cloned.1.call-start
scs
__scs_entry_jumppad:
0x0: {  	(pc) =	sbr.rel $0x88, $3  }
0x1: {  	(tag) =	ssettag $0x0;
	lr =	simm.s32 $0x1  }
0x2: {  	[smem:$0x3F7D] =	sst lr;
	_ =	strace $0xD0000000  }
0x3: {  	_ = 	snop  }
0x4: {  	_ = 	snop  }
0x5: {  	_ = 	snop  }
0x6: {  	_ = 	snop  }
0x7: {  	_ = 	snop  }
__scs_overlays_trampoline_lowered:
0x8: {  	[smem:$0x3F8C] =	sst s0  }
0x9: {  	[smem:$0x3F8D] =	sst s1  }
0xa: {  	[smem:$0x3F8E] =	sst s2  }
0xb: {  	[smem:$0x3F8F] =	sst s3  }
0xc: {  	[smem:$0x3F90] =	sst s4  }
0xd: {  	[smem:$0x3F91] =	sst s5  }
0xe: {  	[smem:$0x3F92] =	sst s6  }
0xf: {  	[smem:$0x3F93] =	sst s7  }
0x10: {  	[smem:$0x3F94] =	sst s8  }
0x11: {  	[smem:$0x3F95] =	sst s9;
	s0 =	simm.s32 @!p0 $0x0  }
0x12: {  	s1 =	sld [smem:$0x3F7B];
	s0 =	simm.s32 @p0 $0x1  }
0x13: {  	[smem:$0x3F96] =	sst s0;
	s0 =	simm.s32 @!p1 $0x0  }
0x14: {  	s2 =	sld [smem:$0x3F7A];
	s0 =	simm.s32 @p1 $0x1  }
0x15: {  	[smem:$0x3F97] =	sst s0;
	s0 =	simm.s32 @!p2 $0x0  }
0x16: {  	s3 =	sld [smem:$0x3FDB];
	s0 =	simm.s32 @p2 $0x1  }
0x17: {  	s4 =	simm.s32 $0x1BF5;
	[smem:$0x3F99] =	sst s0  }
0x18: {  	s0 =	sld [smem:$0x3F7C];
	_ =	swait.ge [sflag:s4], $0x0  }
0x19: {  	s7 =	sld [smem:$0x3F7D]  }
0x1a: {  	s8 =	sadd.s32 $0xFFFFE003, lr  }
0x1b: {  	s9 =	sadd.s32 $0xFFFFFEF7, lr;
	s5 =	simm.s32 $0xFFFFFFFF;
	p2 =	slt.u32 s8, $0xFFFFF086  }
0x1c: {  	p1 =	slt.u32 s9, $0xF7A;
	s5 =	simm.s32 @!p2 $0x0  }
0x1d: {  	s5 =	simm.s32 @p1 $0x1;
	p0 =	seq.s32 s7, s2  }
0x1e: {  	s7 =	smul.u32 @!p0 $0xF7A, s2;
	p2 =	seq.s32 @!p0 s5, $0x0  }
0x1f: {  	s9 =	smul.u32 $0xF7A, s1;
	s8 =	simm.s32 @!p0 $0x1BF5;
	p2 =	por !p2, p0  }
0x20: {  	[sflag:s8] =	ssyncset.s32 @!p0 $0xFFFFF086;
	s6 =	sadd.s32 @!p0 s3, s7;
	s7 =	simm.s32 @!p0 $0x108  }
0x21: {  	s3 =	sadd.s32 s3, s9;
	s6 =	sadd.s32 @!p0 $0x88, s6;
	s7 =	simm.s32 @p2 $0x1082  }
0x22: {  	[simem:s7], [sflag:s8] =	dma.local @!p0 [hbm:s6], $0xF7A  }
0x23: {  	s9 =	sor.u32 $0xD0000000, s2;
	s6 =	simm.s32 $0x108;
	_ =	swait.ge @!p0 [sflag:s8], $0x0  }
0x24: {  	s3 =	sadd.s32 $0x88, s3;
	s6 =	simm.s32 @!p1 $0x1082;
	[sflag:s4] =	ssyncset.s32 $0xFFFFF086  }
0x25: {  	[simem:s6], [sflag:s4] =	dma.local [hbm:s3], $0xF7A  }
0x26: {  	[smem:$0x3F7D] =	sst s1;
	(tag) =	ssettag s2;
	_ =	strace s9  }
0x27: {  	s1 =	sld [smem:$0x3F8D]  }
0x28: {  	s2 =	sld [smem:$0x3F8E]  }
0x29: {  	s4 =	sld [smem:$0x3F90]  }
0x2a: {  	p0 =	seq.s32 s5, $0x0;
	s5 =	sld [smem:$0x3F91]  }
0x2b: {  	s6 =	sld [smem:$0x3F92]  }
0x2c: {  	s7 =	sld [smem:$0x3F93]  }
0x2d: {  	s3 =	simm.s32 $0x108;
	s8 =	sld [smem:$0x3F94]  }
0x2e: {  	s3 =	simm.s32 @!p0 $0x1082;
	s9 =	sld [smem:$0x3F95]  }
0x2f: {  	lr =	sadd.s32 s0, s3;
	s0 =	sld [smem:$0x3F8C]  }
0x30: {  	s3 =	sld [smem:$0x3F8F]  }
0x31: {  	[smem:$0x3F98] =	sst s10  }
0x32: {  	s10 =	sld [smem:$0x3F96];
	_ =	sdelay $0x3  }
0x33: {  	p0 =	seq.s32 s10, $0x1;
	s10 =	sld [smem:$0x3F98];
	_ =	sdelay $0x3  }
0x34: {  	[smem:$0x3F98] =	sst s10  }
0x35: {  	s10 =	sld [smem:$0x3F97];
	_ =	sdelay $0x3  }
0x36: {  	p1 =	seq.s32 s10, $0x1;
	s10 =	sld [smem:$0x3F98];
	_ =	sdelay $0x3  }
0x37: {  	[smem:$0x3F98] =	sst s10  }
0x38: {  	s10 =	sld [smem:$0x3F99]  }
0x39: {  	_ = 	snop;
	(pc) =	sbr.ind lr, $3  }
0x3a: {  	_ = 	snop  }
0x3b: {  	_ = 	snop  }
0x3c: {  	p2 =	seq.s32 s10, $0x1;
	s10 =	sld [smem:$0x3F98]  }
0x3d: {  	_ =	shalt  }
0x3e: {  	_ =	shalt  }
0x3f: {  	_ =	shalt  }
0x40: {  	_ =	shalt  }
0x41: {  	_ =	shalt  }
0x42: {  	_ =	shalt  }
0x43: {  	_ =	shalt  }
0x44: {  	_ =	shalt  }
0x45: {  	_ =	shalt  }
0x46: {  	_ =	shalt  }
0x47: {  	_ =	shalt  }
0x48: {  	_ =	shalt  }
0x49: {  	_ =	shalt  }
0x4a: {  	_ =	shalt  }
0x4b: {  	_ =	shalt  }
0x4c: {  	_ =	shalt  }
0x4d: {  	_ =	shalt  }
0x4e: {  	_ =	shalt  }
0x4f: {  	_ =	shalt  }
0x50: {  	_ =	shalt  }
0x51: {  	_ =	shalt  }
0x52: {  	_ =	shalt  }
0x53: {  	_ =	shalt  }
0x54: {  	_ =	shalt  }
0x55: {  	_ =	shalt  }
0x56: {  	_ =	shalt  }
0x57: {  	_ =	shalt  }
0x58: {  	_ =	shalt  }
0x59: {  	_ =	shalt  }
0x5a: {  	_ =	shalt  }
0x5b: {  	_ =	shalt  }
0x5c: {  	_ =	shalt  }
0x5d: {  	_ =	shalt  }
0x5e: {  	_ =	shalt  }
0x5f: {  	_ =	shalt  }
0x60: {  	_ =	shalt  }
0x61: {  	_ =	shalt  }
0x62: {  	_ =	shalt  }
0x63: {  	_ =	shalt  }
0x64: {  	_ =	shalt  }
0x65: {  	_ =	shalt  }
0x66: {  	_ =	shalt  }
0x67: {  	_ =	shalt  }
0x68: {  	_ =	shalt  }
0x69: {  	_ =	shalt  }
0x6a: {  	_ =	shalt  }
0x6b: {  	_ =	shalt  }
0x6c: {  	_ =	shalt  }
0x6d: {  	_ =	shalt  }
0x6e: {  	_ =	shalt  }
0x6f: {  	_ =	shalt  }
0x70: {  	_ =	shalt  }
0x71: {  	_ =	shalt  }
0x72: {  	_ =	shalt  }
0x73: {  	_ =	shalt  }
0x74: {  	_ =	shalt  }
0x75: {  	_ =	shalt  }
0x76: {  	_ =	shalt  }
0x77: {  	_ =	shalt  }
0x78: {  	_ =	shalt  }
0x79: {  	_ =	shalt  }
0x7a: {  	_ =	shalt  }
0x7b: {  	_ =	shalt  }
0x7c: {  	_ =	shalt  }
0x7d: {  	_ =	shalt  }
0x7e: {  	_ =	shalt  }
0x7f: {  	_ =	shalt  }
0x80: {  	_ =	shalt  }
0x81: {  	_ =	shalt  }
0x82: {  	_ =	shalt  }
0x83: {  	_ =	shalt  }
0x84: {  	_ =	shalt  }
0x85: {  	_ =	shalt  }
0x86: {  	_ =	shalt  }
0x87: {  	_ =	shalt  }
.Lfunc_end0:
.L_simem_size_0:
called_computation.1_lowered:
.L_overlay_start_0:
0x88: {  	s2 =	sld [smem:$0x3FD9]  }
0x89: {  	s3 =	sld [smem:$0x3FFE];
	_ =	sdelay $0x1  }
0x8a: {  	s1 =	srdreg.scid  }
0x8b: {  	s0 =	sand.u32 $0x1, s1  }
0x8c: {  	s16 =	sshll.u32 s0, $0xA;
	s2 =	sadd.s32 s3, s2  }
0x8d: {  	s2 =	sadd.s32 s2, s16  }
0x8e: {  	[smem:$0x3FA4] =	sst s2  }
0x8f: {  	_ = 	snop  }
0x90: {  	(tm) =	ssettm $0x1  }
0x91: {  	s17 =	sld [smem:$0x3FFB];
	_ =	sdelay $0x3  }
0x92: {  	_ =	strace s17  }
0x93: {  	s2 =	sld [smem:$0x3FFC];
	_ =	sdelay $0x3  }
0x94: {  	_ =	strace s2  }
0x95: {  	s2 =	sld [smem:$0x3FFD];
	_ =	sdelay $0x3  }
0x96: {  	_ =	strace s2  }
0x97: {  	_ =	strace $0x8FFFFFFF  }
0x98: {  	s18 =	sld [smem:$0x3FDB];
	_ =	sdelay $0x1  }
0x99: {  	s19 =	simm.s32 $_scs_section_size  }
0x9a: {  	s4 =	simm.s32 $_size__tile_overlayer_lowered;
	s5 =	simm.s32 $_tile_overlayer_lowered  }
0x9b: {  	s22 =	simm.s32 $0x1BFF;
	s21 =	sshll.u32 s5, $0x1;
	s2 =	sadd.s32 s19, s18  }
0x9c: {  	s6 =	simm.s32 $0x0;
	s20 =	sshll.u32 s4, $0x1;
	s4 =	sadd.s32 s21, s2  }
0x9d: {  	[timem:s6], [sflag:s22] =	dma.local [hbm:s4], s20  }
0x9e: {  	_ =	swait.ge [sflag:s22], s20  }
0x9f: {  	s3 =	ssub.s32 $0x0, s20;
	[sflag:s22] =	ssyncset.done $0x0  }
0xa0: {  	[sflag:s22] =	ssyncadd.s32 s3;
	_ =	sdelay $0x1  }
0xa1: {  	s23 =	simm.s32 $0x1B8B  }
0xa2: {  	_ =	swait.ge [sflag:s23], $0x1  }
0xa3: {  	[sflag:s23] =	ssyncset.done $0x0  }
0xa4: {  	s25 =	simm.s32 $0x1B8E;
	s24 =	sld [smem:$0x3FFE];
	[sflag:s23] =	ssyncadd.s32 $0xFFFFFFFF  }
0xa5: {  	s26 =	simm.s32 $execute0_lowered;
	[smem:$0x3FD2] =	sst s25  }
0xa6: {  	s4 =	sshll.u32 s26, $0x1;
	_ =	strace $0x80000049;
	[dreg:$0x1] =	wrdreg $0xFFFFFFFF  }
0xa7: {  	s28 =	simm.s32 $_size_execute0_lowered;
	s2 =	sadd.s32 s2, s4;
	[dreg:$0x0] =	wrdreg $0x0  }
0xa8: {  	s4 =	sshll.u32 s28, $0x1;
	[dreg:$0x2] =	wrdreg s2  }
0xa9: {  	[dreg:$0x3] =	wrdreg s4  }
0xaa: {  	[dreg:$0x4] =	wrdreg $0xC0  }
0xab: {  	_ =	task [dreg:s6], $0x5FFFF  }
0xac: {  	[dreg:$0x1] =	wrdreg $0xFFFFFFFF  }
0xad: {  	[dreg:$0x0] =	wrdreg $0x60  }
0xae: {  	[dreg:$0x2] =	wrdreg s24  }
0xaf: {  	[dreg:$0x3] =	wrdreg $0x94000  }
0xb0: {  	[dreg:$0x4] =	wrdreg $0x9  }
0xb1: {  	_ =	task.clear_ibuf [dreg:s6], $0x5FFFF;
	_ =	strace $0x90000049  }
0xb2: {  	s29 =	simm.s32 $0x9;
	_ =	strace $0x8000004B  }
0xb3: {  	_ =	swait.ge [sflag:s29], $0x1  }
0xb4: {  	[sflag:s29] =	ssyncadd.s32 $0xFFFFFFFF  }
0xb5: {  	_ =	strace $0x9000004B  }
0xb6: {  	_ =	sfence  }
0xb7: {  	s30 =	sld [smem:$0x0];
	_ =	sdelay $0x2  }
0xb8: {  	s31 =	sshll.u32 s1, $0xD;
	s1 =	sshrl.u32 s1, $0x2  }
0xb9: {  	s3 =	sand.u32 $0x4000, s31;
	s1 =	sadd.s32 s1, s30  }
0xba: {  	s0 =	sor.u32 s3, s0;
	s1 =	sshll.u32 s1, $0x11  }
0xbb: {  	s0 =	sor.u32 s1, s0  }
0xbc: {  	s0 =	sadd.s32 $0x8F2B, s0  }
0xbd: {  	[sflag:s0] =	ssyncadd.remote.s32 $0x1  }
0xbe: {  	_ =	sfence.sel $0xFFFF  }
0xbf: {  	[dreg:$0x0] =	wrdreg $0xFFFFFFFF;
	(pc) =	sbr.abs _section_cstart, $3  }
0xc0: {  	[dreg:$0x1] =	wrdreg $0xFFFFFFFF  }
0xc1: {  	_ =	task.clear_ibuf [dreg:s6], $0x2FFFF;
	_ =	strace $0x9FFFFFFF  }
0xc2: {  	(tm) =	ssettm $0x7FFFFFFF  }
0xc3: {  	_ =	shalt  }
tec
execute0_lowered:
.L_overlay_start_1:
0x0: {  	(tag) =	ssettag $0x1  }
0x1: {  	s0 =	srdreg.scid;
	s5 =	rddreg [dreg:$0x0]  }
0x2: {  	s2 =	rddreg [dreg:$0x1];
	s3 =	simm.s32 $0x0;
	s15 =	simm.s32 $0x1400  }
0x3: {  	s16 =	simm.s32 $0x5400;
	s4 =	sand.u32 $0x1, s0;
	s0 =	stileid.u32  }
0x4: {  	s17 =	simm.s32 $0x1;
	s18 =	simm.s32 $0x80;
	s8 =	smul.u32 $0x14000, s0  }
0x5: {  	s19 =	simm.s32 $0x2;
	s20 =	simm.s32 $0x1300;
	s9 =	smul.u32 $0x140000, s4  }
0x6: {  	s21 =	simm.s32 $0x1380;
	s22 =	simm.s32 $0x0;
	s24 =	smul.u32 $0x50000, s0  }
0x7: {  	[smem:$0x7FF] =	sst s3;
	s10 =	sadd.s32 $0x784000, s5;
	s13 =	smul.u32 $0x280, s4  }
0x8: {  	s1 =	sshll.u32 s4, $0x4;
	s12 =	ssub.s32 $0x2, s4;
	s26 =	smul.u32 $0x28, s0  }
0x9: {  	s31 =	sshll.u32 s0, $0x6;
	s6 =	sor.u32 s0, s1;
	s1 =	rddreg [dreg:$0x2]  }
0xa: {  	_ =	strace $0x8000004A;
	s25 =	sshrl.u32 s12, $0x1;
	s7 =	smul.u32 $0x280, s6  }
0xb: {  	s11 =	sshrl.u32 s8, $0x3;
	s8 =	sadd.s32 s8, s9;
	s12 =	ssub.s32 s12, s25  }
0xc: {  	s9 =	sshrl.u32 s24, $0x2;
	s6 =	smul.u32 $0x14000, s6;
	s28 =	sadd.s32 s26, s13  }
0xd: {  	s13 =	sor.u32 $0x1C03, s31;
	s11 =	sadd.s32 s11, s5;
	s8 =	sshrl.u32 s8, $0x3  }
0xe: {  	s14 =	sadd.s32 s9, s2;
	s29 =	sshll.u32 s28, $0xB;
	s7 =	sadd.s32 s7, s5  }
0xf: {  	s8 =	sadd.s32 s8, s5;
	s5 =	sadd.s32 $0x13000, s11;
	s6 =	sadd.s32 s10, s6  }
0x10: {  	s30 =	sadd.s32 s29, s10;
	s14 =	sshrl.u32 s14, $0x3;
	s4 =	sadd.s32 $0x293000, s7  }
0x11: {  	s7 =	sadd.s32 $0x3B000, s8;
	s8 =	smax.u32 s12, $0x1;
	s9 =	sadd.s32 $0x13800, s6  }
0x12: {  	s10 =	sadd.s32 $0x1000, s30;
	s11 =	sadd.s32 $0x800, s30;
	s12 =	simm.s32 $0x3  }
.LBB2_1:
0x13: {  	[tilespmem:s3], [sflag:$0x3] =	stream.linear.gather [hbm4b:s4+s3], $0x1400, $0x38;
	[tilespmem:$0x1D400] =	vst v63  }
0x14: {  	_ =	swait.ge [sflag:s12], $0x1400  }
0x15: {  	[sflag:s12] =	ssyncset.done $0x0  }
0x16: {  	[sflag:s12] =	ssyncadd.s32 $0xFFFFEC00  }
0x17: {  	[spmem:s14], [sflag:s13] =	dma.local [hbm:s5], $0x2800  }
0x18: {  	_ =	swait.ge [sflag:s12], $0x2800  }
0x19: {  	[sflag:s12] =	ssyncset.done $0x0  }
0x1a: {  	[sflag:s12] =	ssyncadd.s32 $0xFFFFD800  }
0x1b: {  	[bflag:$0x0] =	sbarrier.arrive $0xFFFF  }
0x1c: {  	[tilespmem:s15], [sflag:$0x1] =	stream.linear.gather [hbm4b:s6+s3], $0x4000, $0x38;
	[tilespmem:$0x1D400] =	vst v63  }
0x1d: {  	s23 =	sadd.s32 $0x0, s11  }
0x1e: {  	[tilespmem:s16], [sflag:$0x2] =	stream.linear.gather [hbm4b:s23+s3], $0x4000, $0x38;
	[tilespmem:$0x1D400] =	vst v63  }
0x1f: {  	_ =	swait.ge [sflag:s17], $0x4000  }
0x20: {  	[sflag:s17] =	ssyncset.done $0x0  }
0x21: {  	[sflag:s17] =	ssyncadd.s32 $0xFFFFC000  }
0x22: {  	[spmem:s2] =	stream.indirect.scatter.add.f32 [tilespmem:s15], [sflag:$0x3], $0x80, s3, s18, $0xb8;
	[tilespmem:$0x1D400] =	vst v63  }
0x23: {  	_ =	swait.ge [sflag:s12], $0x4000  }
0x24: {  	[sflag:s12] =	ssyncset.done $0x0  }
0x25: {  	s30 =	sadd.s32 $0x0, s10;
	[sflag:s12] =	ssyncadd.s32 $0xFFFFC000  }
0x26: {  	[tilespmem:s15], [sflag:$0x1] =	stream.linear.gather [hbm4b:s30+s3], $0x4000, $0x38;
	[tilespmem:$0x1D400] =	vst v63  }
0x27: {  	_ =	swait.ge [sflag:s19], $0x4000  }
0x28: {  	[sflag:s19] =	ssyncset.done $0x0  }
0x29: {  	s31 =	simm.s32 $0x80;
	[sflag:s19] =	ssyncadd.s32 $0xFFFFC000  }
0x2a: {  	[spmem:s2] =	stream.indirect.scatter.add.f32 [tilespmem:s16], [sflag:$0x3], $0x80, s31, s18, $0xb8;
	[tilespmem:$0x1D400] =	vst v63  }
0x2b: {  	s24 =	simm.s32 $0x1000;
	_ =	swait.ge [sflag:s12], $0x4000  }
0x2c: {  	s25 =	simm.s32 $0x2000;
	s23 =	simm.s32 $0x100;
	[sflag:s12] =	ssyncset.done $0x0  }
.LBB2_2:
0x2d: {  	s26 =	sadd.s32 s24, s11  }
0x2e: {  	[sflag:s12] =	ssyncadd.s32 $0xFFFFC000;
	s28 =	smov.u32 s25;
	s29 =	sadd.s32 $0x1000, s25  }
0x2f: {  	[tilespmem:s16], [sflag:$0x2] =	stream.linear.gather [hbm4b:s26+s3], $0x4000, $0x38;
	[tilespmem:$0x1D400] =	vst v63  }
0x30: {  	p0 =	sne.s32 s25, $0x12000;
	_ =	swait.ge [sflag:s17], $0x4000  }
0x31: {  	[sflag:s17] =	ssyncset.done $0x0  }
0x32: {  	[sflag:s17] =	ssyncadd.s32 $0xFFFFC000  }
0x33: {  	[spmem:s2] =	stream.indirect.scatter.add.f32 [tilespmem:s15], [sflag:$0x3], $0x80, s23, s18, $0xb8;
	[tilespmem:$0x1D400] =	vst v63  }
0x34: {  	_ =	swait.ge [sflag:s12], $0x4000  }
0x35: {  	[sflag:s12] =	ssyncset.done $0x0  }
0x36: {  	s25 =	sadd.s32 s24, s10;
	s24 =	smov.u32 s28;
	[sflag:s12] =	ssyncadd.s32 $0xFFFFC000  }
0x37: {  	[tilespmem:s15], [sflag:$0x1] =	stream.linear.gather [hbm4b:s25+s3], $0x4000, $0x38;
	[tilespmem:$0x1D400] =	vst v63  }
0x38: {  	_ =	swait.ge [sflag:s19], $0x4000  }
.Ltmp0:
0x39: {  	[sflag:s19] =	ssyncset.done $0x0;
	(pc) =	sbr.rel @p0 .LBB2_2-.Ltmp0, $4  }
0x3a: {  	s25 =	sadd.s32 $0x80, s23;
	[sflag:s19] =	ssyncadd.s32 $0xFFFFC000  }
0x3b: {  	[spmem:s2] =	stream.indirect.scatter.add.f32 [tilespmem:s16], [sflag:$0x3], $0x80, s25, s18, $0xb8;
	[tilespmem:$0x1D400] =	vst v63  }
0x3c: {  	_ =	swait.ge [sflag:s12], $0x4000  }
0x3d: {  	s23 =	sadd.s32 $0x100, s23;
	s25 =	smov.u32 s29;
	[sflag:s12] =	ssyncset.done $0x0  }
0x3e: {  	s25 =	sadd.s32 s24, s11;
	[sflag:s12] =	ssyncadd.s32 $0xFFFFC000  }
0x3f: {  	[tilespmem:s16], [sflag:$0x2] =	stream.linear.gather [hbm4b:s25+s3], $0x4000, $0x38;
	[tilespmem:$0x1D400] =	vst v63  }
0x40: {  	_ =	swait.ge [sflag:s17], $0x4000  }
0x41: {  	[sflag:s17] =	ssyncset.done $0x0  }
0x42: {  	[sflag:s17] =	ssyncadd.s32 $0xFFFFC000  }
0x43: {  	[spmem:s2] =	stream.indirect.scatter.add.f32 [tilespmem:s15], [sflag:$0x3], $0x80, s23, s18, $0xb8;
	[tilespmem:$0x1D400] =	vst v63  }
0x44: {  	_ =	swait.ge [sflag:s12], $0x4000  }
0x45: {  	[sflag:s12] =	ssyncset.done $0x0  }
0x46: {  	s30 =	sadd.s32 s24, s10;
	[sflag:s12] =	ssyncadd.s32 $0xFFFFC000  }
0x47: {  	[tilespmem:s15], [sflag:$0x1] =	stream.linear.gather [hbm4b:s30+s3], $0x4000, $0x38;
	[tilespmem:$0x1D400] =	vst v63  }
0x48: {  	_ =	swait.ge [sflag:s19], $0x4000  }
0x49: {  	[sflag:s19] =	ssyncset.done $0x0  }
0x4a: {  	s31 =	sadd.s32 $0x80, s23;
	[sflag:s19] =	ssyncadd.s32 $0xFFFFC000  }
0x4b: {  	[spmem:s2] =	stream.indirect.scatter.add.f32 [tilespmem:s16], [sflag:$0x3], $0x80, s31, s18, $0xb8;
	[tilespmem:$0x1D400] =	vst v63  }
0x4c: {  	_ =	swait.ge [sflag:s12], $0x4000  }
0x4d: {  	[sflag:s12] =	ssyncset.done $0x0  }
0x4e: {  	[sflag:s12] =	ssyncadd.s32 $0xFFFFC000  }
0x4f: {  	[tilespmem:s16], [sflag:$0x2] =	stream.linear.gather [hbm4b:s9+s3], $0x4000, $0x38;
	[tilespmem:$0x1D400] =	vst v63  }
0x50: {  	_ =	swait.ge [sflag:s17], $0x4000  }
0x51: {  	[sflag:s17] =	ssyncset.done $0x0  }
0x52: {  	[sflag:s17] =	ssyncadd.s32 $0xFFFFC000  }
0x53: {  	[spmem:s2] =	stream.indirect.scatter.add.f32 [tilespmem:s15], [sflag:$0x3], $0x80, s20, s18, $0xb8;
	[tilespmem:$0x1D400] =	vst v63  }
0x54: {  	_ =	swait.ge [sflag:s12], $0x4000  }
0x55: {  	[sflag:s12] =	ssyncset.done $0x0  }
0x56: {  	[sflag:s12] =	ssyncadd.s32 $0xFFFFC000  }
0x57: {  	_ =	swait.ge [sflag:s19], $0x4000  }
0x58: {  	[sflag:s19] =	ssyncset.done $0x0  }
0x59: {  	[sflag:s19] =	ssyncadd.s32 $0xFFFFC000  }
0x5a: {  	[spmem:s2] =	stream.indirect.scatter.add.f32 [tilespmem:s16], [sflag:$0x3], $0x80, s21, s18, $0xb8;
	[tilespmem:$0x1D400] =	vst v63  }
0x5b: {  	_ =	swait.ge [sflag:s12], $0x4000  }
0x5c: {  	s22 =	sadd.s32 $0x1, s22;
	[sflag:s12] =	ssyncset.done $0x0  }
0x5d: {  	p0 =	sne.s32 s22, s8;
	[sflag:s12] =	ssyncadd.s32 $0xFFFFC000  }
.Ltmp1:
0x5e: {  	[bflag:$0x0] =	sbarrier.arrive $0xFFFF;
	(pc) =	sbr.rel @p0 .LBB2_1-.Ltmp1, $4  }
0x5f: {  	[hbm:s7], [sflag:s13] =	dma.local [spmem:s14], $0x2800  }
0x60: {  	_ =	swait.ge [sflag:s12], $0x2800  }
0x61: {  	[sflag:s12] =	ssyncset.done $0x0  }
0x62: {  	[sflag:s12] =	ssyncadd.s32 $0xFFFFD800  }
0x63: {  	_ =	sfence.sel $0x180000  }
0x64: {  	[bflag:$0x0] =	sbarrier.arrive $0xFFFF  }
0x65: {  	p0 =	sne.s32 s0, $0x0;
	_ =	strace $0x9000004A  }
0x66: {  	s0 =	sadd.s32 @!p0 $0x100000, s1;
	[bflag:$0x2] =	sbarrier.arrive $0xFFFF  }
0x67: {  	[sflag:s0] =	ssyncadd.tile.s32 @!p0 $0x1;
	_ =	shalt  }
.Lfunc_end2:
_tile_overlayer_lowered:
.L_overlay_start_2:
0x68: {  	(tag) =	ssettag $0x2  }
0x69: {  	s0 =	rddreg [dreg:$0x0];
	s2 =	stileid.u32  }
0x6a: {  	s1 =	rddreg [dreg:$0x1];
	p0 =	sne.s32 s2, $0x0  }
0x6b: {  	s3 =	rddreg [dreg:$0x2];
	[bflag:$0x3] =	sbarrier.arrive $0xFFFF;
	s2 =	simm.s32 @!p0 $0x1C03  }
0x6c: {  	[timem:s3], [sflag:s2] =	dma.local @!p0 [hbm:s0], s1  }
0x6d: {  	s0 =	simm.s32 @!p0 $0x3  }
0x6e: {  	_ =	swait.ge @!p0 [sflag:s0], s1  }
0x6f: {  	s1 =	ssub.s32 @!p0 $0x0, s1;
	[sflag:s0] =	ssyncset.done @!p0 $0x0  }
0x70: {  	[sflag:s0] =	ssyncadd.s32 @!p0 s1  }
0x71: {  	[bflag:$0x3] =	sbarrier.arrive $0xFFFF  }
0x72: {  	_ =	shalt  }

// kernel: kernel.16.cloned.1.call-start
scs
__scs_entry_jumppad:
0x0: {  	(pc) =	sbr.rel $0x88, $3  }
0x1: {  	(tag) =	ssettag $0x0;
	lr =	simm.s32 $0x1  }
0x2: {  	[smem:$0x3F7D] =	sst lr;
	_ =	strace $0xD0000000  }
0x3: {  	_ = 	snop  }
0x4: {  	_ = 	snop  }
0x5: {  	_ = 	snop  }
0x6: {  	_ = 	snop  }
0x7: {  	_ = 	snop  }
__scs_overlays_trampoline_lowered:
0x8: {  	[smem:$0x3F8C] =	sst s0  }
0x9: {  	[smem:$0x3F8D] =	sst s1  }
0xa: {  	[smem:$0x3F8E] =	sst s2  }
0xb: {  	[smem:$0x3F8F] =	sst s3  }
0xc: {  	[smem:$0x3F90] =	sst s4  }
0xd: {  	[smem:$0x3F91] =	sst s5  }
0xe: {  	[smem:$0x3F92] =	sst s6  }
0xf: {  	[smem:$0x3F93] =	sst s7  }
0x10: {  	[smem:$0x3F94] =	sst s8  }
0x11: {  	[smem:$0x3F95] =	sst s9;
	s0 =	simm.s32 @!p0 $0x0  }
0x12: {  	s1 =	sld [smem:$0x3F7B];
	s0 =	simm.s32 @p0 $0x1  }
0x13: {  	[smem:$0x3F96] =	sst s0;
	s0 =	simm.s32 @!p1 $0x0  }
0x14: {  	s2 =	sld [smem:$0x3F7A];
	s0 =	simm.s32 @p1 $0x1  }
0x15: {  	[smem:$0x3F97] =	sst s0;
	s0 =	simm.s32 @!p2 $0x0  }
0x16: {  	s3 =	sld [smem:$0x3FDB];
	s0 =	simm.s32 @p2 $0x1  }
0x17: {  	s4 =	simm.s32 $0x1BF5;
	[smem:$0x3F99] =	sst s0  }
0x18: {  	s0 =	sld [smem:$0x3F7C];
	_ =	swait.ge [sflag:s4], $0x0  }
0x19: {  	s7 =	sld [smem:$0x3F7D]  }
0x1a: {  	s8 =	sadd.s32 $0xFFFFE003, lr  }
0x1b: {  	s9 =	sadd.s32 $0xFFFFFEF7, lr;
	s5 =	simm.s32 $0xFFFFFFFF;
	p2 =	slt.u32 s8, $0xFFFFF086  }
0x1c: {  	p1 =	slt.u32 s9, $0xF7A;
	s5 =	simm.s32 @!p2 $0x0  }
0x1d: {  	s5 =	simm.s32 @p1 $0x1;
	p0 =	seq.s32 s7, s2  }
0x1e: {  	s7 =	smul.u32 @!p0 $0xF7A, s2;
	p2 =	seq.s32 @!p0 s5, $0x0  }
0x1f: {  	s9 =	smul.u32 $0xF7A, s1;
	s8 =	simm.s32 @!p0 $0x1BF5;
	p2 =	por !p2, p0  }
0x20: {  	[sflag:s8] =	ssyncset.s32 @!p0 $0xFFFFF086;
	s6 =	sadd.s32 @!p0 s3, s7;
	s7 =	simm.s32 @!p0 $0x108  }
0x21: {  	s3 =	sadd.s32 s3, s9;
	s6 =	sadd.s32 @!p0 $0x88, s6;
	s7 =	simm.s32 @p2 $0x1082  }
0x22: {  	[simem:s7], [sflag:s8] =	dma.local @!p0 [hbm:s6], $0xF7A  }
0x23: {  	s9 =	sor.u32 $0xD0000000, s2;
	s6 =	simm.s32 $0x108;
	_ =	swait.ge @!p0 [sflag:s8], $0x0  }
0x24: {  	s3 =	sadd.s32 $0x88, s3;
	s6 =	simm.s32 @!p1 $0x1082;
	[sflag:s4] =	ssyncset.s32 $0xFFFFF086  }
0x25: {  	[simem:s6], [sflag:s4] =	dma.local [hbm:s3], $0xF7A  }
0x26: {  	[smem:$0x3F7D] =	sst s1;
	(tag) =	ssettag s2;
	_ =	strace s9  }
0x27: {  	s1 =	sld [smem:$0x3F8D]  }
0x28: {  	s2 =	sld [smem:$0x3F8E]  }
0x29: {  	s4 =	sld [smem:$0x3F90]  }
0x2a: {  	p0 =	seq.s32 s5, $0x0;
	s5 =	sld [smem:$0x3F91]  }
0x2b: {  	s6 =	sld [smem:$0x3F92]  }
0x2c: {  	s7 =	sld [smem:$0x3F93]  }
0x2d: {  	s3 =	simm.s32 $0x108;
	s8 =	sld [smem:$0x3F94]  }
0x2e: {  	s3 =	simm.s32 @!p0 $0x1082;
	s9 =	sld [smem:$0x3F95]  }
0x2f: {  	lr =	sadd.s32 s0, s3;
	s0 =	sld [smem:$0x3F8C]  }
0x30: {  	s3 =	sld [smem:$0x3F8F]  }
0x31: {  	[smem:$0x3F98] =	sst s10  }
0x32: {  	s10 =	sld [smem:$0x3F96];
	_ =	sdelay $0x3  }
0x33: {  	p0 =	seq.s32 s10, $0x1;
	s10 =	sld [smem:$0x3F98];
	_ =	sdelay $0x3  }
0x34: {  	[smem:$0x3F98] =	sst s10  }
0x35: {  	s10 =	sld [smem:$0x3F97];
	_ =	sdelay $0x3  }
0x36: {  	p1 =	seq.s32 s10, $0x1;
	s10 =	sld [smem:$0x3F98];
	_ =	sdelay $0x3  }
0x37: {  	[smem:$0x3F98] =	sst s10  }
0x38: {  	s10 =	sld [smem:$0x3F99]  }
0x39: {  	_ = 	snop;
	(pc) =	sbr.ind lr, $3  }
0x3a: {  	_ = 	snop  }
0x3b: {  	_ = 	snop  }
0x3c: {  	p2 =	seq.s32 s10, $0x1;
	s10 =	sld [smem:$0x3F98]  }
0x3d: {  	_ =	shalt  }
0x3e: {  	_ =	shalt  }
0x3f: {  	_ =	shalt  }
0x40: {  	_ =	shalt  }
0x41: {  	_ =	shalt  }
0x42: {  	_ =	shalt  }
0x43: {  	_ =	shalt  }
0x44: {  	_ =	shalt  }
0x45: {  	_ =	shalt  }
0x46: {  	_ =	shalt  }
0x47: {  	_ =	shalt  }
0x48: {  	_ =	shalt  }
0x49: {  	_ =	shalt  }
0x4a: {  	_ =	shalt  }
0x4b: {  	_ =	shalt  }
0x4c: {  	_ =	shalt  }
0x4d: {  	_ =	shalt  }
0x4e: {  	_ =	shalt  }
0x4f: {  	_ =	shalt  }
0x50: {  	_ =	shalt  }
0x51: {  	_ =	shalt  }
0x52: {  	_ =	shalt  }
0x53: {  	_ =	shalt  }
0x54: {  	_ =	shalt  }
0x55: {  	_ =	shalt  }
0x56: {  	_ =	shalt  }
0x57: {  	_ =	shalt  }
0x58: {  	_ =	shalt  }
0x59: {  	_ =	shalt  }
0x5a: {  	_ =	shalt  }
0x5b: {  	_ =	shalt  }
0x5c: {  	_ =	shalt  }
0x5d: {  	_ =	shalt  }
0x5e: {  	_ =	shalt  }
0x5f: {  	_ =	shalt  }
0x60: {  	_ =	shalt  }
0x61: {  	_ =	shalt  }
0x62: {  	_ =	shalt  }
0x63: {  	_ =	shalt  }
0x64: {  	_ =	shalt  }
0x65: {  	_ =	shalt  }
0x66: {  	_ =	shalt  }
0x67: {  	_ =	shalt  }
0x68: {  	_ =	shalt  }
0x69: {  	_ =	shalt  }
0x6a: {  	_ =	shalt  }
0x6b: {  	_ =	shalt  }
0x6c: {  	_ =	shalt  }
0x6d: {  	_ =	shalt  }
0x6e: {  	_ =	shalt  }
0x6f: {  	_ =	shalt  }
0x70: {  	_ =	shalt  }
0x71: {  	_ =	shalt  }
0x72: {  	_ =	shalt  }
0x73: {  	_ =	shalt  }
0x74: {  	_ =	shalt  }
0x75: {  	_ =	shalt  }
0x76: {  	_ =	shalt  }
0x77: {  	_ =	shalt  }
0x78: {  	_ =	shalt  }
0x79: {  	_ =	shalt  }
0x7a: {  	_ =	shalt  }
0x7b: {  	_ =	shalt  }
0x7c: {  	_ =	shalt  }
0x7d: {  	_ =	shalt  }
0x7e: {  	_ =	shalt  }
0x7f: {  	_ =	shalt  }
0x80: {  	_ =	shalt  }
0x81: {  	_ =	shalt  }
0x82: {  	_ =	shalt  }
0x83: {  	_ =	shalt  }
0x84: {  	_ =	shalt  }
0x85: {  	_ =	shalt  }
0x86: {  	_ =	shalt  }
0x87: {  	_ =	shalt  }
.Lfunc_end0:
.L_simem_size_0:
called_computation.2_lowered:
.L_overlay_start_0:
0x88: {  	s2 =	sld [smem:$0x3FD9]  }
0x89: {  	s3 =	sld [smem:$0x3FFE];
	_ =	sdelay $0x1  }
0x8a: {  	s1 =	srdreg.scid  }
0x8b: {  	s0 =	sand.u32 $0x1, s1  }
0x8c: {  	s16 =	sshll.u32 s0, $0xA;
	s2 =	sadd.s32 s3, s2  }
0x8d: {  	s2 =	sadd.s32 s2, s16  }
0x8e: {  	[smem:$0x3FA4] =	sst s2  }
0x8f: {  	_ = 	snop  }
0x90: {  	(tm) =	ssettm $0x1  }
0x91: {  	s17 =	sld [smem:$0x3FFB];
	_ =	sdelay $0x3  }
0x92: {  	_ =	strace s17  }
0x93: {  	s2 =	sld [smem:$0x3FFC];
	_ =	sdelay $0x3  }
0x94: {  	_ =	strace s2  }
0x95: {  	s2 =	sld [smem:$0x3FFD];
	_ =	sdelay $0x3  }
0x96: {  	_ =	strace s2  }
0x97: {  	_ =	strace $0x8FFFFFFF  }
0x98: {  	s18 =	sld [smem:$0x3FDB];
	_ =	sdelay $0x1  }
0x99: {  	s19 =	simm.s32 $_scs_section_size  }
0x9a: {  	s4 =	simm.s32 $_size__tile_overlayer_lowered;
	s5 =	simm.s32 $_tile_overlayer_lowered  }
0x9b: {  	s22 =	simm.s32 $0x1BFF;
	s21 =	sshll.u32 s5, $0x1;
	s2 =	sadd.s32 s19, s18  }
0x9c: {  	s6 =	simm.s32 $0x0;
	s20 =	sshll.u32 s4, $0x1;
	s4 =	sadd.s32 s21, s2  }
0x9d: {  	[timem:s6], [sflag:s22] =	dma.local [hbm:s4], s20  }
0x9e: {  	_ =	swait.ge [sflag:s22], s20  }
0x9f: {  	s3 =	ssub.s32 $0x0, s20;
	[sflag:s22] =	ssyncset.done $0x0  }
0xa0: {  	[sflag:s22] =	ssyncadd.s32 s3;
	_ =	sdelay $0x1  }
0xa1: {  	s23 =	simm.s32 $0x1B8B  }
0xa2: {  	_ =	swait.ge [sflag:s23], $0x1  }
0xa3: {  	[sflag:s23] =	ssyncset.done $0x0  }
0xa4: {  	s25 =	simm.s32 $0x1B8E;
	s24 =	sld [smem:$0x3FFE];
	[sflag:s23] =	ssyncadd.s32 $0xFFFFFFFF  }
0xa5: {  	s26 =	simm.s32 $execute0_lowered;
	[smem:$0x3FD2] =	sst s25  }
0xa6: {  	s4 =	sshll.u32 s26, $0x1;
	_ =	strace $0x8000004C;
	[dreg:$0x1] =	wrdreg $0xFFFFFFFF  }
0xa7: {  	s28 =	simm.s32 $_size_execute0_lowered;
	s2 =	sadd.s32 s2, s4;
	[dreg:$0x0] =	wrdreg $0x0  }
0xa8: {  	s4 =	sshll.u32 s28, $0x1;
	[dreg:$0x2] =	wrdreg s2  }
0xa9: {  	[dreg:$0x3] =	wrdreg s4  }
0xaa: {  	[dreg:$0x4] =	wrdreg $0xC0  }
0xab: {  	_ =	task [dreg:s6], $0x5FFFF  }
0xac: {  	[dreg:$0x1] =	wrdreg $0xFFFFFFFF  }
0xad: {  	[dreg:$0x0] =	wrdreg $0x60  }
0xae: {  	[dreg:$0x2] =	wrdreg s24  }
0xaf: {  	[dreg:$0x3] =	wrdreg $0x82000  }
0xb0: {  	[dreg:$0x4] =	wrdreg $0x9  }
0xb1: {  	_ =	task.clear_ibuf [dreg:s6], $0x5FFFF;
	_ =	strace $0x9000004C  }
0xb2: {  	s29 =	simm.s32 $0x9;
	_ =	strace $0x8000004E  }
0xb3: {  	_ =	swait.ge [sflag:s29], $0x1  }
0xb4: {  	[sflag:s29] =	ssyncadd.s32 $0xFFFFFFFF  }
0xb5: {  	_ =	strace $0x9000004E  }
0xb6: {  	_ =	sfence  }
0xb7: {  	s30 =	sld [smem:$0x0];
	_ =	sdelay $0x2  }
0xb8: {  	s31 =	sshll.u32 s1, $0xD;
	s1 =	sshrl.u32 s1, $0x2  }
0xb9: {  	s3 =	sand.u32 $0x4000, s31;
	s1 =	sadd.s32 s1, s30  }
0xba: {  	s0 =	sor.u32 s3, s0;
	s1 =	sshll.u32 s1, $0x11  }
0xbb: {  	s0 =	sor.u32 s1, s0  }
0xbc: {  	s0 =	sadd.s32 $0x8F2B, s0  }
0xbd: {  	[sflag:s0] =	ssyncadd.remote.s32 $0x1  }
0xbe: {  	_ =	sfence.sel $0xFFFF  }
0xbf: {  	[dreg:$0x0] =	wrdreg $0xFFFFFFFF;
	(pc) =	sbr.abs _section_cstart, $3  }
0xc0: {  	[dreg:$0x1] =	wrdreg $0xFFFFFFFF  }
0xc1: {  	_ =	task.clear_ibuf [dreg:s6], $0x2FFFF;
	_ =	strace $0x9FFFFFFF  }
0xc2: {  	(tm) =	ssettm $0x7FFFFFFF  }
0xc3: {  	_ =	shalt  }
tec
execute0_lowered:
.L_overlay_start_1:
0x0: {  	(tag) =	ssettag $0x1  }
0x1: {  	s0 =	rddreg [dreg:$0x0]  }
0x2: {  	s2 =	rddreg [dreg:$0x1];
	s3 =	simm.s32 $0x0;
	s1 =	stileid.u32  }
0x3: {  	s4 =	srdreg.scid;
	s15 =	simm.s32 $0x3;
	s16 =	simm.s32 $0x40  }
0x4: {  	s17 =	simm.s32 $0x200;
	s18 =	simm.s32 $0x80;
	s19 =	simm.s32 $0x2200  }
0x5: {  	s20 =	simm.s32 $0x100;
	s21 =	simm.s32 $0x4200;
	s22 =	simm.s32 $0x180  }
0x6: {  	s23 =	simm.s32 $0x6200;
	s24 =	simm.s32 $0x1;
	[smem:$0x7FF] =	sst s3  }
0x7: {  	s7 =	smul.u32 $0x14000, s1;
	s8 =	sand.u32 $0x1, s4;
	s4 =	sadd.s32 $0x3B000, s0  }
0x8: {  	s5 =	sadd.s32 $0x62200, s0;
	s6 =	sadd.s32 $0x8B000, s0;
	s25 =	smul.u32 $0x50000, s1  }
0x9: {  	s30 =	sshll.u32 s1, $0x6;
	_ =	strace $0x8000004D;
	s9 =	smul.u32 $0x140000, s8  }
0xa: {  	s11 =	sshll.u32 s8, $0x4;
	s26 =	ssub.s32 $0x2, s8;
	s8 =	sor.u32 $0x1C03, s30  }
0xb: {  	s10 =	sshrl.u32 s7, $0x3;
	s28 =	sor.u32 s1, s11;
	s29 =	sshrl.u32 s26, $0x1  }
0xc: {  	s10 =	sadd.s32 s10, s0;
	s7 =	sadd.s32 s7, s9;
	s9 =	sshrl.u32 s25, $0x2  }
0xd: {  	s12 =	smul.u32 $0x5000, s28;
	s13 =	ssub.s32 s26, s29;
	s25 =	simm.s32 $0x2  }
0xe: {  	s26 =	simm.s32 $0x0;
	s7 =	sshrl.u32 s7, $0x3;
	s14 =	sadd.s32 s9, s2  }
0xf: {  	s13 =	smax.u32 s13, $0x1;
	s0 =	sadd.s32 s7, s0;
	s7 =	sadd.s32 $0x13000, s10  }
0x10: {  	s31 =	sshrl.u32 s12, $0x3;
	s10 =	sor.u32 $0x100, s12;
	s11 =	sor.u32 $0x200, s12  }
0x11: {  	s14 =	sshrl.u32 s14, $0x3;
	s9 =	sadd.s32 s6, s31;
	s12 =	sadd.s32 $0x9F000, s0  }
.LBB2_1:
0x12: {  	[spmem:s14], [sflag:s8] =	dma.local [hbm:s7], $0x2800  }
0x13: {  	_ =	swait.ge [sflag:s15], $0x2800  }
0x14: {  	[sflag:s15] =	ssyncset.done $0x0  }
0x15: {  	[sflag:s15] =	ssyncadd.s32 $0xFFFFD800  }
0x16: {  	[bflag:$0x0] =	sbarrier.arrive $0xFFFF  }
0x17: {  	[tilespmem:s3], [sflag:$0x3] =	stream.linear.gather [hbm4b:s9+s3], $0x100, $0x38;
	[tilespmem:$0x1C200] =	vst v63  }
0x18: {  	_ =	swait.ge [sflag:s15], $0x100  }
0x19: {  	[sflag:s15] =	ssyncset.done $0x0  }
0x1a: {  	[sflag:s15] =	ssyncadd.s32 $0xFFFFFF00  }
0x1b: {  	[tilespmem:s17], [sflag:$0x1] =	stream.indirect.gather [hbm4b:s4+s16], $0x80, s3, s16, $0xb8;
	[tilespmem:$0x1C200] =	vst v63  }
0x1c: {  	s28 =	simm.s32 $0x0  }
0x1d: {  	[tilespmem:s19], [sflag:$0x1] =	stream.indirect.gather [hbm4b:s5+s16], $0x80, s18, s16, $0xb8;
	[tilespmem:$0x1C200] =	vst v63  }
.LBB2_2:
0x1e: {  	s29 =	sshll.u32 s28, $0x9  }
0x1f: {  	s0 =	sadd.s32 s29, s10  }
0x20: {  	s0 =	sshrl.u32 s0, $0x3  }
0x21: {  	s30 =	simm.s32 $0x0;
	s0 =	sadd.s32 s6, s0  }
0x22: {  	[tilespmem:s20], [sflag:$0x3] =	stream.linear.gather [hbm4b:s0+s30], $0x100, $0x38;
	[tilespmem:$0x1C200] =	vst v63  }
0x23: {  	_ =	swait.ge [sflag:s15], $0x100  }
0x24: {  	[sflag:s15] =	ssyncset.done $0x0  }
0x25: {  	[sflag:s15] =	ssyncadd.s32 $0xFFFFFF00  }
0x26: {  	[tilespmem:s21], [sflag:$0x2] =	stream.indirect.gather [hbm4b:s4+s16], $0x80, s20, s16, $0xb8;
	[tilespmem:$0x1C200] =	vst v63  }
0x27: {  	_ = 	snop  }
0x28: {  	[tilespmem:s23], [sflag:$0x2] =	stream.indirect.gather [hbm4b:s5+s16], $0x80, s22, s16, $0xb8;
	[tilespmem:$0x1C200] =	vst v63  }
0x29: {  	_ =	swait.ge [sflag:s24], $0x2000  }
0x2a: {  	[sflag:s24] =	ssyncset.done $0x0  }
0x2b: {  	[sflag:s24] =	ssyncadd.s32 $0xFFFFE000  }
0x2c: {  	_ =	swait.ge [sflag:s24], $0x2000  }
0x2d: {  	[sflag:s24] =	ssyncset.done $0x0  }
0x2e: {  	s30 =	simm.s32 $0x0;
	[sflag:s24] =	ssyncadd.s32 $0xFFFFE000  }
0x2f: {  	v0 =	vld [tilespmem:s30+$0x2200]  }
0x30: {  	v1 =	vld [tilespmem:s30+$0x240];
	_ =	sdelay $0x4  }
0x31: {  	v0 =	vadd.f32 v0, v1;
	_ =	sdelay $0x1  }
0x32: {  	v1 =	vmul.f32 $2.000000030e-01, v0;
	_ =	sdelay $0x1  }
0x33: {  	v1 =	vmax.f32 v0, v1  }
0x34: {  	v2 =	vmul.f32 $1.442695020e+00, v1;
	_ =	sdelay $0x1  }
0x35: {  	(erf) = vpow2.f32 v2;
	_ =	sdelay $0x2  }
0x36: {  	v3 =	vld [tilespmem:s30+$0x230]  }
0x37: {  	v0 =	vld [tilespmem:s30+$0x200]  }
0x38: {  	v1 =	vld [tilespmem:s30+$0x220]  }
0x39: {  	v2 =	vld [tilespmem:s30+$0x210];
	_ =	sdelay $0x1  }
0x3a: {  	s31 =	simm.s32 $0x200;
	s0 =	simm.s32 $0x400  }
.LBB2_3:
0x3b: {  	p0 =	sne.s32 s0, $0x7E00;
	s1 =	sshra.s32 s31, $0x2;
	v4 =	vpop (erf);
	s31 =	smov.u32 s0  }
0x3c: {  	v5 =	vld [tilespmem:s1+$0x2200];
	v1 =	vmul.f32 v4, v1;
	v3 =	vmul.f32 v3, v4;
	[tilespmem:s30+$0x240] =	vst v4  }
0x3d: {  	v0 =	vmul.f32 v4, v0;
	v6 =	vld [tilespmem:s1+$0x240];
	v2 =	vmul.f32 v4, v2  }
0x3e: {  	[tilespmem:s30+$0x230] =	vst v3  }
0x3f: {  	[tilespmem:s30+$0x220] =	vst v1  }
0x40: {  	[tilespmem:s30+$0x210] =	vst v2  }
0x41: {  	[tilespmem:s30+$0x200] =	vst v0;
	s30 =	smov.u32 s1  }
0x42: {  	v0 =	vadd.f32 v5, v6;
	_ =	sdelay $0x1  }
0x43: {  	v1 =	vmul.f32 $2.000000030e-01, v0;
	_ =	sdelay $0x1  }
0x44: {  	v0 =	vmax.f32 v0, v1  }
0x45: {  	v0 =	vmul.f32 $1.442695020e+00, v0;
	_ =	sdelay $0x1  }
0x46: {  	(erf) = vpow2.f32 v0;
	_ =	sdelay $0x2  }
0x47: {  	v0 =	vld [tilespmem:s30+$0x200]  }
.Ltmp0:
0x48: {  	v1 =	vld [tilespmem:s30+$0x220];
	(pc) =	sbr.rel @p0 .LBB2_3-.Ltmp0, $3  }
0x49: {  	v3 =	vld [tilespmem:s30+$0x230]  }
0x4a: {  	v2 =	vld [tilespmem:s30+$0x210];
	_ =	sdelay $0x1  }
0x4b: {  	s0 =	sadd.s32 $0x200, s0  }
0x4c: {  	s0 =	sshra.s32 s31, $0x2;
	v4 =	vpop (erf)  }
0x4d: {  	v5 =	vld [tilespmem:s0+$0x2200];
	[tilespmem:s30+$0x240] =	vst v4  }
0x4e: {  	v6 =	vld [tilespmem:s0+$0x240];
	_ =	sdelay $0x4  }
0x4f: {  	v5 =	vadd.f32 v5, v6;
	_ =	sdelay $0x1  }
0x50: {  	v6 =	vmul.f32 $2.000000030e-01, v5;
	_ =	sdelay $0x1  }
0x51: {  	v5 =	vmax.f32 v5, v6  }
0x52: {  	v5 =	vmul.f32 $1.442695020e+00, v5  }
0x53: {  	v3 =	vmul.f32 v3, v4  }
0x54: {  	v1 =	vmul.f32 v4, v1;
	(erf) = vpow2.f32 v5  }
0x55: {  	v0 =	vmul.f32 v4, v0;
	[tilespmem:s30+$0x230] =	vst v3  }
0x56: {  	v2 =	vmul.f32 v4, v2;
	[tilespmem:s30+$0x220] =	vst v1  }
0x57: {  	[tilespmem:s30+$0x200] =	vst v0  }
0x58: {  	[tilespmem:s30+$0x210] =	vst v2  }
0x59: {  	v0 =	vld [tilespmem:s0+$0x230]  }
0x5a: {  	v1 =	vld [tilespmem:s0+$0x220]  }
0x5b: {  	v2 =	vld [tilespmem:s0+$0x210]  }
0x5c: {  	v3 =	vld [tilespmem:s0+$0x200]  }
0x5d: {  	v4 =	vpop (erf)  }
0x5e: {  	v0 =	vmul.f32 v0, v4  }
0x5f: {  	v1 =	vmul.f32 v4, v1;
	[tilespmem:s0+$0x240] =	vst v4  }
0x60: {  	v2 =	vmul.f32 v4, v2;
	[tilespmem:s0+$0x230] =	vst v0  }
0x61: {  	v0 =	vmul.f32 v4, v3;
	[tilespmem:s0+$0x220] =	vst v1  }
0x62: {  	[tilespmem:s0+$0x210] =	vst v2  }
0x63: {  	p0 =	seq.s32 s28, $0x27;
	[tilespmem:s0+$0x200] =	vst v0  }
0x64: {  	[spmem:s2] =	stream.indirect.scatter.add.f32 [tilespmem:s17], [sflag:$0x3], $0x80, s18, s16, $0xb8;
	[tilespmem:$0x1C200] =	vst v63  }
0x65: {  	s0 =	sadd.s32 @!p0 s29, s11;
	_ =	swait.ge [sflag:s15], $0x2000  }
0x66: {  	s0 =	sshrl.u32 @!p0 s0, $0x3;
	[sflag:s15] =	ssyncset.done $0x0  }
0x67: {  	s1 =	simm.s32 @!p0 $0x0;
	s0 =	sadd.s32 @!p0 s6, s0;
	[sflag:s15] =	ssyncadd.s32 $0xFFFFE000  }
0x68: {  	[tilespmem:s1], [sflag:$0x3] =	stream.linear.gather @!p0 [hbm4b:s0+s1], $0x100, $0x38;
	[tilespmem:$0x1C200] =	vst v63  }
0x69: {  	s0 =	simm.s32 @!p0 $0x3  }
0x6a: {  	_ =	swait.ge @!p0 [sflag:s0], $0x100  }
0x6b: {  	[sflag:s0] =	ssyncset.done @!p0 $0x0  }
0x6c: {  	s29 =	simm.s32 @!p0 $0x200;
	[sflag:s0] =	ssyncadd.s32 @!p0 $0xFFFFFF00;
	s0 =	simm.s32 @!p0 $0x40  }
0x6d: {  	[tilespmem:s29], [sflag:$0x1] =	stream.indirect.gather @!p0 [hbm4b:s4+s0], $0x80, s1, s0, $0xb8;
	[tilespmem:$0x1C200] =	vst v63  }
0x6e: {  	s1 =	simm.s32 @!p0 $0x80;
	s29 =	simm.s32 @!p0 $0x2200  }
0x6f: {  	[tilespmem:s29], [sflag:$0x1] =	stream.indirect.gather @!p0 [hbm4b:s5+s0], $0x80, s1, s0, $0xb8;
	[tilespmem:$0x1C200] =	vst v63  }
0x70: {  	_ =	swait.ge [sflag:s25], $0x2000  }
0x71: {  	[sflag:s25] =	ssyncset.done $0x0  }
0x72: {  	[sflag:s25] =	ssyncadd.s32 $0xFFFFE000  }
0x73: {  	_ =	swait.ge [sflag:s25], $0x2000  }
0x74: {  	[sflag:s25] =	ssyncset.done $0x0  }
0x75: {  	s29 =	simm.s32 $0x0;
	[sflag:s25] =	ssyncadd.s32 $0xFFFFE000  }
0x76: {  	v0 =	vld [tilespmem:s29+$0x6200]  }
0x77: {  	v1 =	vld [tilespmem:s29+$0x4240];
	_ =	sdelay $0x4  }
0x78: {  	v0 =	vadd.f32 v0, v1;
	_ =	sdelay $0x1  }
0x79: {  	v1 =	vmul.f32 $2.000000030e-01, v0;
	_ =	sdelay $0x1  }
0x7a: {  	v1 =	vmax.f32 v0, v1  }
0x7b: {  	v2 =	vmul.f32 $1.442695020e+00, v1;
	_ =	sdelay $0x1  }
0x7c: {  	(erf) = vpow2.f32 v2;
	_ =	sdelay $0x2  }
0x7d: {  	v3 =	vld [tilespmem:s29+$0x4230]  }
0x7e: {  	v0 =	vld [tilespmem:s29+$0x4200]  }
0x7f: {  	v1 =	vld [tilespmem:s29+$0x4220]  }
0x80: {  	v2 =	vld [tilespmem:s29+$0x4210];
	_ =	sdelay $0x1  }
0x81: {  	s30 =	simm.s32 $0x200;
	s0 =	simm.s32 $0x400  }
.LBB2_5:
0x82: {  	p0 =	sne.s32 s0, $0x7E00;
	s1 =	sshra.s32 s30, $0x2;
	v4 =	vpop (erf);
	s30 =	smov.u32 s0  }
0x83: {  	v5 =	vld [tilespmem:s1+$0x6200];
	v1 =	vmul.f32 v4, v1;
	v3 =	vmul.f32 v3, v4;
	[tilespmem:s29+$0x4240] =	vst v4  }
0x84: {  	v0 =	vmul.f32 v4, v0;
	v6 =	vld [tilespmem:s1+$0x4240];
	v2 =	vmul.f32 v4, v2  }
0x85: {  	[tilespmem:s29+$0x4230] =	vst v3  }
0x86: {  	[tilespmem:s29+$0x4220] =	vst v1  }
0x87: {  	[tilespmem:s29+$0x4210] =	vst v2  }
0x88: {  	[tilespmem:s29+$0x4200] =	vst v0;
	s29 =	smov.u32 s1  }
0x89: {  	v0 =	vadd.f32 v5, v6;
	_ =	sdelay $0x1  }
0x8a: {  	v1 =	vmul.f32 $2.000000030e-01, v0;
	_ =	sdelay $0x1  }
0x8b: {  	v0 =	vmax.f32 v0, v1  }
0x8c: {  	v0 =	vmul.f32 $1.442695020e+00, v0;
	_ =	sdelay $0x1  }
0x8d: {  	(erf) = vpow2.f32 v0;
	_ =	sdelay $0x2  }
0x8e: {  	v0 =	vld [tilespmem:s29+$0x4200]  }
.Ltmp1:
0x8f: {  	v1 =	vld [tilespmem:s29+$0x4220];
	(pc) =	sbr.rel @p0 .LBB2_5-.Ltmp1, $3  }
0x90: {  	v3 =	vld [tilespmem:s29+$0x4230]  }
0x91: {  	v2 =	vld [tilespmem:s29+$0x4210];
	_ =	sdelay $0x1  }
0x92: {  	s0 =	sadd.s32 $0x200, s0  }
0x93: {  	s0 =	sshra.s32 s30, $0x2;
	v4 =	vpop (erf)  }
0x94: {  	v5 =	vld [tilespmem:s0+$0x6200];
	[tilespmem:s29+$0x4240] =	vst v4  }
0x95: {  	v6 =	vld [tilespmem:s0+$0x4240];
	_ =	sdelay $0x4  }
0x96: {  	v5 =	vadd.f32 v5, v6;
	_ =	sdelay $0x1  }
0x97: {  	v6 =	vmul.f32 $2.000000030e-01, v5;
	_ =	sdelay $0x1  }
0x98: {  	v5 =	vmax.f32 v5, v6  }
0x99: {  	v5 =	vmul.f32 $1.442695020e+00, v5  }
0x9a: {  	v3 =	vmul.f32 v3, v4  }
0x9b: {  	v1 =	vmul.f32 v4, v1;
	(erf) = vpow2.f32 v5  }
0x9c: {  	v0 =	vmul.f32 v4, v0;
	[tilespmem:s29+$0x4230] =	vst v3  }
0x9d: {  	v2 =	vmul.f32 v4, v2;
	[tilespmem:s29+$0x4220] =	vst v1  }
0x9e: {  	[tilespmem:s29+$0x4200] =	vst v0  }
0x9f: {  	[tilespmem:s29+$0x4210] =	vst v2  }
0xa0: {  	v0 =	vld [tilespmem:s0+$0x4230]  }
0xa1: {  	v1 =	vld [tilespmem:s0+$0x4220]  }
0xa2: {  	v2 =	vld [tilespmem:s0+$0x4210]  }
0xa3: {  	v3 =	vld [tilespmem:s0+$0x4200]  }
0xa4: {  	v62 =	vpop (erf)  }
0xa5: {  	v0 =	vmul.f32 v0, v62  }
0xa6: {  	v1 =	vmul.f32 v62, v1;
	[tilespmem:s0+$0x4240] =	vst v62  }
0xa7: {  	v2 =	vmul.f32 v62, v2;
	[tilespmem:s0+$0x4230] =	vst v0  }
0xa8: {  	s28 =	sadd.s32 $0x1, s28;
	v63 =	vmul.f32 v62, v3;
	[tilespmem:s0+$0x4220] =	vst v1  }
0xa9: {  	p0 =	sne.s32 s28, $0x28;
	[tilespmem:s0+$0x4210] =	vst v2  }
.Ltmp2:
0xaa: {  	[tilespmem:s0+$0x4200] =	vst v63;
	(pc) =	sbr.rel @p0 .LBB2_2-.Ltmp2, $4  }
0xab: {  	[spmem:s2] =	stream.indirect.scatter.add.f32 [tilespmem:s21], [sflag:$0x3], $0x80, s22, s16, $0xb8;
	[tilespmem:$0x1C200] =	vst v63  }
0xac: {  	_ =	swait.ge [sflag:s15], $0x2000  }
0xad: {  	[sflag:s15] =	ssyncset.done $0x0  }
0xae: {  	[sflag:s15] =	ssyncadd.s32 $0xFFFFE000  }
0xaf: {  	s26 =	sadd.s32 $0x1, s26  }
0xb0: {  	p0 =	sne.s32 s26, s13  }
.Ltmp3:
0xb1: {  	[bflag:$0x0] =	sbarrier.arrive $0xFFFF;
	(pc) =	sbr.rel @p0 .LBB2_1-.Ltmp3, $4  }
0xb2: {  	[hbm:s12], [sflag:s8] =	dma.local [spmem:s14], $0x2800  }
0xb3: {  	_ =	swait.ge [sflag:s15], $0x2800  }
0xb4: {  	[sflag:s15] =	ssyncset.done $0x0  }
0xb5: {  	[sflag:s15] =	ssyncadd.s32 $0xFFFFD800  }
0xb6: {  	_ =	sfence.sel $0x180000  }
0xb7: {  	[bflag:$0x0] =	sbarrier.arrive $0xFFFF  }
0xb8: {  	_ =	strace $0x9000004D  }
0xb9: {  	s0 =	stileid.u32;
	[bflag:$0x2] =	sbarrier.arrive $0xFFFF  }
0xba: {  	p0 =	sne.s32 s0, $0x0;
	s0 =	rddreg [dreg:$0x2]  }
0xbb: {  	s0 =	sadd.s32 @!p0 $0x100000, s0  }
0xbc: {  	[sflag:s0] =	ssyncadd.tile.s32 @!p0 $0x1;
	_ =	shalt  }
.Lfunc_end2:
_tile_overlayer_lowered:
.L_overlay_start_2:
0xbd: {  	(tag) =	ssettag $0x2  }
0xbe: {  	s0 =	rddreg [dreg:$0x0];
	s2 =	stileid.u32  }
0xbf: {  	s1 =	rddreg [dreg:$0x1];
	p0 =	sne.s32 s2, $0x0  }
0xc0: {  	s3 =	rddreg [dreg:$0x2];
	[bflag:$0x3] =	sbarrier.arrive $0xFFFF;
	s2 =	simm.s32 @!p0 $0x1C03  }
0xc1: {  	[timem:s3], [sflag:s2] =	dma.local @!p0 [hbm:s0], s1  }
0xc2: {  	s0 =	simm.s32 @!p0 $0x3  }
0xc3: {  	_ =	swait.ge @!p0 [sflag:s0], s1  }
0xc4: {  	s1 =	ssub.s32 @!p0 $0x0, s1;
	[sflag:s0] =	ssyncset.done @!p0 $0x0  }
0xc5: {  	[sflag:s0] =	ssyncadd.s32 @!p0 s1  }
0xc6: {  	[bflag:$0x3] =	sbarrier.arrive $0xFFFF  }
0xc7: {  	_ =	shalt  }

// kernel: kernel.19.cloned.1.call-start
scs
__scs_entry_jumppad:
0x0: {  	(pc) =	sbr.rel $0x88, $3  }
0x1: {  	(tag) =	ssettag $0x0;
	lr =	simm.s32 $0x1  }
0x2: {  	[smem:$0x3F7D] =	sst lr;
	_ =	strace $0xD0000000  }
0x3: {  	_ = 	snop  }
0x4: {  	_ = 	snop  }
0x5: {  	_ = 	snop  }
0x6: {  	_ = 	snop  }
0x7: {  	_ = 	snop  }
__scs_overlays_trampoline_lowered:
0x8: {  	[smem:$0x3F8C] =	sst s0  }
0x9: {  	[smem:$0x3F8D] =	sst s1  }
0xa: {  	[smem:$0x3F8E] =	sst s2  }
0xb: {  	[smem:$0x3F8F] =	sst s3  }
0xc: {  	[smem:$0x3F90] =	sst s4  }
0xd: {  	[smem:$0x3F91] =	sst s5  }
0xe: {  	[smem:$0x3F92] =	sst s6  }
0xf: {  	[smem:$0x3F93] =	sst s7  }
0x10: {  	[smem:$0x3F94] =	sst s8  }
0x11: {  	[smem:$0x3F95] =	sst s9;
	s0 =	simm.s32 @!p0 $0x0  }
0x12: {  	s1 =	sld [smem:$0x3F7B];
	s0 =	simm.s32 @p0 $0x1  }
0x13: {  	[smem:$0x3F96] =	sst s0;
	s0 =	simm.s32 @!p1 $0x0  }
0x14: {  	s2 =	sld [smem:$0x3F7A];
	s0 =	simm.s32 @p1 $0x1  }
0x15: {  	[smem:$0x3F97] =	sst s0;
	s0 =	simm.s32 @!p2 $0x0  }
0x16: {  	s3 =	sld [smem:$0x3FDB];
	s0 =	simm.s32 @p2 $0x1  }
0x17: {  	s4 =	simm.s32 $0x1BF5;
	[smem:$0x3F99] =	sst s0  }
0x18: {  	s0 =	sld [smem:$0x3F7C];
	_ =	swait.ge [sflag:s4], $0x0  }
0x19: {  	s7 =	sld [smem:$0x3F7D]  }
0x1a: {  	s8 =	sadd.s32 $0xFFFFE003, lr  }
0x1b: {  	s9 =	sadd.s32 $0xFFFFFEF7, lr;
	s5 =	simm.s32 $0xFFFFFFFF;
	p2 =	slt.u32 s8, $0xFFFFF086  }
0x1c: {  	p1 =	slt.u32 s9, $0xF7A;
	s5 =	simm.s32 @!p2 $0x0  }
0x1d: {  	s5 =	simm.s32 @p1 $0x1;
	p0 =	seq.s32 s7, s2  }
0x1e: {  	s7 =	smul.u32 @!p0 $0xF7A, s2;
	p2 =	seq.s32 @!p0 s5, $0x0  }
0x1f: {  	s9 =	smul.u32 $0xF7A, s1;
	s8 =	simm.s32 @!p0 $0x1BF5;
	p2 =	por !p2, p0  }
0x20: {  	[sflag:s8] =	ssyncset.s32 @!p0 $0xFFFFF086;
	s6 =	sadd.s32 @!p0 s3, s7;
	s7 =	simm.s32 @!p0 $0x108  }
0x21: {  	s3 =	sadd.s32 s3, s9;
	s6 =	sadd.s32 @!p0 $0x88, s6;
	s7 =	simm.s32 @p2 $0x1082  }
0x22: {  	[simem:s7], [sflag:s8] =	dma.local @!p0 [hbm:s6], $0xF7A  }
0x23: {  	s9 =	sor.u32 $0xD0000000, s2;
	s6 =	simm.s32 $0x108;
	_ =	swait.ge @!p0 [sflag:s8], $0x0  }
0x24: {  	s3 =	sadd.s32 $0x88, s3;
	s6 =	simm.s32 @!p1 $0x1082;
	[sflag:s4] =	ssyncset.s32 $0xFFFFF086  }
0x25: {  	[simem:s6], [sflag:s4] =	dma.local [hbm:s3], $0xF7A  }
0x26: {  	[smem:$0x3F7D] =	sst s1;
	(tag) =	ssettag s2;
	_ =	strace s9  }
0x27: {  	s1 =	sld [smem:$0x3F8D]  }
0x28: {  	s2 =	sld [smem:$0x3F8E]  }
0x29: {  	s4 =	sld [smem:$0x3F90]  }
0x2a: {  	p0 =	seq.s32 s5, $0x0;
	s5 =	sld [smem:$0x3F91]  }
0x2b: {  	s6 =	sld [smem:$0x3F92]  }
0x2c: {  	s7 =	sld [smem:$0x3F93]  }
0x2d: {  	s3 =	simm.s32 $0x108;
	s8 =	sld [smem:$0x3F94]  }
0x2e: {  	s3 =	simm.s32 @!p0 $0x1082;
	s9 =	sld [smem:$0x3F95]  }
0x2f: {  	lr =	sadd.s32 s0, s3;
	s0 =	sld [smem:$0x3F8C]  }
0x30: {  	s3 =	sld [smem:$0x3F8F]  }
0x31: {  	[smem:$0x3F98] =	sst s10  }
0x32: {  	s10 =	sld [smem:$0x3F96];
	_ =	sdelay $0x3  }
0x33: {  	p0 =	seq.s32 s10, $0x1;
	s10 =	sld [smem:$0x3F98];
	_ =	sdelay $0x3  }
0x34: {  	[smem:$0x3F98] =	sst s10  }
0x35: {  	s10 =	sld [smem:$0x3F97];
	_ =	sdelay $0x3  }
0x36: {  	p1 =	seq.s32 s10, $0x1;
	s10 =	sld [smem:$0x3F98];
	_ =	sdelay $0x3  }
0x37: {  	[smem:$0x3F98] =	sst s10  }
0x38: {  	s10 =	sld [smem:$0x3F99]  }
0x39: {  	_ = 	snop;
	(pc) =	sbr.ind lr, $3  }
0x3a: {  	_ = 	snop  }
0x3b: {  	_ = 	snop  }
0x3c: {  	p2 =	seq.s32 s10, $0x1;
	s10 =	sld [smem:$0x3F98]  }
0x3d: {  	_ =	shalt  }
0x3e: {  	_ =	shalt  }
0x3f: {  	_ =	shalt  }
0x40: {  	_ =	shalt  }
0x41: {  	_ =	shalt  }
0x42: {  	_ =	shalt  }
0x43: {  	_ =	shalt  }
0x44: {  	_ =	shalt  }
0x45: {  	_ =	shalt  }
0x46: {  	_ =	shalt  }
0x47: {  	_ =	shalt  }
0x48: {  	_ =	shalt  }
0x49: {  	_ =	shalt  }
0x4a: {  	_ =	shalt  }
0x4b: {  	_ =	shalt  }
0x4c: {  	_ =	shalt  }
0x4d: {  	_ =	shalt  }
0x4e: {  	_ =	shalt  }
0x4f: {  	_ =	shalt  }
0x50: {  	_ =	shalt  }
0x51: {  	_ =	shalt  }
0x52: {  	_ =	shalt  }
0x53: {  	_ =	shalt  }
0x54: {  	_ =	shalt  }
0x55: {  	_ =	shalt  }
0x56: {  	_ =	shalt  }
0x57: {  	_ =	shalt  }
0x58: {  	_ =	shalt  }
0x59: {  	_ =	shalt  }
0x5a: {  	_ =	shalt  }
0x5b: {  	_ =	shalt  }
0x5c: {  	_ =	shalt  }
0x5d: {  	_ =	shalt  }
0x5e: {  	_ =	shalt  }
0x5f: {  	_ =	shalt  }
0x60: {  	_ =	shalt  }
0x61: {  	_ =	shalt  }
0x62: {  	_ =	shalt  }
0x63: {  	_ =	shalt  }
0x64: {  	_ =	shalt  }
0x65: {  	_ =	shalt  }
0x66: {  	_ =	shalt  }
0x67: {  	_ =	shalt  }
0x68: {  	_ =	shalt  }
0x69: {  	_ =	shalt  }
0x6a: {  	_ =	shalt  }
0x6b: {  	_ =	shalt  }
0x6c: {  	_ =	shalt  }
0x6d: {  	_ =	shalt  }
0x6e: {  	_ =	shalt  }
0x6f: {  	_ =	shalt  }
0x70: {  	_ =	shalt  }
0x71: {  	_ =	shalt  }
0x72: {  	_ =	shalt  }
0x73: {  	_ =	shalt  }
0x74: {  	_ =	shalt  }
0x75: {  	_ =	shalt  }
0x76: {  	_ =	shalt  }
0x77: {  	_ =	shalt  }
0x78: {  	_ =	shalt  }
0x79: {  	_ =	shalt  }
0x7a: {  	_ =	shalt  }
0x7b: {  	_ =	shalt  }
0x7c: {  	_ =	shalt  }
0x7d: {  	_ =	shalt  }
0x7e: {  	_ =	shalt  }
0x7f: {  	_ =	shalt  }
0x80: {  	_ =	shalt  }
0x81: {  	_ =	shalt  }
0x82: {  	_ =	shalt  }
0x83: {  	_ =	shalt  }
0x84: {  	_ =	shalt  }
0x85: {  	_ =	shalt  }
0x86: {  	_ =	shalt  }
0x87: {  	_ =	shalt  }
.Lfunc_end0:
.L_simem_size_0:
called_computation.3_lowered:
.L_overlay_start_0:
0x88: {  	s2 =	sld [smem:$0x3FD9]  }
0x89: {  	s3 =	sld [smem:$0x3FFE];
	_ =	sdelay $0x1  }
0x8a: {  	s1 =	srdreg.scid  }
0x8b: {  	s0 =	sand.u32 $0x1, s1  }
0x8c: {  	s16 =	sshll.u32 s0, $0xA;
	s2 =	sadd.s32 s3, s2  }
0x8d: {  	s2 =	sadd.s32 s2, s16  }
0x8e: {  	[smem:$0x3FA4] =	sst s2  }
0x8f: {  	_ = 	snop  }
0x90: {  	(tm) =	ssettm $0x1  }
0x91: {  	s17 =	sld [smem:$0x3FFB];
	_ =	sdelay $0x3  }
0x92: {  	_ =	strace s17  }
0x93: {  	s2 =	sld [smem:$0x3FFC];
	_ =	sdelay $0x3  }
0x94: {  	_ =	strace s2  }
0x95: {  	s2 =	sld [smem:$0x3FFD];
	_ =	sdelay $0x3  }
0x96: {  	_ =	strace s2  }
0x97: {  	_ =	strace $0x8FFFFFFF  }
0x98: {  	s18 =	sld [smem:$0x3FDB];
	_ =	sdelay $0x1  }
0x99: {  	s19 =	simm.s32 $_scs_section_size  }
0x9a: {  	s4 =	simm.s32 $_size__tile_overlayer_lowered;
	s5 =	simm.s32 $_tile_overlayer_lowered  }
0x9b: {  	s22 =	simm.s32 $0x1BFF;
	s21 =	sshll.u32 s5, $0x1;
	s2 =	sadd.s32 s19, s18  }
0x9c: {  	s6 =	simm.s32 $0x0;
	s20 =	sshll.u32 s4, $0x1;
	s4 =	sadd.s32 s21, s2  }
0x9d: {  	[timem:s6], [sflag:s22] =	dma.local [hbm:s4], s20  }
0x9e: {  	_ =	swait.ge [sflag:s22], s20  }
0x9f: {  	s3 =	ssub.s32 $0x0, s20;
	[sflag:s22] =	ssyncset.done $0x0  }
0xa0: {  	[sflag:s22] =	ssyncadd.s32 s3;
	_ =	sdelay $0x1  }
0xa1: {  	s23 =	simm.s32 $0x1B8B  }
0xa2: {  	_ =	swait.ge [sflag:s23], $0x1  }
0xa3: {  	[sflag:s23] =	ssyncset.done $0x0  }
0xa4: {  	s25 =	simm.s32 $0x1B8E;
	s24 =	sld [smem:$0x3FFE];
	[sflag:s23] =	ssyncadd.s32 $0xFFFFFFFF  }
0xa5: {  	s26 =	simm.s32 $execute0_lowered;
	[smem:$0x3FD2] =	sst s25  }
0xa6: {  	s4 =	sshll.u32 s26, $0x1;
	_ =	strace $0x8000004F;
	[dreg:$0x1] =	wrdreg $0xFFFFFFFF  }
0xa7: {  	s28 =	simm.s32 $_size_execute0_lowered;
	s2 =	sadd.s32 s2, s4;
	[dreg:$0x0] =	wrdreg $0x0  }
0xa8: {  	s4 =	sshll.u32 s28, $0x1;
	[dreg:$0x2] =	wrdreg s2  }
0xa9: {  	[dreg:$0x3] =	wrdreg s4  }
0xaa: {  	[dreg:$0x4] =	wrdreg $0xC0  }
0xab: {  	_ =	task [dreg:s6], $0x5FFFF  }
0xac: {  	[dreg:$0x1] =	wrdreg $0xFFFFFFFF  }
0xad: {  	[dreg:$0x0] =	wrdreg $0x60  }
0xae: {  	[dreg:$0x2] =	wrdreg s24  }
0xaf: {  	[dreg:$0x3] =	wrdreg $0x82000  }
0xb0: {  	[dreg:$0x4] =	wrdreg $0x9  }
0xb1: {  	_ =	task.clear_ibuf [dreg:s6], $0x5FFFF;
	_ =	strace $0x9000004F  }
0xb2: {  	s29 =	simm.s32 $0x9;
	_ =	strace $0x80000051  }
0xb3: {  	_ =	swait.ge [sflag:s29], $0x1  }
0xb4: {  	[sflag:s29] =	ssyncadd.s32 $0xFFFFFFFF  }
0xb5: {  	_ =	strace $0x90000051  }
0xb6: {  	_ =	sfence  }
0xb7: {  	s30 =	sld [smem:$0x0];
	_ =	sdelay $0x2  }
0xb8: {  	s31 =	sshll.u32 s1, $0xD;
	s1 =	sshrl.u32 s1, $0x2  }
0xb9: {  	s3 =	sand.u32 $0x4000, s31;
	s1 =	sadd.s32 s1, s30  }
0xba: {  	s0 =	sor.u32 s3, s0;
	s1 =	sshll.u32 s1, $0x11  }
0xbb: {  	s0 =	sor.u32 s1, s0  }
0xbc: {  	s0 =	sadd.s32 $0x8F2B, s0  }
0xbd: {  	[sflag:s0] =	ssyncadd.remote.s32 $0x1  }
0xbe: {  	_ =	sfence.sel $0xFFFF  }
0xbf: {  	[dreg:$0x0] =	wrdreg $0xFFFFFFFF;
	(pc) =	sbr.abs _section_cstart, $3  }
0xc0: {  	[dreg:$0x1] =	wrdreg $0xFFFFFFFF  }
0xc1: {  	_ =	task.clear_ibuf [dreg:s6], $0x2FFFF;
	_ =	strace $0x9FFFFFFF  }
0xc2: {  	(tm) =	ssettm $0x7FFFFFFF  }
0xc3: {  	_ =	shalt  }
tec
execute0_lowered:
.L_overlay_start_1:
0x0: {  	(tag) =	ssettag $0x1  }
0x1: {  	s0 =	rddreg [dreg:$0x0]  }
0x2: {  	s2 =	rddreg [dreg:$0x1];
	s3 =	simm.s32 $0x0;
	s1 =	stileid.u32  }
0x3: {  	s4 =	srdreg.scid;
	s15 =	simm.s32 $0x3;
	s16 =	simm.s32 $0x40  }
0x4: {  	s17 =	simm.s32 $0x200;
	s18 =	simm.s32 $0x80;
	s19 =	simm.s32 $0x2200  }
0x5: {  	s20 =	simm.s32 $0x100;
	s21 =	simm.s32 $0x4200;
	s22 =	simm.s32 $0x180  }
0x6: {  	s23 =	simm.s32 $0x6200;
	s24 =	simm.s32 $0x1;
	[smem:$0x7FF] =	sst s3  }
0x7: {  	s7 =	smul.u32 $0x14000, s1;
	s8 =	sand.u32 $0x1, s4;
	s4 =	sadd.s32 $0x3B000, s0  }
0x8: {  	s5 =	sadd.s32 $0x62200, s0;
	s6 =	sadd.s32 $0x8B000, s0;
	s25 =	smul.u32 $0x50000, s1  }
0x9: {  	s30 =	sshll.u32 s1, $0x6;
	_ =	strace $0x80000050;
	s9 =	smul.u32 $0x140000, s8  }
0xa: {  	s11 =	sshll.u32 s8, $0x4;
	s26 =	ssub.s32 $0x2, s8;
	s8 =	sor.u32 $0x1C03, s30  }
0xb: {  	s10 =	sshrl.u32 s7, $0x3;
	s28 =	sor.u32 s1, s11;
	s29 =	sshrl.u32 s26, $0x1  }
0xc: {  	s10 =	sadd.s32 s10, s0;
	s7 =	sadd.s32 s7, s9;
	s9 =	sshrl.u32 s25, $0x2  }
0xd: {  	s12 =	smul.u32 $0x5000, s28;
	s13 =	ssub.s32 s26, s29;
	s25 =	simm.s32 $0x2  }
0xe: {  	s26 =	simm.s32 $0x0;
	s7 =	sshrl.u32 s7, $0x3;
	s14 =	sadd.s32 s9, s2  }
0xf: {  	s13 =	smax.u32 s13, $0x1;
	s0 =	sadd.s32 s7, s0;
	s7 =	sadd.s32 $0x13000, s10  }
0x10: {  	s31 =	sshrl.u32 s12, $0x3;
	s10 =	sor.u32 $0x100, s12;
	s11 =	sor.u32 $0x200, s12  }
0x11: {  	s14 =	sshrl.u32 s14, $0x3;
	s9 =	sadd.s32 s6, s31;
	s12 =	sadd.s32 $0x9F000, s0  }
.LBB2_1:
0x12: {  	[spmem:s14], [sflag:s8] =	dma.local [hbm:s7], $0x2800  }
0x13: {  	_ =	swait.ge [sflag:s15], $0x2800  }
0x14: {  	[sflag:s15] =	ssyncset.done $0x0  }
0x15: {  	[sflag:s15] =	ssyncadd.s32 $0xFFFFD800  }
0x16: {  	[bflag:$0x0] =	sbarrier.arrive $0xFFFF  }
0x17: {  	[tilespmem:s3], [sflag:$0x3] =	stream.linear.gather [hbm4b:s9+s3], $0x100, $0x38;
	[tilespmem:$0x1C200] =	vst v63  }
0x18: {  	_ =	swait.ge [sflag:s15], $0x100  }
0x19: {  	[sflag:s15] =	ssyncset.done $0x0  }
0x1a: {  	[sflag:s15] =	ssyncadd.s32 $0xFFFFFF00  }
0x1b: {  	[tilespmem:s17], [sflag:$0x1] =	stream.indirect.gather [hbm4b:s4+s16], $0x80, s3, s16, $0xb8;
	[tilespmem:$0x1C200] =	vst v63  }
0x1c: {  	s28 =	simm.s32 $0x0  }
0x1d: {  	[tilespmem:s19], [sflag:$0x1] =	stream.indirect.gather [hbm4b:s5+s16], $0x80, s18, s16, $0xb8;
	[tilespmem:$0x1C200] =	vst v63  }
.LBB2_2:
0x1e: {  	s29 =	sshll.u32 s28, $0x9  }
0x1f: {  	s0 =	sadd.s32 s29, s10  }
0x20: {  	s0 =	sshrl.u32 s0, $0x3  }
0x21: {  	s30 =	simm.s32 $0x0;
	s0 =	sadd.s32 s6, s0  }
0x22: {  	[tilespmem:s20], [sflag:$0x3] =	stream.linear.gather [hbm4b:s0+s30], $0x100, $0x38;
	[tilespmem:$0x1C200] =	vst v63  }
0x23: {  	_ =	swait.ge [sflag:s15], $0x100  }
0x24: {  	[sflag:s15] =	ssyncset.done $0x0  }
0x25: {  	[sflag:s15] =	ssyncadd.s32 $0xFFFFFF00  }
0x26: {  	[tilespmem:s21], [sflag:$0x2] =	stream.indirect.gather [hbm4b:s4+s16], $0x80, s20, s16, $0xb8;
	[tilespmem:$0x1C200] =	vst v63  }
0x27: {  	_ = 	snop  }
0x28: {  	[tilespmem:s23], [sflag:$0x2] =	stream.indirect.gather [hbm4b:s5+s16], $0x80, s22, s16, $0xb8;
	[tilespmem:$0x1C200] =	vst v63  }
0x29: {  	_ =	swait.ge [sflag:s24], $0x2000  }
0x2a: {  	[sflag:s24] =	ssyncset.done $0x0  }
0x2b: {  	[sflag:s24] =	ssyncadd.s32 $0xFFFFE000  }
0x2c: {  	_ =	swait.ge [sflag:s24], $0x2000  }
0x2d: {  	[sflag:s24] =	ssyncset.done $0x0  }
0x2e: {  	s30 =	simm.s32 $0x0;
	[sflag:s24] =	ssyncadd.s32 $0xFFFFE000  }
0x2f: {  	v0 =	vld [tilespmem:s30+$0x2200]  }
0x30: {  	v1 =	vld [tilespmem:s30+$0x240];
	_ =	sdelay $0x4  }
0x31: {  	v0 =	vadd.f32 v0, v1;
	_ =	sdelay $0x1  }
0x32: {  	v1 =	vmul.f32 $2.000000030e-01, v0;
	_ =	sdelay $0x1  }
0x33: {  	v1 =	vmax.f32 v0, v1  }
0x34: {  	v2 =	vmul.f32 $1.442695020e+00, v1;
	_ =	sdelay $0x1  }
0x35: {  	(erf) = vpow2.f32 v2;
	_ =	sdelay $0x2  }
0x36: {  	v3 =	vld [tilespmem:s30+$0x230]  }
0x37: {  	v0 =	vld [tilespmem:s30+$0x200]  }
0x38: {  	v1 =	vld [tilespmem:s30+$0x220]  }
0x39: {  	v2 =	vld [tilespmem:s30+$0x210];
	_ =	sdelay $0x1  }
0x3a: {  	s31 =	simm.s32 $0x200;
	s0 =	simm.s32 $0x400  }
.LBB2_3:
0x3b: {  	p0 =	sne.s32 s0, $0x7E00;
	s1 =	sshra.s32 s31, $0x2;
	v4 =	vpop (erf);
	s31 =	smov.u32 s0  }
0x3c: {  	v5 =	vld [tilespmem:s1+$0x2200];
	v1 =	vmul.f32 v4, v1;
	v3 =	vmul.f32 v3, v4;
	[tilespmem:s30+$0x240] =	vst v4  }
0x3d: {  	v0 =	vmul.f32 v4, v0;
	v6 =	vld [tilespmem:s1+$0x240];
	v2 =	vmul.f32 v4, v2  }
0x3e: {  	[tilespmem:s30+$0x230] =	vst v3  }
0x3f: {  	[tilespmem:s30+$0x220] =	vst v1  }
0x40: {  	[tilespmem:s30+$0x210] =	vst v2  }
0x41: {  	[tilespmem:s30+$0x200] =	vst v0;
	s30 =	smov.u32 s1  }
0x42: {  	v0 =	vadd.f32 v5, v6;
	_ =	sdelay $0x1  }
0x43: {  	v1 =	vmul.f32 $2.000000030e-01, v0;
	_ =	sdelay $0x1  }
0x44: {  	v0 =	vmax.f32 v0, v1  }
0x45: {  	v0 =	vmul.f32 $1.442695020e+00, v0;
	_ =	sdelay $0x1  }
0x46: {  	(erf) = vpow2.f32 v0;
	_ =	sdelay $0x2  }
0x47: {  	v0 =	vld [tilespmem:s30+$0x200]  }
.Ltmp0:
0x48: {  	v1 =	vld [tilespmem:s30+$0x220];
	(pc) =	sbr.rel @p0 .LBB2_3-.Ltmp0, $3  }
0x49: {  	v3 =	vld [tilespmem:s30+$0x230]  }
0x4a: {  	v2 =	vld [tilespmem:s30+$0x210];
	_ =	sdelay $0x1  }
0x4b: {  	s0 =	sadd.s32 $0x200, s0  }
0x4c: {  	s0 =	sshra.s32 s31, $0x2;
	v4 =	vpop (erf)  }
0x4d: {  	v5 =	vld [tilespmem:s0+$0x2200];
	[tilespmem:s30+$0x240] =	vst v4  }
0x4e: {  	v6 =	vld [tilespmem:s0+$0x240];
	_ =	sdelay $0x4  }
0x4f: {  	v5 =	vadd.f32 v5, v6;
	_ =	sdelay $0x1  }
0x50: {  	v6 =	vmul.f32 $2.000000030e-01, v5;
	_ =	sdelay $0x1  }
0x51: {  	v5 =	vmax.f32 v5, v6  }
0x52: {  	v5 =	vmul.f32 $1.442695020e+00, v5  }
0x53: {  	v3 =	vmul.f32 v3, v4  }
0x54: {  	v1 =	vmul.f32 v4, v1;
	(erf) = vpow2.f32 v5  }
0x55: {  	v0 =	vmul.f32 v4, v0;
	[tilespmem:s30+$0x230] =	vst v3  }
0x56: {  	v2 =	vmul.f32 v4, v2;
	[tilespmem:s30+$0x220] =	vst v1  }
0x57: {  	[tilespmem:s30+$0x200] =	vst v0  }
0x58: {  	[tilespmem:s30+$0x210] =	vst v2  }
0x59: {  	v0 =	vld [tilespmem:s0+$0x230]  }
0x5a: {  	v1 =	vld [tilespmem:s0+$0x220]  }
0x5b: {  	v2 =	vld [tilespmem:s0+$0x210]  }
0x5c: {  	v3 =	vld [tilespmem:s0+$0x200]  }
0x5d: {  	v4 =	vpop (erf)  }
0x5e: {  	v0 =	vmul.f32 v0, v4  }
0x5f: {  	v1 =	vmul.f32 v4, v1;
	[tilespmem:s0+$0x240] =	vst v4  }
0x60: {  	v2 =	vmul.f32 v4, v2;
	[tilespmem:s0+$0x230] =	vst v0  }
0x61: {  	v0 =	vmul.f32 v4, v3;
	[tilespmem:s0+$0x220] =	vst v1  }
0x62: {  	[tilespmem:s0+$0x210] =	vst v2  }
0x63: {  	p0 =	seq.s32 s28, $0x27;
	[tilespmem:s0+$0x200] =	vst v0  }
0x64: {  	[spmem:s2] =	stream.indirect.scatter.add.f32 [tilespmem:s17], [sflag:$0x3], $0x80, s18, s16, $0xb8;
	[tilespmem:$0x1C200] =	vst v63  }
0x65: {  	s0 =	sadd.s32 @!p0 s29, s11;
	_ =	swait.ge [sflag:s15], $0x2000  }
0x66: {  	s0 =	sshrl.u32 @!p0 s0, $0x3;
	[sflag:s15] =	ssyncset.done $0x0  }
0x67: {  	s1 =	simm.s32 @!p0 $0x0;
	s0 =	sadd.s32 @!p0 s6, s0;
	[sflag:s15] =	ssyncadd.s32 $0xFFFFE000  }
0x68: {  	[tilespmem:s1], [sflag:$0x3] =	stream.linear.gather @!p0 [hbm4b:s0+s1], $0x100, $0x38;
	[tilespmem:$0x1C200] =	vst v63  }
0x69: {  	s0 =	simm.s32 @!p0 $0x3  }
0x6a: {  	_ =	swait.ge @!p0 [sflag:s0], $0x100  }
0x6b: {  	[sflag:s0] =	ssyncset.done @!p0 $0x0  }
0x6c: {  	s29 =	simm.s32 @!p0 $0x200;
	[sflag:s0] =	ssyncadd.s32 @!p0 $0xFFFFFF00;
	s0 =	simm.s32 @!p0 $0x40  }
0x6d: {  	[tilespmem:s29], [sflag:$0x1] =	stream.indirect.gather @!p0 [hbm4b:s4+s0], $0x80, s1, s0, $0xb8;
	[tilespmem:$0x1C200] =	vst v63  }
0x6e: {  	s1 =	simm.s32 @!p0 $0x80;
	s29 =	simm.s32 @!p0 $0x2200  }
0x6f: {  	[tilespmem:s29], [sflag:$0x1] =	stream.indirect.gather @!p0 [hbm4b:s5+s0], $0x80, s1, s0, $0xb8;
	[tilespmem:$0x1C200] =	vst v63  }
0x70: {  	_ =	swait.ge [sflag:s25], $0x2000  }
0x71: {  	[sflag:s25] =	ssyncset.done $0x0  }
0x72: {  	[sflag:s25] =	ssyncadd.s32 $0xFFFFE000  }
0x73: {  	_ =	swait.ge [sflag:s25], $0x2000  }
0x74: {  	[sflag:s25] =	ssyncset.done $0x0  }
0x75: {  	s29 =	simm.s32 $0x0;
	[sflag:s25] =	ssyncadd.s32 $0xFFFFE000  }
0x76: {  	v0 =	vld [tilespmem:s29+$0x6200]  }
0x77: {  	v1 =	vld [tilespmem:s29+$0x4240];
	_ =	sdelay $0x4  }
0x78: {  	v0 =	vadd.f32 v0, v1;
	_ =	sdelay $0x1  }
0x79: {  	v1 =	vmul.f32 $2.000000030e-01, v0;
	_ =	sdelay $0x1  }
0x7a: {  	v1 =	vmax.f32 v0, v1  }
0x7b: {  	v2 =	vmul.f32 $1.442695020e+00, v1;
	_ =	sdelay $0x1  }
0x7c: {  	(erf) = vpow2.f32 v2;
	_ =	sdelay $0x2  }
0x7d: {  	v3 =	vld [tilespmem:s29+$0x4230]  }
0x7e: {  	v0 =	vld [tilespmem:s29+$0x4200]  }
0x7f: {  	v1 =	vld [tilespmem:s29+$0x4220]  }
0x80: {  	v2 =	vld [tilespmem:s29+$0x4210];
	_ =	sdelay $0x1  }
0x81: {  	s30 =	simm.s32 $0x200;
	s0 =	simm.s32 $0x400  }
.LBB2_5:
0x82: {  	p0 =	sne.s32 s0, $0x7E00;
	s1 =	sshra.s32 s30, $0x2;
	v4 =	vpop (erf);
	s30 =	smov.u32 s0  }
0x83: {  	v5 =	vld [tilespmem:s1+$0x6200];
	v1 =	vmul.f32 v4, v1;
	v3 =	vmul.f32 v3, v4;
	[tilespmem:s29+$0x4240] =	vst v4  }
0x84: {  	v0 =	vmul.f32 v4, v0;
	v6 =	vld [tilespmem:s1+$0x4240];
	v2 =	vmul.f32 v4, v2  }
0x85: {  	[tilespmem:s29+$0x4230] =	vst v3  }
0x86: {  	[tilespmem:s29+$0x4220] =	vst v1  }
0x87: {  	[tilespmem:s29+$0x4210] =	vst v2  }
0x88: {  	[tilespmem:s29+$0x4200] =	vst v0;
	s29 =	smov.u32 s1  }
0x89: {  	v0 =	vadd.f32 v5, v6;
	_ =	sdelay $0x1  }
0x8a: {  	v1 =	vmul.f32 $2.000000030e-01, v0;
	_ =	sdelay $0x1  }
0x8b: {  	v0 =	vmax.f32 v0, v1  }
0x8c: {  	v0 =	vmul.f32 $1.442695020e+00, v0;
	_ =	sdelay $0x1  }
0x8d: {  	(erf) = vpow2.f32 v0;
	_ =	sdelay $0x2  }
0x8e: {  	v0 =	vld [tilespmem:s29+$0x4200]  }
.Ltmp1:
0x8f: {  	v1 =	vld [tilespmem:s29+$0x4220];
	(pc) =	sbr.rel @p0 .LBB2_5-.Ltmp1, $3  }
0x90: {  	v3 =	vld [tilespmem:s29+$0x4230]  }
0x91: {  	v2 =	vld [tilespmem:s29+$0x4210];
	_ =	sdelay $0x1  }
0x92: {  	s0 =	sadd.s32 $0x200, s0  }
0x93: {  	s0 =	sshra.s32 s30, $0x2;
	v4 =	vpop (erf)  }
0x94: {  	v5 =	vld [tilespmem:s0+$0x6200];
	[tilespmem:s29+$0x4240] =	vst v4  }
0x95: {  	v6 =	vld [tilespmem:s0+$0x4240];
	_ =	sdelay $0x4  }
0x96: {  	v5 =	vadd.f32 v5, v6;
	_ =	sdelay $0x1  }
0x97: {  	v6 =	vmul.f32 $2.000000030e-01, v5;
	_ =	sdelay $0x1  }
0x98: {  	v5 =	vmax.f32 v5, v6  }
0x99: {  	v5 =	vmul.f32 $1.442695020e+00, v5  }
0x9a: {  	v3 =	vmul.f32 v3, v4  }
0x9b: {  	v1 =	vmul.f32 v4, v1;
	(erf) = vpow2.f32 v5  }
0x9c: {  	v0 =	vmul.f32 v4, v0;
	[tilespmem:s29+$0x4230] =	vst v3  }
0x9d: {  	v2 =	vmul.f32 v4, v2;
	[tilespmem:s29+$0x4220] =	vst v1  }
0x9e: {  	[tilespmem:s29+$0x4200] =	vst v0  }
0x9f: {  	[tilespmem:s29+$0x4210] =	vst v2  }
0xa0: {  	v0 =	vld [tilespmem:s0+$0x4230]  }
0xa1: {  	v1 =	vld [tilespmem:s0+$0x4220]  }
0xa2: {  	v2 =	vld [tilespmem:s0+$0x4210]  }
0xa3: {  	v3 =	vld [tilespmem:s0+$0x4200]  }
0xa4: {  	v62 =	vpop (erf)  }
0xa5: {  	v0 =	vmul.f32 v0, v62  }
0xa6: {  	v1 =	vmul.f32 v62, v1;
	[tilespmem:s0+$0x4240] =	vst v62  }
0xa7: {  	v2 =	vmul.f32 v62, v2;
	[tilespmem:s0+$0x4230] =	vst v0  }
0xa8: {  	s28 =	sadd.s32 $0x1, s28;
	v63 =	vmul.f32 v62, v3;
	[tilespmem:s0+$0x4220] =	vst v1  }
0xa9: {  	p0 =	sne.s32 s28, $0x28;
	[tilespmem:s0+$0x4210] =	vst v2  }
.Ltmp2:
0xaa: {  	[tilespmem:s0+$0x4200] =	vst v63;
	(pc) =	sbr.rel @p0 .LBB2_2-.Ltmp2, $4  }
0xab: {  	[spmem:s2] =	stream.indirect.scatter.add.f32 [tilespmem:s21], [sflag:$0x3], $0x80, s22, s16, $0xb8;
	[tilespmem:$0x1C200] =	vst v63  }
0xac: {  	_ =	swait.ge [sflag:s15], $0x2000  }
0xad: {  	[sflag:s15] =	ssyncset.done $0x0  }
0xae: {  	[sflag:s15] =	ssyncadd.s32 $0xFFFFE000  }
0xaf: {  	s26 =	sadd.s32 $0x1, s26  }
0xb0: {  	p0 =	sne.s32 s26, s13  }
.Ltmp3:
0xb1: {  	[bflag:$0x0] =	sbarrier.arrive $0xFFFF;
	(pc) =	sbr.rel @p0 .LBB2_1-.Ltmp3, $4  }
0xb2: {  	[hbm:s12], [sflag:s8] =	dma.local [spmem:s14], $0x2800  }
0xb3: {  	_ =	swait.ge [sflag:s15], $0x2800  }
0xb4: {  	[sflag:s15] =	ssyncset.done $0x0  }
0xb5: {  	[sflag:s15] =	ssyncadd.s32 $0xFFFFD800  }
0xb6: {  	_ =	sfence.sel $0x180000  }
0xb7: {  	[bflag:$0x0] =	sbarrier.arrive $0xFFFF  }
0xb8: {  	_ =	strace $0x90000050  }
0xb9: {  	s0 =	stileid.u32;
	[bflag:$0x2] =	sbarrier.arrive $0xFFFF  }
0xba: {  	p0 =	sne.s32 s0, $0x0;
	s0 =	rddreg [dreg:$0x2]  }
0xbb: {  	s0 =	sadd.s32 @!p0 $0x100000, s0  }
0xbc: {  	[sflag:s0] =	ssyncadd.tile.s32 @!p0 $0x1;
	_ =	shalt  }
.Lfunc_end2:
_tile_overlayer_lowered:
.L_overlay_start_2:
0xbd: {  	(tag) =	ssettag $0x2  }
0xbe: {  	s0 =	rddreg [dreg:$0x0];
	s2 =	stileid.u32  }
0xbf: {  	s1 =	rddreg [dreg:$0x1];
	p0 =	sne.s32 s2, $0x0  }
0xc0: {  	s3 =	rddreg [dreg:$0x2];
	[bflag:$0x3] =	sbarrier.arrive $0xFFFF;
	s2 =	simm.s32 @!p0 $0x1C03  }
0xc1: {  	[timem:s3], [sflag:s2] =	dma.local @!p0 [hbm:s0], s1  }
0xc2: {  	s0 =	simm.s32 @!p0 $0x3  }
0xc3: {  	_ =	swait.ge @!p0 [sflag:s0], s1  }
0xc4: {  	s1 =	ssub.s32 @!p0 $0x0, s1;
	[sflag:s0] =	ssyncset.done @!p0 $0x0  }
0xc5: {  	[sflag:s0] =	ssyncadd.s32 @!p0 s1  }
0xc6: {  	[bflag:$0x3] =	sbarrier.arrive $0xFFFF  }
0xc7: {  	_ =	shalt  }

</sc_bundles>
